<compile_context>
chip_gen: v7x
topology: tpu7x:2x2x1
jax: 0.10.2.dev20260603
libtpu: 0.0.44.dev20260713+nightly
codegen_flags: <defaults>
</compile_context>

<pallas_src>
import functools

import jax
import jax.numpy as jnp
from jax import lax
from jax.experimental import pallas as pl
from jax.experimental.pallas import tpu as pltpu
from jax.experimental.pallas import tpu_sc as plsc

N = 10000
E = 320000
D = 128
H = 16
NC = 2
NS = 16
L = 16
NW = NC * NS
EW = E // NW
CH = 125
NCH = EW // CH
NB = 5
NP = NS * 640
STRIPE = NP // NS
PN = N // 8
PP = NP // 8


def _sc_mesh():
    return plsc.VectorSubcoreMesh(
        core_axis_name="c", subcore_axis_name="s", num_cores=NC, num_subcores=NS
    )


def _zero_rows(ref, n):
    def body(j, _):
        ref[j, :] = jnp.zeros((L,), jnp.float32)
        return 0
    lax.fori_loop(0, n, body, 0)


def _deg_body(e3, out, dbuf, ones_v, obuf, acc, *sems):
    c = lax.axis_index("c")
    s = lax.axis_index("s")
    wid = s * NC + c
    pltpu.async_copy(e3.at[1, wid], dbuf, sems[0])

    def fill(j, _):
        ones_v[j, :] = jnp.ones((L,), jnp.float32)
        return 0
    lax.fori_loop(0, CH, fill, 0)

    _zero_rows(obuf, STRIPE)
    pltpu.sync_copy(obuf, acc.at[pl.ds(s * STRIPE, STRIPE)])
    pltpu.make_async_copy(e3.at[1, wid], dbuf, sems[0]).wait()
    plsc.subcore_barrier()

    for b in range(NB):
        pltpu.async_copy(ones_v, acc.at[dbuf.at[b]], sems[b], add=True)

    def step(j, _):
        k0 = NB * j
        for b in range(NB):
            pltpu.make_async_copy(ones_v, acc.at[dbuf.at[k0 - NB + b]], sems[b]).wait()
            pltpu.async_copy(ones_v, acc.at[dbuf.at[k0 + b]], sems[b], add=True)
        return 0
    lax.fori_loop(1, NCH // NB, step, 0)

    for b in range(NB):
        pltpu.make_async_copy(ones_v, acc.at[dbuf.at[NCH - NB + b]], sems[b]).wait()

    plsc.subcore_barrier()
    pltpu.sync_copy(acc.at[pl.ds(s * STRIPE, STRIPE)], obuf)
    pltpu.sync_copy(obuf, out.at[c, pl.ds(s * STRIPE, STRIPE)])


def _agg_body(e3, table, out, sbuf, dbuf, rows, obuf, acc, tbl, stg, *sems):
    c = lax.axis_index("c")
    s = lax.axis_index("s")
    wid = s * NC + c
    gs = sems[:NB]
    ts = sems[NB:]
    pltpu.async_copy(e3.at[0, wid], sbuf, gs[0])
    pltpu.async_copy(e3.at[1, wid], dbuf, gs[1])
    pltpu.async_copy(table.at[pl.ds(s * STRIPE, STRIPE)], stg, gs[2])
    _zero_rows(obuf, STRIPE)
    pltpu.make_async_copy(table.at[pl.ds(s * STRIPE, STRIPE)], stg, gs[2]).wait()
    pltpu.sync_copy(stg, tbl.at[pl.ds(s * STRIPE, STRIPE)])
    pltpu.sync_copy(obuf, acc.at[pl.ds(s * STRIPE, STRIPE)])
    pltpu.make_async_copy(e3.at[0, wid], sbuf, gs[0]).wait()
    pltpu.make_async_copy(e3.at[1, wid], dbuf, gs[1]).wait()
    plsc.subcore_barrier()

    def gather(k, b):
        pltpu.async_copy(tbl.at[sbuf.at[k]], rows.at[b], gs[b])

    def gwait(k, b):
        pltpu.make_async_copy(tbl.at[sbuf.at[k]], rows.at[b], gs[b]).wait()

    def scat(k, b):
        pltpu.async_copy(rows.at[b], acc.at[dbuf.at[k]], ts[b], add=True)

    def swait(k, b):
        pltpu.make_async_copy(rows.at[b], acc.at[dbuf.at[k]], ts[b]).wait()

    for b in range(NB):
        gather(b, b)

    def step(j, _):
        k0 = NB * j
        gwait(k0 + 0, 0); scat(k0 + 0, 0)
        gwait(k0 + 1, 1); scat(k0 + 1, 1)
        swait(k0 + 0, 0); gather(k0 + 5, 0)
        gwait(k0 + 2, 2); scat(k0 + 2, 2)
        swait(k0 + 1, 1); gather(k0 + 6, 1)
        gwait(k0 + 3, 3); scat(k0 + 3, 3)
        swait(k0 + 2, 2); gather(k0 + 7, 2)
        gwait(k0 + 4, 4); scat(k0 + 4, 4)
        swait(k0 + 3, 3); gather(k0 + 8, 3)
        swait(k0 + 4, 4); gather(k0 + 9, 4)
        return 0
    lax.fori_loop(0, NCH // NB - 1, step, 0)

    k0 = NCH - NB
    gwait(k0 + 0, 0); scat(k0 + 0, 0)
    gwait(k0 + 1, 1); scat(k0 + 1, 1)
    swait(k0 + 0, 0)
    gwait(k0 + 2, 2); scat(k0 + 2, 2)
    swait(k0 + 1, 1)
    gwait(k0 + 3, 3); scat(k0 + 3, 3)
    swait(k0 + 2, 2)
    gwait(k0 + 4, 4); scat(k0 + 4, 4)
    swait(k0 + 3, 3)
    swait(k0 + 4, 4)

    plsc.subcore_barrier()
    pltpu.sync_copy(acc.at[pl.ds(s * STRIPE, STRIPE)], obuf)
    pltpu.sync_copy(obuf, out.at[c, pl.ds(s * STRIPE, STRIPE)])


@functools.partial(
    pl.kernel,
    out_type=jax.ShapeDtypeStruct((NC, NP, H), jnp.float32),
    mesh=_sc_mesh(),
    compiler_params=pltpu.CompilerParams(use_tc_tiling_on_sc=False),
    scratch_types=[
        pltpu.VMEM((NCH, CH), jnp.int32),
        pltpu.VMEM((CH, H), jnp.float32),
        pltpu.VMEM((STRIPE, H), jnp.float32),
        pltpu.VMEM_SHARED((NP, H), jnp.float32),
    ] + [pltpu.SemaphoreType.DMA] * NB,
)
def _deg_call(e3, out, dbuf, ones_v, obuf, acc, *sems):
    _deg_body(e3, out, dbuf, ones_v, obuf, acc, *sems)


@functools.partial(
    pl.kernel,
    out_type=jax.ShapeDtypeStruct((NC, NP, H), jnp.float32),
    mesh=_sc_mesh(),
    compiler_params=pltpu.CompilerParams(use_tc_tiling_on_sc=False),
    scratch_types=[
        pltpu.VMEM((NCH, CH), jnp.int32),
        pltpu.VMEM((NCH, CH), jnp.int32),
        pltpu.VMEM((NB, CH, H), jnp.float32),
        pltpu.VMEM((STRIPE, H), jnp.float32),
        pltpu.VMEM_SHARED((NP, H), jnp.float32),
        pltpu.VMEM_SHARED((NP, H), jnp.float32),
        pltpu.VMEM((STRIPE, H), jnp.float32),
    ] + [pltpu.SemaphoreType.DMA] * (2 * NB),
)
def _agg_call(e3, table, out, sbuf, dbuf, rows, obuf, acc, tbl, stg, *sems):
    _agg_body(e3, table, out, sbuf, dbuf, rows, obuf, acc, tbl, stg, *sems)


def _hs_body(x_ref, w1_ref, p_ref, hs_ref, d_ref):
    d = lax.rsqrt(1.0 + p_ref[0] + p_ref[1])
    h = jnp.dot(x_ref[...], w1_ref[...], preferred_element_type=jnp.float32)
    hs = h * d[:PN]
    hs_ref[...] = jnp.concatenate(
        [hs, jnp.zeros((PP - PN, D), jnp.float32)], axis=0)
    d_ref[...] = d


def _mid_body(s_ref, hs_ref, d_ref, b1_ref, o_ref):
    d = d_ref[...]
    agg = d * (s_ref[0] + s_ref[1] + hs_ref[...]) + b1_ref[...]
    o_ref[...] = jnp.maximum(agg, 0.0) * d


def _out_body(s_ref, hs2_ref, d_ref, w2_ref, b2_ref, o_ref):
    agg = d_ref[...] * (s_ref[0] + s_ref[1] + hs2_ref[...])
    o_ref[...] = (
        jnp.dot(agg, w2_ref[...], preferred_element_type=jnp.float32)
        + b2_ref[...]
    )


def _full(*dims):
    return pl.BlockSpec(dims, lambda: tuple(0 for _ in dims))


_hs_call = pl.pallas_call(
    _hs_body,
    in_specs=[
        _full(PN, 8 * D),
        _full(8 * D, D),
        _full(NC, PP, D),
    ],
    out_specs=[_full(PP, D), _full(PP, D)],
    out_shape=[
        jax.ShapeDtypeStruct((PP, D), jnp.float32),
        jax.ShapeDtypeStruct((PP, D), jnp.float32),
    ],
)

_mid_call = pl.pallas_call(
    _mid_body,
    in_specs=[
        _full(NC, PP, D),
        _full(PP, D),
        _full(PP, D),
        _full(1, D),
    ],
    out_specs=_full(PP, D),
    out_shape=jax.ShapeDtypeStruct((PP, D), jnp.float32),
)

_out_call = pl.pallas_call(
    _out_body,
    in_specs=[
        _full(NC, PP, D),
        _full(PP, D),
        _full(PP, D),
        _full(D, 8 * D),
        _full(1, 8 * D),
    ],
    out_specs=_full(PP, 8 * D),
    out_shape=jax.ShapeDtypeStruct((PP, 8 * D), jnp.float32),
)


def kernel(x, edge_index, W1, b1, W2, b2):
    e3 = edge_index.reshape(2, NW, NCH, CH)
    xr = x.reshape(PN, 8 * D)
    w1e = jnp.kron(jnp.eye(8, dtype=jnp.float32), W1)
    w2e = jnp.kron(jnp.eye(8, dtype=jnp.float32), W2)
    b1t = jnp.tile(b1, 8).reshape(1, D)
    b2t = jnp.tile(b2, 8).reshape(1, 8 * D)
    degp = _deg_call(e3).reshape(NC, PP, D)
    hs_pk, d_pk = _hs_call(xr, w1e, degp)
    s1 = _agg_call(e3, hs_pk.reshape(NP, H)).reshape(NC, PP, D)
    hs2_pk = _mid_call(s1, hs_pk, d_pk, b1t)
    s2 = _agg_call(e3, hs2_pk.reshape(NP, H)).reshape(NC, PP, D)
    out_pk = _out_call(s2, hs2_pk, d_pk, w2e, b2t)
    return out_pk.reshape(NP, D)[:N]

# --- scband reference (transcript-rebuilt; emitter-appended) ---
"""Pipeline reference for scband-net-83124797047347 (READ-ONLY COPY).

The authoritative reference and input builder live on the scoring server;
editing this copy changes nothing except your own understanding.
"""

import jax, jax.numpy as jnp
import numpy as np

N_NODES = 10000
N_EDGES = 320000
D_FEAT = 128
HIDDEN = 16


def gcn_conv(x, edge_index, W, b):
    # Faithful GCNConv: add self-loops, symmetric deg^-1/2 normalization,
    # linear transform, scatter-add aggregation, bias.
    num_nodes = x.shape[0]
    loops = jnp.arange(num_nodes, dtype=edge_index.dtype)
    src = jnp.concatenate([edge_index[0], loops])
    dst = jnp.concatenate([edge_index[1], loops])
    deg = jnp.zeros((num_nodes,), dtype=x.dtype).at[dst].add(1.0)
    deg_inv_sqrt = jnp.where(deg > 0, jax.lax.rsqrt(jnp.maximum(deg, 1e-12)), 0.0)
    norm = deg_inv_sqrt[src] * deg_inv_sqrt[dst]
    h = x @ W
    msg = jnp.take(h, src, axis=0) * norm[:, None]
    out = jnp.zeros((num_nodes, h.shape[1]), dtype=x.dtype).at[dst].add(msg)
    return out + b


def setup_inputs(seed: int = 0) -> dict:
    key = jax.random.key(seed)
    k1, k2, k3, k4, k5, k6 = jax.random.split(key, 6)
    x = jax.random.normal(k1, (N_NODES, D_FEAT), dtype=jnp.float32)
    edge_index = jax.random.randint(k2, (2, N_EDGES), 0, N_NODES, dtype=jnp.int32)
    # GCNConv(D_FEAT, 16) and GCNConv(16, D_FEAT) parameters (glorot-ish init)
    W1 = jax.random.normal(k3, (D_FEAT, HIDDEN), dtype=jnp.float32) * (1.0 / np.sqrt(D_FEAT))
    b1 = jnp.zeros((HIDDEN,), dtype=jnp.float32)
    W2 = jax.random.normal(k4, (HIDDEN, D_FEAT), dtype=jnp.float32) * (1.0 / np.sqrt(HIDDEN))
    b2 = jnp.zeros((D_FEAT,), dtype=jnp.float32)
    return {"x": x, "edge_index": edge_index, "W1": W1, "b1": b1, "W2": W2, "b2": b2}


def reference(x, edge_index, W1, b1, W2, b2):
    h = gcn_conv(x, edge_index, W1, b1)
    h = jax.nn.relu(h)
    out = gcn_conv(h, edge_index, W2, b2)
    return out

if __name__ == "__main__":
    import jax
    _d = setup_inputs()
    print(jax.jit(kernel)(*tuple(_d.values())))

</pallas_src>

<mosaic_0001>
#map = affine_map<(d0, d1) -> (0, 0, 0, 0)>
#map1 = affine_map<(d0, d1) -> (0, 0)>
#map2 = affine_map<(d0, d1) -> (0, 0, 0)>
module attributes {stable_mosaic.version = 14 : i64} {
  func.func @_agg_call(%arg0: i32, %arg1: i32, %arg2: memref<2x32x80x125xi32, #tpu.memory_space<hbm>>, %arg3: memref<10240x16xf32, #tpu.memory_space<hbm>>, %arg4: memref<2x10240x16xf32, #tpu.memory_space<hbm>>, %arg5: memref<80x125xi32, #tpu.memory_space<vmem>>, %arg6: memref<80x125xi32, #tpu.memory_space<vmem>>, %arg7: memref<5x125x16xf32, #tpu.memory_space<vmem>>, %arg8: memref<640x16xf32, #tpu.memory_space<vmem>>, %arg9: memref<10240x16xf32, #tpu.memory_space<vmem_shared>>, %arg10: memref<10240x16xf32, #tpu.memory_space<vmem_shared>>, %arg11: memref<640x16xf32, #tpu.memory_space<vmem>>, %arg12: memref<!tpu.dma_semaphore, #tpu.memory_space<semaphore_mem>>, %arg13: memref<!tpu.dma_semaphore, #tpu.memory_space<semaphore_mem>>, %arg14: memref<!tpu.dma_semaphore, #tpu.memory_space<semaphore_mem>>, %arg15: memref<!tpu.dma_semaphore, #tpu.memory_space<semaphore_mem>>, %arg16: memref<!tpu.dma_semaphore, #tpu.memory_space<semaphore_mem>>, %arg17: memref<!tpu.dma_semaphore, #tpu.memory_space<semaphore_mem>>, %arg18: memref<!tpu.dma_semaphore, #tpu.memory_space<semaphore_mem>>, %arg19: memref<!tpu.dma_semaphore, #tpu.memory_space<semaphore_mem>>, %arg20: memref<!tpu.dma_semaphore, #tpu.memory_space<semaphore_mem>>, %arg21: memref<!tpu.dma_semaphore, #tpu.memory_space<semaphore_mem>>) attributes {dimension_semantics = [#tpu.dimension_semantics<core_parallel>, #tpu.dimension_semantics<subcore_parallel>], iteration_bounds = array<i64: 2, 16>, scalar_prefetch = 0 : i64, scratch_operands = 17 : i64, tpu.core_type = #tpu.core_type<sc_vector_subcore>, window_params = [{transform_indices = #map}, {transform_indices = #map1}, {transform_indices = #map2}]} {
    %mul3A = arith.constant 2 : i32
    %mul3A_0 = arith.muli %arg1, %mul3A : i32
    %add3A = arith.addi %mul3A_0, %arg0 : i32
    %dma_start3A = arith.constant 0 : i32
    %dma_start3A_1 = arith.constant 0 : i32
    %dma_start3A_2 = arith.constant 0 : i32
    %dma_start3A_3 = tpu.memref_slice %arg2[%dma_start3A, %add3A, %dma_start3A_1, %dma_start3A_2] : memref<2x32x80x125xi32, #tpu.memory_space<hbm>> -> memref<1x1x80x125xi32, #tpu.memory_space<hbm>>
    %dma_start3A_4 = tpu.memref_squeeze %dma_start3A_3 : memref<1x1x80x125xi32, #tpu.memory_space<hbm>> -> memref<80x125xi32, #tpu.memory_space<hbm>>
    %dma_start3A_5 = arith.constant 0 : i32
    %dma_start3A_6 = arith.constant 0 : i32
    %dma_start3A_7 = tpu.memref_slice %arg2[%dma_start3A, %add3A, %dma_start3A_5, %dma_start3A_6] : memref<2x32x80x125xi32, #tpu.memory_space<hbm>> -> memref<1x1x80x125xi32, #tpu.memory_space<hbm>>
    %dma_start3A_8 = tpu.memref_squeeze %dma_start3A_7 : memref<1x1x80x125xi32, #tpu.memory_space<hbm>> -> memref<80x125xi32, #tpu.memory_space<hbm>>
    tpu.enqueue_dma source(%dma_start3A_8 : memref<80x125xi32, #tpu.memory_space<hbm>>) target(%arg5 : memref<80x125xi32, #tpu.memory_space<vmem>>) target_semaphore(%arg12 : memref<!tpu.dma_semaphore, #tpu.memory_space<semaphore_mem>>)
    %dma_start3A_9 = arith.constant 1 : i32
    %dma_start3A_10 = arith.constant 0 : i32
    %dma_start3A_11 = arith.constant 0 : i32
    %dma_start3A_12 = tpu.memref_slice %arg2[%dma_start3A_9, %add3A, %dma_start3A_10, %dma_start3A_11] : memref<2x32x80x125xi32, #tpu.memory_space<hbm>> -> memref<1x1x80x125xi32, #tpu.memory_space<hbm>>
    %dma_start3A_13 = tpu.memref_squeeze %dma_start3A_12 : memref<1x1x80x125xi32, #tpu.memory_space<hbm>> -> memref<80x125xi32, #tpu.memory_space<hbm>>
    %dma_start3A_14 = arith.constant 0 : i32
    %dma_start3A_15 = arith.constant 0 : i32
    %dma_start3A_16 = tpu.memref_slice %arg2[%dma_start3A_9, %add3A, %dma_start3A_14, %dma_start3A_15] : memref<2x32x80x125xi32, #tpu.memory_space<hbm>> -> memref<1x1x80x125xi32, #tpu.memory_space<hbm>>
    %dma_start3A_17 = tpu.memref_squeeze %dma_start3A_16 : memref<1x1x80x125xi32, #tpu.memory_space<hbm>> -> memref<80x125xi32, #tpu.memory_space<hbm>>
    tpu.enqueue_dma source(%dma_start3A_17 : memref<80x125xi32, #tpu.memory_space<hbm>>) target(%arg6 : memref<80x125xi32, #tpu.memory_space<vmem>>) target_semaphore(%arg13 : memref<!tpu.dma_semaphore, #tpu.memory_space<semaphore_mem>>)
    %mul3A_18 = arith.constant 640 : i32
    %mul3A_19 = arith.muli %arg1, %mul3A_18 : i32
    %dma_start3A_20 = arith.constant 0 : i32
    %dma_start3A_21 = tpu.memref_slice %arg3[%mul3A_19, %dma_start3A_20] : memref<10240x16xf32, #tpu.memory_space<hbm>> -> memref<640x16xf32, #tpu.memory_space<hbm>>
    %dma_start3A_22 = arith.constant 0 : i32
    %dma_start3A_23 = tpu.memref_slice %arg3[%mul3A_19, %dma_start3A_22] : memref<10240x16xf32, #tpu.memory_space<hbm>> -> memref<640x16xf32, #tpu.memory_space<hbm>>
    tpu.enqueue_dma source(%dma_start3A_23 : memref<640x16xf32, #tpu.memory_space<hbm>>) target(%arg11 : memref<640x16xf32, #tpu.memory_space<vmem>>) target_semaphore(%arg14 : memref<!tpu.dma_semaphore, #tpu.memory_space<semaphore_mem>>)
    %scan3A = arith.constant 0 : i32
    %scan3A_24 = arith.constant 0 : i32
    %scan3A_25 = arith.constant 640 : i32
    %scan3A_26 = arith.addi %scan3A_24, %scan3A_25 : i32
    %scan3A_27 = arith.constant 1 : i32
    %scan3A_28 = scf.for %scan3A_309 = %scan3A_24 to %scan3A_26 step %scan3A_27 iter_args(%scan3A_310 = %scan3A) -> (i32)  : i32 {
      %broadcast_in_dim3A = arith.constant 0.000000e+00 : f32
      %broadcast_in_dim3A_311 = vector.broadcast %broadcast_in_dim3A : f32 to vector<16xf32>
      %swap3A = arith.index_cast %scan3A_309 : i32 to index
      %swap3A_312 = arith.constant 0 : index
      %swap3A_313 = tpu.vector_load %arg8[%swap3A, %swap3A_312] {strides = array<i32>} : memref<640x16xf32, #tpu.memory_space<vmem>>, vector<1x16xf32>,
      %swap3A_314 = vector.shape_cast %swap3A_313 : vector<1x16xf32> to vector<16xf32>
      %swap3A_315 = vector.shape_cast %broadcast_in_dim3A_311 : vector<16xf32> to vector<1x16xf32>
      tpu.vector_store %arg8[%swap3A, %swap3A_312], %swap3A_315 {strides = array<i32>} : memref<640x16xf32, #tpu.memory_space<vmem>>, vector<1x16xf32>,
      %scan3A_316 = arith.constant 0 : i32
      scf.yield %scan3A_316 : i32
    }
    %scan3A_29 = arith.constant 640 : i32
    %mul3A_30 = arith.constant 640 : i32
    %mul3A_31 = arith.muli %arg1, %mul3A_30 : i32
    %dma_wait3A = arith.constant 0 : i32
    %dma_wait3A_32 = tpu.memref_slice %arg3[%mul3A_31, %dma_wait3A] : memref<10240x16xf32, #tpu.memory_space<hbm>> -> memref<640x16xf32, #tpu.memory_space<hbm>>
    %dma_wait3A_33 = arith.constant 0 : i32
    %dma_wait3A_34 = tpu.memref_slice %arg3[%mul3A_31, %dma_wait3A_33] : memref<10240x16xf32, #tpu.memory_space<hbm>> -> memref<640x16xf32, #tpu.memory_space<hbm>>
    tpu.wait_dma2 semaphore(%arg14 : memref<!tpu.dma_semaphore, #tpu.memory_space<semaphore_mem>>) src(%dma_wait3A_34 : memref<640x16xf32, #tpu.memory_space<hbm>>) dst(%arg11 : memref<640x16xf32, #tpu.memory_space<vmem>>)
    %mul3A_35 = arith.constant 640 : i32
    %mul3A_36 = arith.muli %arg1, %mul3A_35 : i32
    "tpu.region"() ({
      %run_scoped3A = tpu.sem_alloc : memref<!tpu.dma_semaphore, #tpu.memory_space<semaphore_mem>>
      %dma_start3A_309 = arith.constant 0 : i32
      %dma_start3A_310 = tpu.memref_slice %arg10[%mul3A_36, %dma_start3A_309] : memref<10240x16xf32, #tpu.memory_space<vmem_shared>> -> memref<640x16xf32, #tpu.memory_space<vmem_shared>>
      %dma_start3A_311 = arith.constant 0 : i32
      %dma_start3A_312 = tpu.memref_slice %arg10[%mul3A_36, %dma_start3A_311] : memref<10240x16xf32, #tpu.memory_space<vmem_shared>> -> memref<640x16xf32, #tpu.memory_space<vmem_shared>>
      tpu.enqueue_dma source(%arg11 : memref<640x16xf32, #tpu.memory_space<vmem>>) target(%dma_start3A_312 : memref<640x16xf32, #tpu.memory_space<vmem_shared>>) target_semaphore(%run_scoped3A : memref<!tpu.dma_semaphore, #tpu.memory_space<semaphore_mem>>)
      %dma_wait3A_313 = arith.constant 0 : i32
      %dma_wait3A_314 = tpu.memref_slice %arg10[%mul3A_36, %dma_wait3A_313] : memref<10240x16xf32, #tpu.memory_space<vmem_shared>> -> memref<640x16xf32, #tpu.memory_space<vmem_shared>>
      %dma_wait3A_315 = arith.constant 0 : i32
      %dma_wait3A_316 = tpu.memref_slice %arg10[%mul3A_36, %dma_wait3A_315] : memref<10240x16xf32, #tpu.memory_space<vmem_shared>> -> memref<640x16xf32, #tpu.memory_space<vmem_shared>>
      tpu.wait_dma2 semaphore(%run_scoped3A : memref<!tpu.dma_semaphore, #tpu.memory_space<semaphore_mem>>) src(%arg11 : memref<640x16xf32, #tpu.memory_space<vmem>>) dst(%dma_wait3A_316 : memref<640x16xf32, #tpu.memory_space<vmem_shared>>)
      tpu.yield
    }) : () -> ()
    %mul3A_37 = arith.constant 640 : i32
    %mul3A_38 = arith.muli %arg1, %mul3A_37 : i32
    "tpu.region"() ({
      %run_scoped3A = tpu.sem_alloc : memref<!tpu.dma_semaphore, #tpu.memory_space<semaphore_mem>>
      %dma_start3A_309 = arith.constant 0 : i32
      %dma_start3A_310 = tpu.memref_slice %arg9[%mul3A_38, %dma_start3A_309] : memref<10240x16xf32, #tpu.memory_space<vmem_shared>> -> memref<640x16xf32, #tpu.memory_space<vmem_shared>>
      %dma_start3A_311 = arith.constant 0 : i32
      %dma_start3A_312 = tpu.memref_slice %arg9[%mul3A_38, %dma_start3A_311] : memref<10240x16xf32, #tpu.memory_space<vmem_shared>> -> memref<640x16xf32, #tpu.memory_space<vmem_shared>>
      tpu.enqueue_dma source(%arg8 : memref<640x16xf32, #tpu.memory_space<vmem>>) target(%dma_start3A_312 : memref<640x16xf32, #tpu.memory_space<vmem_shared>>) target_semaphore(%run_scoped3A : memref<!tpu.dma_semaphore, #tpu.memory_space<semaphore_mem>>)
      %dma_wait3A_313 = arith.constant 0 : i32
      %dma_wait3A_314 = tpu.memref_slice %arg9[%mul3A_38, %dma_wait3A_313] : memref<10240x16xf32, #tpu.memory_space<vmem_shared>> -> memref<640x16xf32, #tpu.memory_space<vmem_shared>>
      %dma_wait3A_315 = arith.constant 0 : i32
      %dma_wait3A_316 = tpu.memref_slice %arg9[%mul3A_38, %dma_wait3A_315] : memref<10240x16xf32, #tpu.memory_space<vmem_shared>> -> memref<640x16xf32, #tpu.memory_space<vmem_shared>>
      tpu.wait_dma2 semaphore(%run_scoped3A : memref<!tpu.dma_semaphore, #tpu.memory_space<semaphore_mem>>) src(%arg8 : memref<640x16xf32, #tpu.memory_space<vmem>>) dst(%dma_wait3A_316 : memref<640x16xf32, #tpu.memory_space<vmem_shared>>)
      tpu.yield
    }) : () -> ()
    %dma_wait3A_39 = arith.constant 0 : i32
    %dma_wait3A_40 = arith.constant 0 : i32
    %dma_wait3A_41 = arith.constant 0 : i32
    %dma_wait3A_42 = tpu.memref_slice %arg2[%dma_wait3A_39, %add3A, %dma_wait3A_40, %dma_wait3A_41] : memref<2x32x80x125xi32, #tpu.memory_space<hbm>> -> memref<1x1x80x125xi32, #tpu.memory_space<hbm>>
    %dma_wait3A_43 = tpu.memref_squeeze %dma_wait3A_42 : memref<1x1x80x125xi32, #tpu.memory_space<hbm>> -> memref<80x125xi32, #tpu.memory_space<hbm>>
    %dma_wait3A_44 = arith.constant 0 : i32
    %dma_wait3A_45 = arith.constant 0 : i32
    %dma_wait3A_46 = tpu.memref_slice %arg2[%dma_wait3A_39, %add3A, %dma_wait3A_44, %dma_wait3A_45] : memref<2x32x80x125xi32, #tpu.memory_space<hbm>> -> memref<1x1x80x125xi32, #tpu.memory_space<hbm>>
    %dma_wait3A_47 = tpu.memref_squeeze %dma_wait3A_46 : memref<1x1x80x125xi32, #tpu.memory_space<hbm>> -> memref<80x125xi32, #tpu.memory_space<hbm>>
    tpu.wait_dma2 semaphore(%arg12 : memref<!tpu.dma_semaphore, #tpu.memory_space<semaphore_mem>>) src(%dma_wait3A_47 : memref<80x125xi32, #tpu.memory_space<hbm>>) dst(%arg5 : memref<80x125xi32, #tpu.memory_space<vmem>>)
    %dma_wait3A_48 = arith.constant 1 : i32
    %dma_wait3A_49 = arith.constant 0 : i32
    %dma_wait3A_50 = arith.constant 0 : i32
    %dma_wait3A_51 = tpu.memref_slice %arg2[%dma_wait3A_48, %add3A, %dma_wait3A_49, %dma_wait3A_50] : memref<2x32x80x125xi32, #tpu.memory_space<hbm>> -> memref<1x1x80x125xi32, #tpu.memory_space<hbm>>
    %dma_wait3A_52 = tpu.memref_squeeze %dma_wait3A_51 : memref<1x1x80x125xi32, #tpu.memory_space<hbm>> -> memref<80x125xi32, #tpu.memory_space<hbm>>
    %dma_wait3A_53 = arith.constant 0 : i32
    %dma_wait3A_54 = arith.constant 0 : i32
    %dma_wait3A_55 = tpu.memref_slice %arg2[%dma_wait3A_48, %add3A, %dma_wait3A_53, %dma_wait3A_54] : memref<2x32x80x125xi32, #tpu.memory_space<hbm>> -> memref<1x1x80x125xi32, #tpu.memory_space<hbm>>
    %dma_wait3A_56 = tpu.memref_squeeze %dma_wait3A_55 : memref<1x1x80x125xi32, #tpu.memory_space<hbm>> -> memref<80x125xi32, #tpu.memory_space<hbm>>
    tpu.wait_dma2 semaphore(%arg13 : memref<!tpu.dma_semaphore, #tpu.memory_space<semaphore_mem>>) src(%dma_wait3A_56 : memref<80x125xi32, #tpu.memory_space<hbm>>) dst(%arg6 : memref<80x125xi32, #tpu.memory_space<vmem>>)
    %barrier3A = arith.constant 0 : index
    tpu.barrier barrier_id(%barrier3A)
    %dma_start3A_57 = arith.constant 0 : i32
    %dma_start3A_58 = arith.constant 0 : i32
    %dma_start3A_59 = arith.constant 0 : i32
    %dma_start3A_60 = arith.constant 0 : i32
    %dma_start3A_61 = tpu.memref_slice %arg7[%dma_start3A_58, %dma_start3A_59, %dma_start3A_60] : memref<5x125x16xf32, #tpu.memory_space<vmem>> -> memref<1x125x16xf32, #tpu.memory_space<vmem>>
    %dma_start3A_62 = tpu.memref_squeeze %dma_start3A_61 : memref<1x125x16xf32, #tpu.memory_space<vmem>> -> memref<125x16xf32, #tpu.memory_space<vmem>>
    %dma_start3A_63 = arith.constant 0 : i32
    %dma_start3A_64 = tpu.memref_slice %arg5[%dma_start3A_57, %dma_start3A_63] : memref<80x125xi32, #tpu.memory_space<vmem>> -> memref<1x125xi32, #tpu.memory_space<vmem>>
    %dma_start3A_65 = tpu.memref_squeeze %dma_start3A_64 : memref<1x125xi32, #tpu.memory_space<vmem>> -> memref<125xi32, #tpu.memory_space<vmem>>
    %dma_start3A_66 = arith.constant 0 : i32
    %dma_start3A_67 = arith.constant 0 : i32
    %dma_start3A_68 = tpu.memref_slice %arg10[%dma_start3A_66, %dma_start3A_67] : memref<10240x16xf32, #tpu.memory_space<vmem_shared>> -> memref<10240x16xf32, #tpu.memory_space<vmem_shared>>
    tpu.enqueue_indirect_dma source(%dma_start3A_68 : memref<10240x16xf32, #tpu.memory_space<vmem_shared>>) target(%dma_start3A_62 : memref<125x16xf32, #tpu.memory_space<vmem>>) offsets(%dma_start3A_65 : memref<125xi32, #tpu.memory_space<vmem>>) semaphore(%arg12 : memref<!tpu.dma_semaphore, #tpu.memory_space<semaphore_mem>>)
    %dma_start3A_69 = arith.constant 1 : i32
    %dma_start3A_70 = arith.constant 1 : i32
    %dma_start3A_71 = arith.constant 0 : i32
    %dma_start3A_72 = arith.constant 0 : i32
    %dma_start3A_73 = tpu.memref_slice %arg7[%dma_start3A_70, %dma_start3A_71, %dma_start3A_72] : memref<5x125x16xf32, #tpu.memory_space<vmem>> -> memref<1x125x16xf32, #tpu.memory_space<vmem>>
    %dma_start3A_74 = tpu.memref_squeeze %dma_start3A_73 : memref<1x125x16xf32, #tpu.memory_space<vmem>> -> memref<125x16xf32, #tpu.memory_space<vmem>>
    %dma_start3A_75 = arith.constant 0 : i32
    %dma_start3A_76 = tpu.memref_slice %arg5[%dma_start3A_69, %dma_start3A_75] : memref<80x125xi32, #tpu.memory_space<vmem>> -> memref<1x125xi32, #tpu.memory_space<vmem>>
    %dma_start3A_77 = tpu.memref_squeeze %dma_start3A_76 : memref<1x125xi32, #tpu.memory_space<vmem>> -> memref<125xi32, #tpu.memory_space<vmem>>
    %dma_start3A_78 = arith.constant 0 : i32
    %dma_start3A_79 = arith.constant 0 : i32
    %dma_start3A_80 = tpu.memref_slice %arg10[%dma_start3A_78, %dma_start3A_79] : memref<10240x16xf32, #tpu.memory_space<vmem_shared>> -> memref<10240x16xf32, #tpu.memory_space<vmem_shared>>
    tpu.enqueue_indirect_dma source(%dma_start3A_80 : memref<10240x16xf32, #tpu.memory_space<vmem_shared>>) target(%dma_start3A_74 : memref<125x16xf32, #tpu.memory_space<vmem>>) offsets(%dma_start3A_77 : memref<125xi32, #tpu.memory_space<vmem>>) semaphore(%arg13 : memref<!tpu.dma_semaphore, #tpu.memory_space<semaphore_mem>>)
    %dma_start3A_81 = arith.constant 2 : i32
    %dma_start3A_82 = arith.constant 2 : i32
    %dma_start3A_83 = arith.constant 0 : i32
    %dma_start3A_84 = arith.constant 0 : i32
    %dma_start3A_85 = tpu.memref_slice %arg7[%dma_start3A_82, %dma_start3A_83, %dma_start3A_84] : memref<5x125x16xf32, #tpu.memory_space<vmem>> -> memref<1x125x16xf32, #tpu.memory_space<vmem>>
    %dma_start3A_86 = tpu.memref_squeeze %dma_start3A_85 : memref<1x125x16xf32, #tpu.memory_space<vmem>> -> memref<125x16xf32, #tpu.memory_space<vmem>>
    %dma_start3A_87 = arith.constant 0 : i32
    %dma_start3A_88 = tpu.memref_slice %arg5[%dma_start3A_81, %dma_start3A_87] : memref<80x125xi32, #tpu.memory_space<vmem>> -> memref<1x125xi32, #tpu.memory_space<vmem>>
    %dma_start3A_89 = tpu.memref_squeeze %dma_start3A_88 : memref<1x125xi32, #tpu.memory_space<vmem>> -> memref<125xi32, #tpu.memory_space<vmem>>
    %dma_start3A_90 = arith.constant 0 : i32
    %dma_start3A_91 = arith.constant 0 : i32
    %dma_start3A_92 = tpu.memref_slice %arg10[%dma_start3A_90, %dma_start3A_91] : memref<10240x16xf32, #tpu.memory_space<vmem_shared>> -> memref<10240x16xf32, #tpu.memory_space<vmem_shared>>
    tpu.enqueue_indirect_dma source(%dma_start3A_92 : memref<10240x16xf32, #tpu.memory_space<vmem_shared>>) target(%dma_start3A_86 : memref<125x16xf32, #tpu.memory_space<vmem>>) offsets(%dma_start3A_89 : memref<125xi32, #tpu.memory_space<vmem>>) semaphore(%arg14 : memref<!tpu.dma_semaphore, #tpu.memory_space<semaphore_mem>>)
    %dma_start3A_93 = arith.constant 3 : i32
    %dma_start3A_94 = arith.constant 3 : i32
    %dma_start3A_95 = arith.constant 0 : i32
    %dma_start3A_96 = arith.constant 0 : i32
    %dma_start3A_97 = tpu.memref_slice %arg7[%dma_start3A_94, %dma_start3A_95, %dma_start3A_96] : memref<5x125x16xf32, #tpu.memory_space<vmem>> -> memref<1x125x16xf32, #tpu.memory_space<vmem>>
    %dma_start3A_98 = tpu.memref_squeeze %dma_start3A_97 : memref<1x125x16xf32, #tpu.memory_space<vmem>> -> memref<125x16xf32, #tpu.memory_space<vmem>>
    %dma_start3A_99 = arith.constant 0 : i32
    %dma_start3A_100 = tpu.memref_slice %arg5[%dma_start3A_93, %dma_start3A_99] : memref<80x125xi32, #tpu.memory_space<vmem>> -> memref<1x125xi32, #tpu.memory_space<vmem>>
    %dma_start3A_101 = tpu.memref_squeeze %dma_start3A_100 : memref<1x125xi32, #tpu.memory_space<vmem>> -> memref<125xi32, #tpu.memory_space<vmem>>
    %dma_start3A_102 = arith.constant 0 : i32
    %dma_start3A_103 = arith.constant 0 : i32
    %dma_start3A_104 = tpu.memref_slice %arg10[%dma_start3A_102, %dma_start3A_103] : memref<10240x16xf32, #tpu.memory_space<vmem_shared>> -> memref<10240x16xf32, #tpu.memory_space<vmem_shared>>
    tpu.enqueue_indirect_dma source(%dma_start3A_104 : memref<10240x16xf32, #tpu.memory_space<vmem_shared>>) target(%dma_start3A_98 : memref<125x16xf32, #tpu.memory_space<vmem>>) offsets(%dma_start3A_101 : memref<125xi32, #tpu.memory_space<vmem>>) semaphore(%arg15 : memref<!tpu.dma_semaphore, #tpu.memory_space<semaphore_mem>>)
    %dma_start3A_105 = arith.constant 4 : i32
    %dma_start3A_106 = arith.constant 4 : i32
    %dma_start3A_107 = arith.constant 0 : i32
    %dma_start3A_108 = arith.constant 0 : i32
    %dma_start3A_109 = tpu.memref_slice %arg7[%dma_start3A_106, %dma_start3A_107, %dma_start3A_108] : memref<5x125x16xf32, #tpu.memory_space<vmem>> -> memref<1x125x16xf32, #tpu.memory_space<vmem>>
    %dma_start3A_110 = tpu.memref_squeeze %dma_start3A_109 : memref<1x125x16xf32, #tpu.memory_space<vmem>> -> memref<125x16xf32, #tpu.memory_space<vmem>>
    %dma_start3A_111 = arith.constant 0 : i32
    %dma_start3A_112 = tpu.memref_slice %arg5[%dma_start3A_105, %dma_start3A_111] : memref<80x125xi32, #tpu.memory_space<vmem>> -> memref<1x125xi32, #tpu.memory_space<vmem>>
    %dma_start3A_113 = tpu.memref_squeeze %dma_start3A_112 : memref<1x125xi32, #tpu.memory_space<vmem>> -> memref<125xi32, #tpu.memory_space<vmem>>
    %dma_start3A_114 = arith.constant 0 : i32
    %dma_start3A_115 = arith.constant 0 : i32
    %dma_start3A_116 = tpu.memref_slice %arg10[%dma_start3A_114, %dma_start3A_115] : memref<10240x16xf32, #tpu.memory_space<vmem_shared>> -> memref<10240x16xf32, #tpu.memory_space<vmem_shared>>
    tpu.enqueue_indirect_dma source(%dma_start3A_116 : memref<10240x16xf32, #tpu.memory_space<vmem_shared>>) target(%dma_start3A_110 : memref<125x16xf32, #tpu.memory_space<vmem>>) offsets(%dma_start3A_113 : memref<125xi32, #tpu.memory_space<vmem>>) semaphore(%arg16 : memref<!tpu.dma_semaphore, #tpu.memory_space<semaphore_mem>>)
    %scan3A_117 = arith.constant 0 : i32
    %scan3A_118 = arith.constant 0 : i32
    %scan3A_119 = arith.constant 15 : i32
    %scan3A_120 = arith.addi %scan3A_118, %scan3A_119 : i32
    %scan3A_121 = arith.constant 1 : i32
    %scan3A_122 = scf.for %scan3A_309 = %scan3A_118 to %scan3A_120 step %scan3A_121 iter_args(%scan3A_310 = %scan3A_117) -> (i32)  : i32 {
      %mul3A_311 = arith.constant 5 : i32
      %mul3A_312 = arith.muli %mul3A_311, %scan3A_309 : i32
      %add3A_313 = arith.constant 0 : i32
      %add3A_314 = arith.addi %mul3A_312, %add3A_313 : i32
      %dma_wait3A_315 = arith.constant 0 : i32
      %dma_wait3A_316 = arith.constant 0 : i32
      %dma_wait3A_317 = arith.constant 0 : i32
      %dma_wait3A_318 = tpu.memref_slice %arg7[%dma_wait3A_315, %dma_wait3A_316, %dma_wait3A_317] : memref<5x125x16xf32, #tpu.memory_space<vmem>> -> memref<1x125x16xf32, #tpu.memory_space<vmem>>
      %dma_wait3A_319 = tpu.memref_squeeze %dma_wait3A_318 : memref<1x125x16xf32, #tpu.memory_space<vmem>> -> memref<125x16xf32, #tpu.memory_space<vmem>>
      %dma_wait3A_320 = arith.constant 0 : i32
      %dma_wait3A_321 = tpu.memref_slice %arg5[%add3A_314, %dma_wait3A_320] : memref<80x125xi32, #tpu.memory_space<vmem>> -> memref<1x125xi32, #tpu.memory_space<vmem>>
      %dma_wait3A_322 = tpu.memref_squeeze %dma_wait3A_321 : memref<1x125xi32, #tpu.memory_space<vmem>> -> memref<125xi32, #tpu.memory_space<vmem>>
      %dma_wait3A_323 = arith.constant 0 : i32
      %dma_wait3A_324 = arith.constant 0 : i32
      %dma_wait3A_325 = tpu.memref_slice %arg10[%dma_wait3A_323, %dma_wait3A_324] : memref<10240x16xf32, #tpu.memory_space<vmem_shared>> -> memref<10240x16xf32, #tpu.memory_space<vmem_shared>>
      tpu.wait_indirect_dma semaphore(%arg12 : memref<!tpu.dma_semaphore, #tpu.memory_space<semaphore_mem>>) src(%dma_wait3A_325 : memref<10240x16xf32, #tpu.memory_space<vmem_shared>>) dst(%dma_wait3A_319 : memref<125x16xf32, #tpu.memory_space<vmem>>)
      %add3A_326 = arith.constant 0 : i32
      %add3A_327 = arith.addi %mul3A_312, %add3A_326 : i32
      %dma_start3A_328 = arith.constant 0 : i32
      %dma_start3A_329 = arith.constant 0 : i32
      %dma_start3A_330 = arith.constant 0 : i32
      %dma_start3A_331 = tpu.memref_slice %arg7[%dma_start3A_328, %dma_start3A_329, %dma_start3A_330] : memref<5x125x16xf32, #tpu.memory_space<vmem>> -> memref<1x125x16xf32, #tpu.memory_space<vmem>>
      %dma_start3A_332 = tpu.memref_squeeze %dma_start3A_331 : memref<1x125x16xf32, #tpu.memory_space<vmem>> -> memref<125x16xf32, #tpu.memory_space<vmem>>
      %dma_start3A_333 = arith.constant 0 : i32
      %dma_start3A_334 = tpu.memref_slice %arg6[%add3A_327, %dma_start3A_333] : memref<80x125xi32, #tpu.memory_space<vmem>> -> memref<1x125xi32, #tpu.memory_space<vmem>>
      %dma_start3A_335 = tpu.memref_squeeze %dma_start3A_334 : memref<1x125xi32, #tpu.memory_space<vmem>> -> memref<125xi32, #tpu.memory_space<vmem>>
      %dma_start3A_336 = arith.constant 0 : i32
      %dma_start3A_337 = arith.constant 0 : i32
      %dma_start3A_338 = tpu.memref_slice %arg9[%dma_start3A_336, %dma_start3A_337] : memref<10240x16xf32, #tpu.memory_space<vmem_shared>> -> memref<10240x16xf32, #tpu.memory_space<vmem_shared>>
      tpu.enqueue_indirect_dma source(%dma_start3A_332 : memref<125x16xf32, #tpu.memory_space<vmem>>) target(%dma_start3A_338 : memref<10240x16xf32, #tpu.memory_space<vmem_shared>>) offsets(%dma_start3A_335 : memref<125xi32, #tpu.memory_space<vmem>>) semaphore(%arg17 : memref<!tpu.dma_semaphore, #tpu.memory_space<semaphore_mem>>) {add = true}
      %add3A_339 = arith.constant 1 : i32
      %add3A_340 = arith.addi %mul3A_312, %add3A_339 : i32
      %dma_wait3A_341 = arith.constant 1 : i32
      %dma_wait3A_342 = arith.constant 0 : i32
      %dma_wait3A_343 = arith.constant 0 : i32
      %dma_wait3A_344 = tpu.memref_slice %arg7[%dma_wait3A_341, %dma_wait3A_342, %dma_wait3A_343] : memref<5x125x16xf32, #tpu.memory_space<vmem>> -> memref<1x125x16xf32, #tpu.memory_space<vmem>>
      %dma_wait3A_345 = tpu.memref_squeeze %dma_wait3A_344 : memref<1x125x16xf32, #tpu.memory_space<vmem>> -> memref<125x16xf32, #tpu.memory_space<vmem>>
      %dma_wait3A_346 = arith.constant 0 : i32
      %dma_wait3A_347 = tpu.memref_slice %arg5[%add3A_340, %dma_wait3A_346] : memref<80x125xi32, #tpu.memory_space<vmem>> -> memref<1x125xi32, #tpu.memory_space<vmem>>
      %dma_wait3A_348 = tpu.memref_squeeze %dma_wait3A_347 : memref<1x125xi32, #tpu.memory_space<vmem>> -> memref<125xi32, #tpu.memory_space<vmem>>
      %dma_wait3A_349 = arith.constant 0 : i32
      %dma_wait3A_350 = arith.constant 0 : i32
      %dma_wait3A_351 = tpu.memref_slice %arg10[%dma_wait3A_349, %dma_wait3A_350] : memref<10240x16xf32, #tpu.memory_space<vmem_shared>> -> memref<10240x16xf32, #tpu.memory_space<vmem_shared>>
      tpu.wait_indirect_dma semaphore(%arg13 : memref<!tpu.dma_semaphore, #tpu.memory_space<semaphore_mem>>) src(%dma_wait3A_351 : memref<10240x16xf32, #tpu.memory_space<vmem_shared>>) dst(%dma_wait3A_345 : memref<125x16xf32, #tpu.memory_space<vmem>>)
      %add3A_352 = arith.constant 1 : i32
      %add3A_353 = arith.addi %mul3A_312, %add3A_352 : i32
      %dma_start3A_354 = arith.constant 1 : i32
      %dma_start3A_355 = arith.constant 0 : i32
      %dma_start3A_356 = arith.constant 0 : i32
      %dma_start3A_357 = tpu.memref_slice %arg7[%dma_start3A_354, %dma_start3A_355, %dma_start3A_356] : memref<5x125x16xf32, #tpu.memory_space<vmem>> -> memref<1x125x16xf32, #tpu.memory_space<vmem>>
      %dma_start3A_358 = tpu.memref_squeeze %dma_start3A_357 : memref<1x125x16xf32, #tpu.memory_space<vmem>> -> memref<125x16xf32, #tpu.memory_space<vmem>>
      %dma_start3A_359 = arith.constant 0 : i32
      %dma_start3A_360 = tpu.memref_slice %arg6[%add3A_353, %dma_start3A_359] : memref<80x125xi32, #tpu.memory_space<vmem>> -> memref<1x125xi32, #tpu.memory_space<vmem>>
      %dma_start3A_361 = tpu.memref_squeeze %dma_start3A_360 : memref<1x125xi32, #tpu.memory_space<vmem>> -> memref<125xi32, #tpu.memory_space<vmem>>
      %dma_start3A_362 = arith.constant 0 : i32
      %dma_start3A_363 = arith.constant 0 : i32
      %dma_start3A_364 = tpu.memref_slice %arg9[%dma_start3A_362, %dma_start3A_363] : memref<10240x16xf32, #tpu.memory_space<vmem_shared>> -> memref<10240x16xf32, #tpu.memory_space<vmem_shared>>
      tpu.enqueue_indirect_dma source(%dma_start3A_358 : memref<125x16xf32, #tpu.memory_space<vmem>>) target(%dma_start3A_364 : memref<10240x16xf32, #tpu.memory_space<vmem_shared>>) offsets(%dma_start3A_361 : memref<125xi32, #tpu.memory_space<vmem>>) semaphore(%arg18 : memref<!tpu.dma_semaphore, #tpu.memory_space<semaphore_mem>>) {add = true}
      %add3A_365 = arith.constant 0 : i32
      %add3A_366 = arith.addi %mul3A_312, %add3A_365 : i32
      %dma_wait3A_367 = arith.constant 0 : i32
      %dma_wait3A_368 = arith.constant 0 : i32
      %dma_wait3A_369 = arith.constant 0 : i32
      %dma_wait3A_370 = tpu.memref_slice %arg7[%dma_wait3A_367, %dma_wait3A_368, %dma_wait3A_369] : memref<5x125x16xf32, #tpu.memory_space<vmem>> -> memref<1x125x16xf32, #tpu.memory_space<vmem>>
      %dma_wait3A_371 = tpu.memref_squeeze %dma_wait3A_370 : memref<1x125x16xf32, #tpu.memory_space<vmem>> -> memref<125x16xf32, #tpu.memory_space<vmem>>
      %dma_wait3A_372 = arith.constant 0 : i32
      %dma_wait3A_373 = tpu.memref_slice %arg6[%add3A_366, %dma_wait3A_372] : memref<80x125xi32, #tpu.memory_space<vmem>> -> memref<1x125xi32, #tpu.memory_space<vmem>>
      %dma_wait3A_374 = tpu.memref_squeeze %dma_wait3A_373 : memref<1x125xi32, #tpu.memory_space<vmem>> -> memref<125xi32, #tpu.memory_space<vmem>>
      %dma_wait3A_375 = arith.constant 0 : i32
      %dma_wait3A_376 = arith.constant 0 : i32
      %dma_wait3A_377 = tpu.memref_slice %arg9[%dma_wait3A_375, %dma_wait3A_376] : memref<10240x16xf32, #tpu.memory_space<vmem_shared>> -> memref<10240x16xf32, #tpu.memory_space<vmem_shared>>
      tpu.wait_indirect_dma semaphore(%arg17 : memref<!tpu.dma_semaphore, #tpu.memory_space<semaphore_mem>>) src(%dma_wait3A_371 : memref<125x16xf32, #tpu.memory_space<vmem>>) dst(%dma_wait3A_377 : memref<10240x16xf32, #tpu.memory_space<vmem_shared>>)
      %add3A_378 = arith.constant 5 : i32
      %add3A_379 = arith.addi %mul3A_312, %add3A_378 : i32
      %dma_start3A_380 = arith.constant 0 : i32
      %dma_start3A_381 = arith.constant 0 : i32
      %dma_start3A_382 = arith.constant 0 : i32
      %dma_start3A_383 = tpu.memref_slice %arg7[%dma_start3A_380, %dma_start3A_381, %dma_start3A_382] : memref<5x125x16xf32, #tpu.memory_space<vmem>> -> memref<1x125x16xf32, #tpu.memory_space<vmem>>
      %dma_start3A_384 = tpu.memref_squeeze %dma_start3A_383 : memref<1x125x16xf32, #tpu.memory_space<vmem>> -> memref<125x16xf32, #tpu.memory_space<vmem>>
      %dma_start3A_385 = arith.constant 0 : i32
      %dma_start3A_386 = tpu.memref_slice %arg5[%add3A_379, %dma_start3A_385] : memref<80x125xi32, #tpu.memory_space<vmem>> -> memref<1x125xi32, #tpu.memory_space<vmem>>
      %dma_start3A_387 = tpu.memref_squeeze %dma_start3A_386 : memref<1x125xi32, #tpu.memory_space<vmem>> -> memref<125xi32, #tpu.memory_space<vmem>>
      %dma_start3A_388 = arith.constant 0 : i32
      %dma_start3A_389 = arith.constant 0 : i32
      %dma_start3A_390 = tpu.memref_slice %arg10[%dma_start3A_388, %dma_start3A_389] : memref<10240x16xf32, #tpu.memory_space<vmem_shared>> -> memref<10240x16xf32, #tpu.memory_space<vmem_shared>>
      tpu.enqueue_indirect_dma source(%dma_start3A_390 : memref<10240x16xf32, #tpu.memory_space<vmem_shared>>) target(%dma_start3A_384 : memref<125x16xf32, #tpu.memory_space<vmem>>) offsets(%dma_start3A_387 : memref<125xi32, #tpu.memory_space<vmem>>) semaphore(%arg12 : memref<!tpu.dma_semaphore, #tpu.memory_space<semaphore_mem>>)
      %add3A_391 = arith.constant 2 : i32
      %add3A_392 = arith.addi %mul3A_312, %add3A_391 : i32
      %dma_wait3A_393 = arith.constant 2 : i32
      %dma_wait3A_394 = arith.constant 0 : i32
      %dma_wait3A_395 = arith.constant 0 : i32
      %dma_wait3A_396 = tpu.memref_slice %arg7[%dma_wait3A_393, %dma_wait3A_394, %dma_wait3A_395] : memref<5x125x16xf32, #tpu.memory_space<vmem>> -> memref<1x125x16xf32, #tpu.memory_space<vmem>>
      %dma_wait3A_397 = tpu.memref_squeeze %dma_wait3A_396 : memref<1x125x16xf32, #tpu.memory_space<vmem>> -> memref<125x16xf32, #tpu.memory_space<vmem>>
      %dma_wait3A_398 = arith.constant 0 : i32
      %dma_wait3A_399 = tpu.memref_slice %arg5[%add3A_392, %dma_wait3A_398] : memref<80x125xi32, #tpu.memory_space<vmem>> -> memref<1x125xi32, #tpu.memory_space<vmem>>
      %dma_wait3A_400 = tpu.memref_squeeze %dma_wait3A_399 : memref<1x125xi32, #tpu.memory_space<vmem>> -> memref<125xi32, #tpu.memory_space<vmem>>
      %dma_wait3A_401 = arith.constant 0 : i32
      %dma_wait3A_402 = arith.constant 0 : i32
      %dma_wait3A_403 = tpu.memref_slice %arg10[%dma_wait3A_401, %dma_wait3A_402] : memref<10240x16xf32, #tpu.memory_space<vmem_shared>> -> memref<10240x16xf32, #tpu.memory_space<vmem_shared>>
      tpu.wait_indirect_dma semaphore(%arg14 : memref<!tpu.dma_semaphore, #tpu.memory_space<semaphore_mem>>) src(%dma_wait3A_403 : memref<10240x16xf32, #tpu.memory_space<vmem_shared>>) dst(%dma_wait3A_397 : memref<125x16xf32, #tpu.memory_space<vmem>>)
      %add3A_404 = arith.constant 2 : i32
      %add3A_405 = arith.addi %mul3A_312, %add3A_404 : i32
      %dma_start3A_406 = arith.constant 2 : i32
      %dma_start3A_407 = arith.constant 0 : i32
      %dma_start3A_408 = arith.constant 0 : i32
      %dma_start3A_409 = tpu.memref_slice %arg7[%dma_start3A_406, %dma_start3A_407, %dma_start3A_408] : memref<5x125x16xf32, #tpu.memory_space<vmem>> -> memref<1x125x16xf32, #tpu.memory_space<vmem>>
      %dma_start3A_410 = tpu.memref_squeeze %dma_start3A_409 : memref<1x125x16xf32, #tpu.memory_space<vmem>> -> memref<125x16xf32, #tpu.memory_space<vmem>>
      %dma_start3A_411 = arith.constant 0 : i32
      %dma_start3A_412 = tpu.memref_slice %arg6[%add3A_405, %dma_start3A_411] : memref<80x125xi32, #tpu.memory_space<vmem>> -> memref<1x125xi32, #tpu.memory_space<vmem>>
      %dma_start3A_413 = tpu.memref_squeeze %dma_start3A_412 : memref<1x125xi32, #tpu.memory_space<vmem>> -> memref<125xi32, #tpu.memory_space<vmem>>
      %dma_start3A_414 = arith.constant 0 : i32
      %dma_start3A_415 = arith.constant 0 : i32
      %dma_start3A_416 = tpu.memref_slice %arg9[%dma_start3A_414, %dma_start3A_415] : memref<10240x16xf32, #tpu.memory_space<vmem_shared>> -> memref<10240x16xf32, #tpu.memory_space<vmem_shared>>
      tpu.enqueue_indirect_dma source(%dma_start3A_410 : memref<125x16xf32, #tpu.memory_space<vmem>>) target(%dma_start3A_416 : memref<10240x16xf32, #tpu.memory_space<vmem_shared>>) offsets(%dma_start3A_413 : memref<125xi32, #tpu.memory_space<vmem>>) semaphore(%arg19 : memref<!tpu.dma_semaphore, #tpu.memory_space<semaphore_mem>>) {add = true}
      %add3A_417 = arith.constant 1 : i32
      %add3A_418 = arith.addi %mul3A_312, %add3A_417 : i32
      %dma_wait3A_419 = arith.constant 1 : i32
      %dma_wait3A_420 = arith.constant 0 : i32
      %dma_wait3A_421 = arith.constant 0 : i32
      %dma_wait3A_422 = tpu.memref_slice %arg7[%dma_wait3A_419, %dma_wait3A_420, %dma_wait3A_421] : memref<5x125x16xf32, #tpu.memory_space<vmem>> -> memref<1x125x16xf32, #tpu.memory_space<vmem>>
      %dma_wait3A_423 = tpu.memref_squeeze %dma_wait3A_422 : memref<1x125x16xf32, #tpu.memory_space<vmem>> -> memref<125x16xf32, #tpu.memory_space<vmem>>
      %dma_wait3A_424 = arith.constant 0 : i32
      %dma_wait3A_425 = tpu.memref_slice %arg6[%add3A_418, %dma_wait3A_424] : memref<80x125xi32, #tpu.memory_space<vmem>> -> memref<1x125xi32, #tpu.memory_space<vmem>>
      %dma_wait3A_426 = tpu.memref_squeeze %dma_wait3A_425 : memref<1x125xi32, #tpu.memory_space<vmem>> -> memref<125xi32, #tpu.memory_space<vmem>>
      %dma_wait3A_427 = arith.constant 0 : i32
      %dma_wait3A_428 = arith.constant 0 : i32
      %dma_wait3A_429 = tpu.memref_slice %arg9[%dma_wait3A_427, %dma_wait3A_428] : memref<10240x16xf32, #tpu.memory_space<vmem_shared>> -> memref<10240x16xf32, #tpu.memory_space<vmem_shared>>
      tpu.wait_indirect_dma semaphore(%arg18 : memref<!tpu.dma_semaphore, #tpu.memory_space<semaphore_mem>>) src(%dma_wait3A_423 : memref<125x16xf32, #tpu.memory_space<vmem>>) dst(%dma_wait3A_429 : memref<10240x16xf32, #tpu.memory_space<vmem_shared>>)
      %add3A_430 = arith.constant 6 : i32
      %add3A_431 = arith.addi %mul3A_312, %add3A_430 : i32
      %dma_start3A_432 = arith.constant 1 : i32
      %dma_start3A_433 = arith.constant 0 : i32
      %dma_start3A_434 = arith.constant 0 : i32
      %dma_start3A_435 = tpu.memref_slice %arg7[%dma_start3A_432, %dma_start3A_433, %dma_start3A_434] : memref<5x125x16xf32, #tpu.memory_space<vmem>> -> memref<1x125x16xf32, #tpu.memory_space<vmem>>
      %dma_start3A_436 = tpu.memref_squeeze %dma_start3A_435 : memref<1x125x16xf32, #tpu.memory_space<vmem>> -> memref<125x16xf32, #tpu.memory_space<vmem>>
      %dma_start3A_437 = arith.constant 0 : i32
      %dma_start3A_438 = tpu.memref_slice %arg5[%add3A_431, %dma_start3A_437] : memref<80x125xi32, #tpu.memory_space<vmem>> -> memref<1x125xi32, #tpu.memory_space<vmem>>
      %dma_start3A_439 = tpu.memref_squeeze %dma_start3A_438 : memref<1x125xi32, #tpu.memory_space<vmem>> -> memref<125xi32, #tpu.memory_space<vmem>>
      %dma_start3A_440 = arith.constant 0 : i32
      %dma_start3A_441 = arith.constant 0 : i32
      %dma_start3A_442 = tpu.memref_slice %arg10[%dma_start3A_440, %dma_start3A_441] : memref<10240x16xf32, #tpu.memory_space<vmem_shared>> -> memref<10240x16xf32, #tpu.memory_space<vmem_shared>>
      tpu.enqueue_indirect_dma source(%dma_start3A_442 : memref<10240x16xf32, #tpu.memory_space<vmem_shared>>) target(%dma_start3A_436 : memref<125x16xf32, #tpu.memory_space<vmem>>) offsets(%dma_start3A_439 : memref<125xi32, #tpu.memory_space<vmem>>) semaphore(%arg13 : memref<!tpu.dma_semaphore, #tpu.memory_space<semaphore_mem>>)
      %add3A_443 = arith.constant 3 : i32
      %add3A_444 = arith.addi %mul3A_312, %add3A_443 : i32
      %dma_wait3A_445 = arith.constant 3 : i32
      %dma_wait3A_446 = arith.constant 0 : i32
      %dma_wait3A_447 = arith.constant 0 : i32
      %dma_wait3A_448 = tpu.memref_slice %arg7[%dma_wait3A_445, %dma_wait3A_446, %dma_wait3A_447] : memref<5x125x16xf32, #tpu.memory_space<vmem>> -> memref<1x125x16xf32, #tpu.memory_space<vmem>>
      %dma_wait3A_449 = tpu.memref_squeeze %dma_wait3A_448 : memref<1x125x16xf32, #tpu.memory_space<vmem>> -> memref<125x16xf32, #tpu.memory_space<vmem>>
      %dma_wait3A_450 = arith.constant 0 : i32
      %dma_wait3A_451 = tpu.memref_slice %arg5[%add3A_444, %dma_wait3A_450] : memref<80x125xi32, #tpu.memory_space<vmem>> -> memref<1x125xi32, #tpu.memory_space<vmem>>
      %dma_wait3A_452 = tpu.memref_squeeze %dma_wait3A_451 : memref<1x125xi32, #tpu.memory_space<vmem>> -> memref<125xi32, #tpu.memory_space<vmem>>
      %dma_wait3A_453 = arith.constant 0 : i32
      %dma_wait3A_454 = arith.constant 0 : i32
      %dma_wait3A_455 = tpu.memref_slice %arg10[%dma_wait3A_453, %dma_wait3A_454] : memref<10240x16xf32, #tpu.memory_space<vmem_shared>> -> memref<10240x16xf32, #tpu.memory_space<vmem_shared>>
      tpu.wait_indirect_dma semaphore(%arg15 : memref<!tpu.dma_semaphore, #tpu.memory_space<semaphore_mem>>) src(%dma_wait3A_455 : memref<10240x16xf32, #tpu.memory_space<vmem_shared>>) dst(%dma_wait3A_449 : memref<125x16xf32, #tpu.memory_space<vmem>>)
      %add3A_456 = arith.constant 3 : i32
      %add3A_457 = arith.addi %mul3A_312, %add3A_456 : i32
      %dma_start3A_458 = arith.constant 3 : i32
      %dma_start3A_459 = arith.constant 0 : i32
      %dma_start3A_460 = arith.constant 0 : i32
      %dma_start3A_461 = tpu.memref_slice %arg7[%dma_start3A_458, %dma_start3A_459, %dma_start3A_460] : memref<5x125x16xf32, #tpu.memory_space<vmem>> -> memref<1x125x16xf32, #tpu.memory_space<vmem>>
      %dma_start3A_462 = tpu.memref_squeeze %dma_start3A_461 : memref<1x125x16xf32, #tpu.memory_space<vmem>> -> memref<125x16xf32, #tpu.memory_space<vmem>>
      %dma_start3A_463 = arith.constant 0 : i32
      %dma_start3A_464 = tpu.memref_slice %arg6[%add3A_457, %dma_start3A_463] : memref<80x125xi32, #tpu.memory_space<vmem>> -> memref<1x125xi32, #tpu.memory_space<vmem>>
      %dma_start3A_465 = tpu.memref_squeeze %dma_start3A_464 : memref<1x125xi32, #tpu.memory_space<vmem>> -> memref<125xi32, #tpu.memory_space<vmem>>
      %dma_start3A_466 = arith.constant 0 : i32
      %dma_start3A_467 = arith.constant 0 : i32
      %dma_start3A_468 = tpu.memref_slice %arg9[%dma_start3A_466, %dma_start3A_467] : memref<10240x16xf32, #tpu.memory_space<vmem_shared>> -> memref<10240x16xf32, #tpu.memory_space<vmem_shared>>
      tpu.enqueue_indirect_dma source(%dma_start3A_462 : memref<125x16xf32, #tpu.memory_space<vmem>>) target(%dma_start3A_468 : memref<10240x16xf32, #tpu.memory_space<vmem_shared>>) offsets(%dma_start3A_465 : memref<125xi32, #tpu.memory_space<vmem>>) semaphore(%arg20 : memref<!tpu.dma_semaphore, #tpu.memory_space<semaphore_mem>>) {add = true}
      %add3A_469 = arith.constant 2 : i32
      %add3A_470 = arith.addi %mul3A_312, %add3A_469 : i32
      %dma_wait3A_471 = arith.constant 2 : i32
      %dma_wait3A_472 = arith.constant 0 : i32
      %dma_wait3A_473 = arith.constant 0 : i32
      %dma_wait3A_474 = tpu.memref_slice %arg7[%dma_wait3A_471, %dma_wait3A_472, %dma_wait3A_473] : memref<5x125x16xf32, #tpu.memory_space<vmem>> -> memref<1x125x16xf32, #tpu.memory_space<vmem>>
      %dma_wait3A_475 = tpu.memref_squeeze %dma_wait3A_474 : memref<1x125x16xf32, #tpu.memory_space<vmem>> -> memref<125x16xf32, #tpu.memory_space<vmem>>
      %dma_wait3A_476 = arith.constant 0 : i32
      %dma_wait3A_477 = tpu.memref_slice %arg6[%add3A_470, %dma_wait3A_476] : memref<80x125xi32, #tpu.memory_space<vmem>> -> memref<1x125xi32, #tpu.memory_space<vmem>>
      %dma_wait3A_478 = tpu.memref_squeeze %dma_wait3A_477 : memref<1x125xi32, #tpu.memory_space<vmem>> -> memref<125xi32, #tpu.memory_space<vmem>>
      %dma_wait3A_479 = arith.constant 0 : i32
      %dma_wait3A_480 = arith.constant 0 : i32
      %dma_wait3A_481 = tpu.memref_slice %arg9[%dma_wait3A_479, %dma_wait3A_480] : memref<10240x16xf32, #tpu.memory_space<vmem_shared>> -> memref<10240x16xf32, #tpu.memory_space<vmem_shared>>
      tpu.wait_indirect_dma semaphore(%arg19 : memref<!tpu.dma_semaphore, #tpu.memory_space<semaphore_mem>>) src(%dma_wait3A_475 : memref<125x16xf32, #tpu.memory_space<vmem>>) dst(%dma_wait3A_481 : memref<10240x16xf32, #tpu.memory_space<vmem_shared>>)
      %add3A_482 = arith.constant 7 : i32
      %add3A_483 = arith.addi %mul3A_312, %add3A_482 : i32
      %dma_start3A_484 = arith.constant 2 : i32
      %dma_start3A_485 = arith.constant 0 : i32
      %dma_start3A_486 = arith.constant 0 : i32
      %dma_start3A_487 = tpu.memref_slice %arg7[%dma_start3A_484, %dma_start3A_485, %dma_start3A_486] : memref<5x125x16xf32, #tpu.memory_space<vmem>> -> memref<1x125x16xf32, #tpu.memory_space<vmem>>
      %dma_start3A_488 = tpu.memref_squeeze %dma_start3A_487 : memref<1x125x16xf32, #tpu.memory_space<vmem>> -> memref<125x16xf32, #tpu.memory_space<vmem>>
      %dma_start3A_489 = arith.constant 0 : i32
      %dma_start3A_490 = tpu.memref_slice %arg5[%add3A_483, %dma_start3A_489] : memref<80x125xi32, #tpu.memory_space<vmem>> -> memref<1x125xi32, #tpu.memory_space<vmem>>
      %dma_start3A_491 = tpu.memref_squeeze %dma_start3A_490 : memref<1x125xi32, #tpu.memory_space<vmem>> -> memref<125xi32, #tpu.memory_space<vmem>>
      %dma_start3A_492 = arith.constant 0 : i32
      %dma_start3A_493 = arith.constant 0 : i32
      %dma_start3A_494 = tpu.memref_slice %arg10[%dma_start3A_492, %dma_start3A_493] : memref<10240x16xf32, #tpu.memory_space<vmem_shared>> -> memref<10240x16xf32, #tpu.memory_space<vmem_shared>>
      tpu.enqueue_indirect_dma source(%dma_start3A_494 : memref<10240x16xf32, #tpu.memory_space<vmem_shared>>) target(%dma_start3A_488 : memref<125x16xf32, #tpu.memory_space<vmem>>) offsets(%dma_start3A_491 : memref<125xi32, #tpu.memory_space<vmem>>) semaphore(%arg14 : memref<!tpu.dma_semaphore, #tpu.memory_space<semaphore_mem>>)
      %add3A_495 = arith.constant 4 : i32
      %add3A_496 = arith.addi %mul3A_312, %add3A_495 : i32
      %dma_wait3A_497 = arith.constant 4 : i32
      %dma_wait3A_498 = arith.constant 0 : i32
      %dma_wait3A_499 = arith.constant 0 : i32
      %dma_wait3A_500 = tpu.memref_slice %arg7[%dma_wait3A_497, %dma_wait3A_498, %dma_wait3A_499] : memref<5x125x16xf32, #tpu.memory_space<vmem>> -> memref<1x125x16xf32, #tpu.memory_space<vmem>>
      %dma_wait3A_501 = tpu.memref_squeeze %dma_wait3A_500 : memref<1x125x16xf32, #tpu.memory_space<vmem>> -> memref<125x16xf32, #tpu.memory_space<vmem>>
      %dma_wait3A_502 = arith.constant 0 : i32
      %dma_wait3A_503 = tpu.memref_slice %arg5[%add3A_496, %dma_wait3A_502] : memref<80x125xi32, #tpu.memory_space<vmem>> -> memref<1x125xi32, #tpu.memory_space<vmem>>
      %dma_wait3A_504 = tpu.memref_squeeze %dma_wait3A_503 : memref<1x125xi32, #tpu.memory_space<vmem>> -> memref<125xi32, #tpu.memory_space<vmem>>
      %dma_wait3A_505 = arith.constant 0 : i32
      %dma_wait3A_506 = arith.constant 0 : i32
      %dma_wait3A_507 = tpu.memref_slice %arg10[%dma_wait3A_505, %dma_wait3A_506] : memref<10240x16xf32, #tpu.memory_space<vmem_shared>> -> memref<10240x16xf32, #tpu.memory_space<vmem_shared>>
      tpu.wait_indirect_dma semaphore(%arg16 : memref<!tpu.dma_semaphore, #tpu.memory_space<semaphore_mem>>) src(%dma_wait3A_507 : memref<10240x16xf32, #tpu.memory_space<vmem_shared>>) dst(%dma_wait3A_501 : memref<125x16xf32, #tpu.memory_space<vmem>>)
      %add3A_508 = arith.constant 4 : i32
      %add3A_509 = arith.addi %mul3A_312, %add3A_508 : i32
      %dma_start3A_510 = arith.constant 4 : i32
      %dma_start3A_511 = arith.constant 0 : i32
      %dma_start3A_512 = arith.constant 0 : i32
      %dma_start3A_513 = tpu.memref_slice %arg7[%dma_start3A_510, %dma_start3A_511, %dma_start3A_512] : memref<5x125x16xf32, #tpu.memory_space<vmem>> -> memref<1x125x16xf32, #tpu.memory_space<vmem>>
      %dma_start3A_514 = tpu.memref_squeeze %dma_start3A_513 : memref<1x125x16xf32, #tpu.memory_space<vmem>> -> memref<125x16xf32, #tpu.memory_space<vmem>>
      %dma_start3A_515 = arith.constant 0 : i32
      %dma_start3A_516 = tpu.memref_slice %arg6[%add3A_509, %dma_start3A_515] : memref<80x125xi32, #tpu.memory_space<vmem>> -> memref<1x125xi32, #tpu.memory_space<vmem>>
      %dma_start3A_517 = tpu.memref_squeeze %dma_start3A_516 : memref<1x125xi32, #tpu.memory_space<vmem>> -> memref<125xi32, #tpu.memory_space<vmem>>
      %dma_start3A_518 = arith.constant 0 : i32
      %dma_start3A_519 = arith.constant 0 : i32
      %dma_start3A_520 = tpu.memref_slice %arg9[%dma_start3A_518, %dma_start3A_519] : memref<10240x16xf32, #tpu.memory_space<vmem_shared>> -> memref<10240x16xf32, #tpu.memory_space<vmem_shared>>
      tpu.enqueue_indirect_dma source(%dma_start3A_514 : memref<125x16xf32, #tpu.memory_space<vmem>>) target(%dma_start3A_520 : memref<10240x16xf32, #tpu.memory_space<vmem_shared>>) offsets(%dma_start3A_517 : memref<125xi32, #tpu.memory_space<vmem>>) semaphore(%arg21 : memref<!tpu.dma_semaphore, #tpu.memory_space<semaphore_mem>>) {add = true}
      %add3A_521 = arith.constant 3 : i32
      %add3A_522 = arith.addi %mul3A_312, %add3A_521 : i32
      %dma_wait3A_523 = arith.constant 3 : i32
      %dma_wait3A_524 = arith.constant 0 : i32
      %dma_wait3A_525 = arith.constant 0 : i32
      %dma_wait3A_526 = tpu.memref_slice %arg7[%dma_wait3A_523, %dma_wait3A_524, %dma_wait3A_525] : memref<5x125x16xf32, #tpu.memory_space<vmem>> -> memref<1x125x16xf32, #tpu.memory_space<vmem>>
      %dma_wait3A_527 = tpu.memref_squeeze %dma_wait3A_526 : memref<1x125x16xf32, #tpu.memory_space<vmem>> -> memref<125x16xf32, #tpu.memory_space<vmem>>
      %dma_wait3A_528 = arith.constant 0 : i32
      %dma_wait3A_529 = tpu.memref_slice %arg6[%add3A_522, %dma_wait3A_528] : memref<80x125xi32, #tpu.memory_space<vmem>> -> memref<1x125xi32, #tpu.memory_space<vmem>>
      %dma_wait3A_530 = tpu.memref_squeeze %dma_wait3A_529 : memref<1x125xi32, #tpu.memory_space<vmem>> -> memref<125xi32, #tpu.memory_space<vmem>>
      %dma_wait3A_531 = arith.constant 0 : i32
      %dma_wait3A_532 = arith.constant 0 : i32
      %dma_wait3A_533 = tpu.memref_slice %arg9[%dma_wait3A_531, %dma_wait3A_532] : memref<10240x16xf32, #tpu.memory_space<vmem_shared>> -> memref<10240x16xf32, #tpu.memory_space<vmem_shared>>
      tpu.wait_indirect_dma semaphore(%arg20 : memref<!tpu.dma_semaphore, #tpu.memory_space<semaphore_mem>>) src(%dma_wait3A_527 : memref<125x16xf32, #tpu.memory_space<vmem>>) dst(%dma_wait3A_533 : memref<10240x16xf32, #tpu.memory_space<vmem_shared>>)
      %add3A_534 = arith.constant 8 : i32
      %add3A_535 = arith.addi %mul3A_312, %add3A_534 : i32
      %dma_start3A_536 = arith.constant 3 : i32
      %dma_start3A_537 = arith.constant 0 : i32
      %dma_start3A_538 = arith.constant 0 : i32
      %dma_start3A_539 = tpu.memref_slice %arg7[%dma_start3A_536, %dma_start3A_537, %dma_start3A_538] : memref<5x125x16xf32, #tpu.memory_space<vmem>> -> memref<1x125x16xf32, #tpu.memory_space<vmem>>
      %dma_start3A_540 = tpu.memref_squeeze %dma_start3A_539 : memref<1x125x16xf32, #tpu.memory_space<vmem>> -> memref<125x16xf32, #tpu.memory_space<vmem>>
      %dma_start3A_541 = arith.constant 0 : i32
      %dma_start3A_542 = tpu.memref_slice %arg5[%add3A_535, %dma_start3A_541] : memref<80x125xi32, #tpu.memory_space<vmem>> -> memref<1x125xi32, #tpu.memory_space<vmem>>
      %dma_start3A_543 = tpu.memref_squeeze %dma_start3A_542 : memref<1x125xi32, #tpu.memory_space<vmem>> -> memref<125xi32, #tpu.memory_space<vmem>>
      %dma_start3A_544 = arith.constant 0 : i32
      %dma_start3A_545 = arith.constant 0 : i32
      %dma_start3A_546 = tpu.memref_slice %arg10[%dma_start3A_544, %dma_start3A_545] : memref<10240x16xf32, #tpu.memory_space<vmem_shared>> -> memref<10240x16xf32, #tpu.memory_space<vmem_shared>>
      tpu.enqueue_indirect_dma source(%dma_start3A_546 : memref<10240x16xf32, #tpu.memory_space<vmem_shared>>) target(%dma_start3A_540 : memref<125x16xf32, #tpu.memory_space<vmem>>) offsets(%dma_start3A_543 : memref<125xi32, #tpu.memory_space<vmem>>) semaphore(%arg15 : memref<!tpu.dma_semaphore, #tpu.memory_space<semaphore_mem>>)
      %add3A_547 = arith.constant 4 : i32
      %add3A_548 = arith.addi %mul3A_312, %add3A_547 : i32
      %dma_wait3A_549 = arith.constant 4 : i32
      %dma_wait3A_550 = arith.constant 0 : i32
      %dma_wait3A_551 = arith.constant 0 : i32
      %dma_wait3A_552 = tpu.memref_slice %arg7[%dma_wait3A_549, %dma_wait3A_550, %dma_wait3A_551] : memref<5x125x16xf32, #tpu.memory_space<vmem>> -> memref<1x125x16xf32, #tpu.memory_space<vmem>>
      %dma_wait3A_553 = tpu.memref_squeeze %dma_wait3A_552 : memref<1x125x16xf32, #tpu.memory_space<vmem>> -> memref<125x16xf32, #tpu.memory_space<vmem>>
      %dma_wait3A_554 = arith.constant 0 : i32
      %dma_wait3A_555 = tpu.memref_slice %arg6[%add3A_548, %dma_wait3A_554] : memref<80x125xi32, #tpu.memory_space<vmem>> -> memref<1x125xi32, #tpu.memory_space<vmem>>
      %dma_wait3A_556 = tpu.memref_squeeze %dma_wait3A_555 : memref<1x125xi32, #tpu.memory_space<vmem>> -> memref<125xi32, #tpu.memory_space<vmem>>
      %dma_wait3A_557 = arith.constant 0 : i32
      %dma_wait3A_558 = arith.constant 0 : i32
      %dma_wait3A_559 = tpu.memref_slice %arg9[%dma_wait3A_557, %dma_wait3A_558] : memref<10240x16xf32, #tpu.memory_space<vmem_shared>> -> memref<10240x16xf32, #tpu.memory_space<vmem_shared>>
      tpu.wait_indirect_dma semaphore(%arg21 : memref<!tpu.dma_semaphore, #tpu.memory_space<semaphore_mem>>) src(%dma_wait3A_553 : memref<125x16xf32, #tpu.memory_space<vmem>>) dst(%dma_wait3A_559 : memref<10240x16xf32, #tpu.memory_space<vmem_shared>>)
      %add3A_560 = arith.constant 9 : i32
      %add3A_561 = arith.addi %mul3A_312, %add3A_560 : i32
      %dma_start3A_562 = arith.constant 4 : i32
      %dma_start3A_563 = arith.constant 0 : i32
      %dma_start3A_564 = arith.constant 0 : i32
      %dma_start3A_565 = tpu.memref_slice %arg7[%dma_start3A_562, %dma_start3A_563, %dma_start3A_564] : memref<5x125x16xf32, #tpu.memory_space<vmem>> -> memref<1x125x16xf32, #tpu.memory_space<vmem>>
      %dma_start3A_566 = tpu.memref_squeeze %dma_start3A_565 : memref<1x125x16xf32, #tpu.memory_space<vmem>> -> memref<125x16xf32, #tpu.memory_space<vmem>>
      %dma_start3A_567 = arith.constant 0 : i32
      %dma_start3A_568 = tpu.memref_slice %arg5[%add3A_561, %dma_start3A_567] : memref<80x125xi32, #tpu.memory_space<vmem>> -> memref<1x125xi32, #tpu.memory_space<vmem>>
      %dma_start3A_569 = tpu.memref_squeeze %dma_start3A_568 : memref<1x125xi32, #tpu.memory_space<vmem>> -> memref<125xi32, #tpu.memory_space<vmem>>
      %dma_start3A_570 = arith.constant 0 : i32
      %dma_start3A_571 = arith.constant 0 : i32
      %dma_start3A_572 = tpu.memref_slice %arg10[%dma_start3A_570, %dma_start3A_571] : memref<10240x16xf32, #tpu.memory_space<vmem_shared>> -> memref<10240x16xf32, #tpu.memory_space<vmem_shared>>
      tpu.enqueue_indirect_dma source(%dma_start3A_572 : memref<10240x16xf32, #tpu.memory_space<vmem_shared>>) target(%dma_start3A_566 : memref<125x16xf32, #tpu.memory_space<vmem>>) offsets(%dma_start3A_569 : memref<125xi32, #tpu.memory_space<vmem>>) semaphore(%arg16 : memref<!tpu.dma_semaphore, #tpu.memory_space<semaphore_mem>>)
      %scan3A_573 = arith.constant 0 : i32
      scf.yield %scan3A_573 : i32
    }
    %scan3A_123 = arith.constant 15 : i32
    %dma_wait3A_124 = arith.constant 75 : i32
    %dma_wait3A_125 = arith.constant 0 : i32
    %dma_wait3A_126 = arith.constant 0 : i32
    %dma_wait3A_127 = arith.constant 0 : i32
    %dma_wait3A_128 = tpu.memref_slice %arg7[%dma_wait3A_125, %dma_wait3A_126, %dma_wait3A_127] : memref<5x125x16xf32, #tpu.memory_space<vmem>> -> memref<1x125x16xf32, #tpu.memory_space<vmem>>
    %dma_wait3A_129 = tpu.memref_squeeze %dma_wait3A_128 : memref<1x125x16xf32, #tpu.memory_space<vmem>> -> memref<125x16xf32, #tpu.memory_space<vmem>>
    %dma_wait3A_130 = arith.constant 0 : i32
    %dma_wait3A_131 = tpu.memref_slice %arg5[%dma_wait3A_124, %dma_wait3A_130] : memref<80x125xi32, #tpu.memory_space<vmem>> -> memref<1x125xi32, #tpu.memory_space<vmem>>
    %dma_wait3A_132 = tpu.memref_squeeze %dma_wait3A_131 : memref<1x125xi32, #tpu.memory_space<vmem>> -> memref<125xi32, #tpu.memory_space<vmem>>
    %dma_wait3A_133 = arith.constant 0 : i32
    %dma_wait3A_134 = arith.constant 0 : i32
    %dma_wait3A_135 = tpu.memref_slice %arg10[%dma_wait3A_133, %dma_wait3A_134] : memref<10240x16xf32, #tpu.memory_space<vmem_shared>> -> memref<10240x16xf32, #tpu.memory_space<vmem_shared>>
    tpu.wait_indirect_dma semaphore(%arg12 : memref<!tpu.dma_semaphore, #tpu.memory_space<semaphore_mem>>) src(%dma_wait3A_135 : memref<10240x16xf32, #tpu.memory_space<vmem_shared>>) dst(%dma_wait3A_129 : memref<125x16xf32, #tpu.memory_space<vmem>>)
    %dma_start3A_136 = arith.constant 0 : i32
    %dma_start3A_137 = arith.constant 75 : i32
    %dma_start3A_138 = arith.constant 0 : i32
    %dma_start3A_139 = arith.constant 0 : i32
    %dma_start3A_140 = tpu.memref_slice %arg7[%dma_start3A_136, %dma_start3A_138, %dma_start3A_139] : memref<5x125x16xf32, #tpu.memory_space<vmem>> -> memref<1x125x16xf32, #tpu.memory_space<vmem>>
    %dma_start3A_141 = tpu.memref_squeeze %dma_start3A_140 : memref<1x125x16xf32, #tpu.memory_space<vmem>> -> memref<125x16xf32, #tpu.memory_space<vmem>>
    %dma_start3A_142 = arith.constant 0 : i32
    %dma_start3A_143 = tpu.memref_slice %arg6[%dma_start3A_137, %dma_start3A_142] : memref<80x125xi32, #tpu.memory_space<vmem>> -> memref<1x125xi32, #tpu.memory_space<vmem>>
    %dma_start3A_144 = tpu.memref_squeeze %dma_start3A_143 : memref<1x125xi32, #tpu.memory_space<vmem>> -> memref<125xi32, #tpu.memory_space<vmem>>
    %dma_start3A_145 = arith.constant 0 : i32
    %dma_start3A_146 = arith.constant 0 : i32
    %dma_start3A_147 = tpu.memref_slice %arg9[%dma_start3A_145, %dma_start3A_146] : memref<10240x16xf32, #tpu.memory_space<vmem_shared>> -> memref<10240x16xf32, #tpu.memory_space<vmem_shared>>
    tpu.enqueue_indirect_dma source(%dma_start3A_141 : memref<125x16xf32, #tpu.memory_space<vmem>>) target(%dma_start3A_147 : memref<10240x16xf32, #tpu.memory_space<vmem_shared>>) offsets(%dma_start3A_144 : memref<125xi32, #tpu.memory_space<vmem>>) semaphore(%arg17 : memref<!tpu.dma_semaphore, #tpu.memory_space<semaphore_mem>>) {add = true}
    %dma_wait3A_148 = arith.constant 76 : i32
    %dma_wait3A_149 = arith.constant 1 : i32
    %dma_wait3A_150 = arith.constant 0 : i32
    %dma_wait3A_151 = arith.constant 0 : i32
    %dma_wait3A_152 = tpu.memref_slice %arg7[%dma_wait3A_149, %dma_wait3A_150, %dma_wait3A_151] : memref<5x125x16xf32, #tpu.memory_space<vmem>> -> memref<1x125x16xf32, #tpu.memory_space<vmem>>
    %dma_wait3A_153 = tpu.memref_squeeze %dma_wait3A_152 : memref<1x125x16xf32, #tpu.memory_space<vmem>> -> memref<125x16xf32, #tpu.memory_space<vmem>>
    %dma_wait3A_154 = arith.constant 0 : i32
    %dma_wait3A_155 = tpu.memref_slice %arg5[%dma_wait3A_148, %dma_wait3A_154] : memref<80x125xi32, #tpu.memory_space<vmem>> -> memref<1x125xi32, #tpu.memory_space<vmem>>
    %dma_wait3A_156 = tpu.memref_squeeze %dma_wait3A_155 : memref<1x125xi32, #tpu.memory_space<vmem>> -> memref<125xi32, #tpu.memory_space<vmem>>
    %dma_wait3A_157 = arith.constant 0 : i32
    %dma_wait3A_158 = arith.constant 0 : i32
    %dma_wait3A_159 = tpu.memref_slice %arg10[%dma_wait3A_157, %dma_wait3A_158] : memref<10240x16xf32, #tpu.memory_space<vmem_shared>> -> memref<10240x16xf32, #tpu.memory_space<vmem_shared>>
    tpu.wait_indirect_dma semaphore(%arg13 : memref<!tpu.dma_semaphore, #tpu.memory_space<semaphore_mem>>) src(%dma_wait3A_159 : memref<10240x16xf32, #tpu.memory_space<vmem_shared>>) dst(%dma_wait3A_153 : memref<125x16xf32, #tpu.memory_space<vmem>>)
    %dma_start3A_160 = arith.constant 1 : i32
    %dma_start3A_161 = arith.constant 76 : i32
    %dma_start3A_162 = arith.constant 0 : i32
    %dma_start3A_163 = arith.constant 0 : i32
    %dma_start3A_164 = tpu.memref_slice %arg7[%dma_start3A_160, %dma_start3A_162, %dma_start3A_163] : memref<5x125x16xf32, #tpu.memory_space<vmem>> -> memref<1x125x16xf32, #tpu.memory_space<vmem>>
    %dma_start3A_165 = tpu.memref_squeeze %dma_start3A_164 : memref<1x125x16xf32, #tpu.memory_space<vmem>> -> memref<125x16xf32, #tpu.memory_space<vmem>>
    %dma_start3A_166 = arith.constant 0 : i32
    %dma_start3A_167 = tpu.memref_slice %arg6[%dma_start3A_161, %dma_start3A_166] : memref<80x125xi32, #tpu.memory_space<vmem>> -> memref<1x125xi32, #tpu.memory_space<vmem>>
    %dma_start3A_168 = tpu.memref_squeeze %dma_start3A_167 : memref<1x125xi32, #tpu.memory_space<vmem>> -> memref<125xi32, #tpu.memory_space<vmem>>
    %dma_start3A_169 = arith.constant 0 : i32
    %dma_start3A_170 = arith.constant 0 : i32
    %dma_start3A_171 = tpu.memref_slice %arg9[%dma_start3A_169, %dma_start3A_170] : memref<10240x16xf32, #tpu.memory_space<vmem_shared>> -> memref<10240x16xf32, #tpu.memory_space<vmem_shared>>
    tpu.enqueue_indirect_dma source(%dma_start3A_165 : memref<125x16xf32, #tpu.memory_space<vmem>>) target(%dma_start3A_171 : memref<10240x16xf32, #tpu.memory_space<vmem_shared>>) offsets(%dma_start3A_168 : memref<125xi32, #tpu.memory_space<vmem>>) semaphore(%arg18 : memref<!tpu.dma_semaphore, #tpu.memory_space<semaphore_mem>>) {add = true}
    %dma_wait3A_172 = arith.constant 0 : i32
    %dma_wait3A_173 = arith.constant 75 : i32
    %dma_wait3A_174 = arith.constant 0 : i32
    %dma_wait3A_175 = arith.constant 0 : i32
    %dma_wait3A_176 = tpu.memref_slice %arg7[%dma_wait3A_172, %dma_wait3A_174, %dma_wait3A_175] : memref<5x125x16xf32, #tpu.memory_space<vmem>> -> memref<1x125x16xf32, #tpu.memory_space<vmem>>
    %dma_wait3A_177 = tpu.memref_squeeze %dma_wait3A_176 : memref<1x125x16xf32, #tpu.memory_space<vmem>> -> memref<125x16xf32, #tpu.memory_space<vmem>>
    %dma_wait3A_178 = arith.constant 0 : i32
    %dma_wait3A_179 = tpu.memref_slice %arg6[%dma_wait3A_173, %dma_wait3A_178] : memref<80x125xi32, #tpu.memory_space<vmem>> -> memref<1x125xi32, #tpu.memory_space<vmem>>
    %dma_wait3A_180 = tpu.memref_squeeze %dma_wait3A_179 : memref<1x125xi32, #tpu.memory_space<vmem>> -> memref<125xi32, #tpu.memory_space<vmem>>
    %dma_wait3A_181 = arith.constant 0 : i32
    %dma_wait3A_182 = arith.constant 0 : i32
    %dma_wait3A_183 = tpu.memref_slice %arg9[%dma_wait3A_181, %dma_wait3A_182] : memref<10240x16xf32, #tpu.memory_space<vmem_shared>> -> memref<10240x16xf32, #tpu.memory_space<vmem_shared>>
    tpu.wait_indirect_dma semaphore(%arg17 : memref<!tpu.dma_semaphore, #tpu.memory_space<semaphore_mem>>) src(%dma_wait3A_177 : memref<125x16xf32, #tpu.memory_space<vmem>>) dst(%dma_wait3A_183 : memref<10240x16xf32, #tpu.memory_space<vmem_shared>>)
    %dma_wait3A_184 = arith.constant 77 : i32
    %dma_wait3A_185 = arith.constant 2 : i32
    %dma_wait3A_186 = arith.constant 0 : i32
    %dma_wait3A_187 = arith.constant 0 : i32
    %dma_wait3A_188 = tpu.memref_slice %arg7[%dma_wait3A_185, %dma_wait3A_186, %dma_wait3A_187] : memref<5x125x16xf32, #tpu.memory_space<vmem>> -> memref<1x125x16xf32, #tpu.memory_space<vmem>>
    %dma_wait3A_189 = tpu.memref_squeeze %dma_wait3A_188 : memref<1x125x16xf32, #tpu.memory_space<vmem>> -> memref<125x16xf32, #tpu.memory_space<vmem>>
    %dma_wait3A_190 = arith.constant 0 : i32
    %dma_wait3A_191 = tpu.memref_slice %arg5[%dma_wait3A_184, %dma_wait3A_190] : memref<80x125xi32, #tpu.memory_space<vmem>> -> memref<1x125xi32, #tpu.memory_space<vmem>>
    %dma_wait3A_192 = tpu.memref_squeeze %dma_wait3A_191 : memref<1x125xi32, #tpu.memory_space<vmem>> -> memref<125xi32, #tpu.memory_space<vmem>>
    %dma_wait3A_193 = arith.constant 0 : i32
    %dma_wait3A_194 = arith.constant 0 : i32
    %dma_wait3A_195 = tpu.memref_slice %arg10[%dma_wait3A_193, %dma_wait3A_194] : memref<10240x16xf32, #tpu.memory_space<vmem_shared>> -> memref<10240x16xf32, #tpu.memory_space<vmem_shared>>
    tpu.wait_indirect_dma semaphore(%arg14 : memref<!tpu.dma_semaphore, #tpu.memory_space<semaphore_mem>>) src(%dma_wait3A_195 : memref<10240x16xf32, #tpu.memory_space<vmem_shared>>) dst(%dma_wait3A_189 : memref<125x16xf32, #tpu.memory_space<vmem>>)
    %dma_start3A_196 = arith.constant 2 : i32
    %dma_start3A_197 = arith.constant 77 : i32
    %dma_start3A_198 = arith.constant 0 : i32
    %dma_start3A_199 = arith.constant 0 : i32
    %dma_start3A_200 = tpu.memref_slice %arg7[%dma_start3A_196, %dma_start3A_198, %dma_start3A_199] : memref<5x125x16xf32, #tpu.memory_space<vmem>> -> memref<1x125x16xf32, #tpu.memory_space<vmem>>
    %dma_start3A_201 = tpu.memref_squeeze %dma_start3A_200 : memref<1x125x16xf32, #tpu.memory_space<vmem>> -> memref<125x16xf32, #tpu.memory_space<vmem>>
    %dma_start3A_202 = arith.constant 0 : i32
    %dma_start3A_203 = tpu.memref_slice %arg6[%dma_start3A_197, %dma_start3A_202] : memref<80x125xi32, #tpu.memory_space<vmem>> -> memref<1x125xi32, #tpu.memory_space<vmem>>
    %dma_start3A_204 = tpu.memref_squeeze %dma_start3A_203 : memref<1x125xi32, #tpu.memory_space<vmem>> -> memref<125xi32, #tpu.memory_space<vmem>>
    %dma_start3A_205 = arith.constant 0 : i32
    %dma_start3A_206 = arith.constant 0 : i32
    %dma_start3A_207 = tpu.memref_slice %arg9[%dma_start3A_205, %dma_start3A_206] : memref<10240x16xf32, #tpu.memory_space<vmem_shared>> -> memref<10240x16xf32, #tpu.memory_space<vmem_shared>>
    tpu.enqueue_indirect_dma source(%dma_start3A_201 : memref<125x16xf32, #tpu.memory_space<vmem>>) target(%dma_start3A_207 : memref<10240x16xf32, #tpu.memory_space<vmem_shared>>) offsets(%dma_start3A_204 : memref<125xi32, #tpu.memory_space<vmem>>) semaphore(%arg19 : memref<!tpu.dma_semaphore, #tpu.memory_space<semaphore_mem>>) {add = true}
    %dma_wait3A_208 = arith.constant 1 : i32
    %dma_wait3A_209 = arith.constant 76 : i32
    %dma_wait3A_210 = arith.constant 0 : i32
    %dma_wait3A_211 = arith.constant 0 : i32
    %dma_wait3A_212 = tpu.memref_slice %arg7[%dma_wait3A_208, %dma_wait3A_210, %dma_wait3A_211] : memref<5x125x16xf32, #tpu.memory_space<vmem>> -> memref<1x125x16xf32, #tpu.memory_space<vmem>>
    %dma_wait3A_213 = tpu.memref_squeeze %dma_wait3A_212 : memref<1x125x16xf32, #tpu.memory_space<vmem>> -> memref<125x16xf32, #tpu.memory_space<vmem>>
    %dma_wait3A_214 = arith.constant 0 : i32
    %dma_wait3A_215 = tpu.memref_slice %arg6[%dma_wait3A_209, %dma_wait3A_214] : memref<80x125xi32, #tpu.memory_space<vmem>> -> memref<1x125xi32, #tpu.memory_space<vmem>>
    %dma_wait3A_216 = tpu.memref_squeeze %dma_wait3A_215 : memref<1x125xi32, #tpu.memory_space<vmem>> -> memref<125xi32, #tpu.memory_space<vmem>>
    %dma_wait3A_217 = arith.constant 0 : i32
    %dma_wait3A_218 = arith.constant 0 : i32
    %dma_wait3A_219 = tpu.memref_slice %arg9[%dma_wait3A_217, %dma_wait3A_218] : memref<10240x16xf32, #tpu.memory_space<vmem_shared>> -> memref<10240x16xf32, #tpu.memory_space<vmem_shared>>
    tpu.wait_indirect_dma semaphore(%arg18 : memref<!tpu.dma_semaphore, #tpu.memory_space<semaphore_mem>>) src(%dma_wait3A_213 : memref<125x16xf32, #tpu.memory_space<vmem>>) dst(%dma_wait3A_219 : memref<10240x16xf32, #tpu.memory_space<vmem_shared>>)
    %dma_wait3A_220 = arith.constant 78 : i32
    %dma_wait3A_221 = arith.constant 3 : i32
    %dma_wait3A_222 = arith.constant 0 : i32
    %dma_wait3A_223 = arith.constant 0 : i32
    %dma_wait3A_224 = tpu.memref_slice %arg7[%dma_wait3A_221, %dma_wait3A_222, %dma_wait3A_223] : memref<5x125x16xf32, #tpu.memory_space<vmem>> -> memref<1x125x16xf32, #tpu.memory_space<vmem>>
    %dma_wait3A_225 = tpu.memref_squeeze %dma_wait3A_224 : memref<1x125x16xf32, #tpu.memory_space<vmem>> -> memref<125x16xf32, #tpu.memory_space<vmem>>
    %dma_wait3A_226 = arith.constant 0 : i32
    %dma_wait3A_227 = tpu.memref_slice %arg5[%dma_wait3A_220, %dma_wait3A_226] : memref<80x125xi32, #tpu.memory_space<vmem>> -> memref<1x125xi32, #tpu.memory_space<vmem>>
    %dma_wait3A_228 = tpu.memref_squeeze %dma_wait3A_227 : memref<1x125xi32, #tpu.memory_space<vmem>> -> memref<125xi32, #tpu.memory_space<vmem>>
    %dma_wait3A_229 = arith.constant 0 : i32
    %dma_wait3A_230 = arith.constant 0 : i32
    %dma_wait3A_231 = tpu.memref_slice %arg10[%dma_wait3A_229, %dma_wait3A_230] : memref<10240x16xf32, #tpu.memory_space<vmem_shared>> -> memref<10240x16xf32, #tpu.memory_space<vmem_shared>>
    tpu.wait_indirect_dma semaphore(%arg15 : memref<!tpu.dma_semaphore, #tpu.memory_space<semaphore_mem>>) src(%dma_wait3A_231 : memref<10240x16xf32, #tpu.memory_space<vmem_shared>>) dst(%dma_wait3A_225 : memref<125x16xf32, #tpu.memory_space<vmem>>)
    %dma_start3A_232 = arith.constant 3 : i32
    %dma_start3A_233 = arith.constant 78 : i32
    %dma_start3A_234 = arith.constant 0 : i32
    %dma_start3A_235 = arith.constant 0 : i32
    %dma_start3A_236 = tpu.memref_slice %arg7[%dma_start3A_232, %dma_start3A_234, %dma_start3A_235] : memref<5x125x16xf32, #tpu.memory_space<vmem>> -> memref<1x125x16xf32, #tpu.memory_space<vmem>>
    %dma_start3A_237 = tpu.memref_squeeze %dma_start3A_236 : memref<1x125x16xf32, #tpu.memory_space<vmem>> -> memref<125x16xf32, #tpu.memory_space<vmem>>
    %dma_start3A_238 = arith.constant 0 : i32
    %dma_start3A_239 = tpu.memref_slice %arg6[%dma_start3A_233, %dma_start3A_238] : memref<80x125xi32, #tpu.memory_space<vmem>> -> memref<1x125xi32, #tpu.memory_space<vmem>>
    %dma_start3A_240 = tpu.memref_squeeze %dma_start3A_239 : memref<1x125xi32, #tpu.memory_space<vmem>> -> memref<125xi32, #tpu.memory_space<vmem>>
    %dma_start3A_241 = arith.constant 0 : i32
    %dma_start3A_242 = arith.constant 0 : i32
    %dma_start3A_243 = tpu.memref_slice %arg9[%dma_start3A_241, %dma_start3A_242] : memref<10240x16xf32, #tpu.memory_space<vmem_shared>> -> memref<10240x16xf32, #tpu.memory_space<vmem_shared>>
    tpu.enqueue_indirect_dma source(%dma_start3A_237 : memref<125x16xf32, #tpu.memory_space<vmem>>) target(%dma_start3A_243 : memref<10240x16xf32, #tpu.memory_space<vmem_shared>>) offsets(%dma_start3A_240 : memref<125xi32, #tpu.memory_space<vmem>>) semaphore(%arg20 : memref<!tpu.dma_semaphore, #tpu.memory_space<semaphore_mem>>) {add = true}
    %dma_wait3A_244 = arith.constant 2 : i32
    %dma_wait3A_245 = arith.constant 77 : i32
    %dma_wait3A_246 = arith.constant 0 : i32
    %dma_wait3A_247 = arith.constant 0 : i32
    %dma_wait3A_248 = tpu.memref_slice %arg7[%dma_wait3A_244, %dma_wait3A_246, %dma_wait3A_247] : memref<5x125x16xf32, #tpu.memory_space<vmem>> -> memref<1x125x16xf32, #tpu.memory_space<vmem>>
    %dma_wait3A_249 = tpu.memref_squeeze %dma_wait3A_248 : memref<1x125x16xf32, #tpu.memory_space<vmem>> -> memref<125x16xf32, #tpu.memory_space<vmem>>
    %dma_wait3A_250 = arith.constant 0 : i32
    %dma_wait3A_251 = tpu.memref_slice %arg6[%dma_wait3A_245, %dma_wait3A_250] : memref<80x125xi32, #tpu.memory_space<vmem>> -> memref<1x125xi32, #tpu.memory_space<vmem>>
    %dma_wait3A_252 = tpu.memref_squeeze %dma_wait3A_251 : memref<1x125xi32, #tpu.memory_space<vmem>> -> memref<125xi32, #tpu.memory_space<vmem>>
    %dma_wait3A_253 = arith.constant 0 : i32
    %dma_wait3A_254 = arith.constant 0 : i32
    %dma_wait3A_255 = tpu.memref_slice %arg9[%dma_wait3A_253, %dma_wait3A_254] : memref<10240x16xf32, #tpu.memory_space<vmem_shared>> -> memref<10240x16xf32, #tpu.memory_space<vmem_shared>>
    tpu.wait_indirect_dma semaphore(%arg19 : memref<!tpu.dma_semaphore, #tpu.memory_space<semaphore_mem>>) src(%dma_wait3A_249 : memref<125x16xf32, #tpu.memory_space<vmem>>) dst(%dma_wait3A_255 : memref<10240x16xf32, #tpu.memory_space<vmem_shared>>)
    %dma_wait3A_256 = arith.constant 79 : i32
    %dma_wait3A_257 = arith.constant 4 : i32
    %dma_wait3A_258 = arith.constant 0 : i32
    %dma_wait3A_259 = arith.constant 0 : i32
    %dma_wait3A_260 = tpu.memref_slice %arg7[%dma_wait3A_257, %dma_wait3A_258, %dma_wait3A_259] : memref<5x125x16xf32, #tpu.memory_space<vmem>> -> memref<1x125x16xf32, #tpu.memory_space<vmem>>
    %dma_wait3A_261 = tpu.memref_squeeze %dma_wait3A_260 : memref<1x125x16xf32, #tpu.memory_space<vmem>> -> memref<125x16xf32, #tpu.memory_space<vmem>>
    %dma_wait3A_262 = arith.constant 0 : i32
    %dma_wait3A_263 = tpu.memref_slice %arg5[%dma_wait3A_256, %dma_wait3A_262] : memref<80x125xi32, #tpu.memory_space<vmem>> -> memref<1x125xi32, #tpu.memory_space<vmem>>
    %dma_wait3A_264 = tpu.memref_squeeze %dma_wait3A_263 : memref<1x125xi32, #tpu.memory_space<vmem>> -> memref<125xi32, #tpu.memory_space<vmem>>
    %dma_wait3A_265 = arith.constant 0 : i32
    %dma_wait3A_266 = arith.constant 0 : i32
    %dma_wait3A_267 = tpu.memref_slice %arg10[%dma_wait3A_265, %dma_wait3A_266] : memref<10240x16xf32, #tpu.memory_space<vmem_shared>> -> memref<10240x16xf32, #tpu.memory_space<vmem_shared>>
    tpu.wait_indirect_dma semaphore(%arg16 : memref<!tpu.dma_semaphore, #tpu.memory_space<semaphore_mem>>) src(%dma_wait3A_267 : memref<10240x16xf32, #tpu.memory_space<vmem_shared>>) dst(%dma_wait3A_261 : memref<125x16xf32, #tpu.memory_space<vmem>>)
    %dma_start3A_268 = arith.constant 4 : i32
    %dma_start3A_269 = arith.constant 79 : i32
    %dma_start3A_270 = arith.constant 0 : i32
    %dma_start3A_271 = arith.constant 0 : i32
    %dma_start3A_272 = tpu.memref_slice %arg7[%dma_start3A_268, %dma_start3A_270, %dma_start3A_271] : memref<5x125x16xf32, #tpu.memory_space<vmem>> -> memref<1x125x16xf32, #tpu.memory_space<vmem>>
    %dma_start3A_273 = tpu.memref_squeeze %dma_start3A_272 : memref<1x125x16xf32, #tpu.memory_space<vmem>> -> memref<125x16xf32, #tpu.memory_space<vmem>>
    %dma_start3A_274 = arith.constant 0 : i32
    %dma_start3A_275 = tpu.memref_slice %arg6[%dma_start3A_269, %dma_start3A_274] : memref<80x125xi32, #tpu.memory_space<vmem>> -> memref<1x125xi32, #tpu.memory_space<vmem>>
    %dma_start3A_276 = tpu.memref_squeeze %dma_start3A_275 : memref<1x125xi32, #tpu.memory_space<vmem>> -> memref<125xi32, #tpu.memory_space<vmem>>
    %dma_start3A_277 = arith.constant 0 : i32
    %dma_start3A_278 = arith.constant 0 : i32
    %dma_start3A_279 = tpu.memref_slice %arg9[%dma_start3A_277, %dma_start3A_278] : memref<10240x16xf32, #tpu.memory_space<vmem_shared>> -> memref<10240x16xf32, #tpu.memory_space<vmem_shared>>
    tpu.enqueue_indirect_dma source(%dma_start3A_273 : memref<125x16xf32, #tpu.memory_space<vmem>>) target(%dma_start3A_279 : memref<10240x16xf32, #tpu.memory_space<vmem_shared>>) offsets(%dma_start3A_276 : memref<125xi32, #tpu.memory_space<vmem>>) semaphore(%arg21 : memref<!tpu.dma_semaphore, #tpu.memory_space<semaphore_mem>>) {add = true}
    %dma_wait3A_280 = arith.constant 3 : i32
    %dma_wait3A_281 = arith.constant 78 : i32
    %dma_wait3A_282 = arith.constant 0 : i32
    %dma_wait3A_283 = arith.constant 0 : i32
    %dma_wait3A_284 = tpu.memref_slice %arg7[%dma_wait3A_280, %dma_wait3A_282, %dma_wait3A_283] : memref<5x125x16xf32, #tpu.memory_space<vmem>> -> memref<1x125x16xf32, #tpu.memory_space<vmem>>
    %dma_wait3A_285 = tpu.memref_squeeze %dma_wait3A_284 : memref<1x125x16xf32, #tpu.memory_space<vmem>> -> memref<125x16xf32, #tpu.memory_space<vmem>>
    %dma_wait3A_286 = arith.constant 0 : i32
    %dma_wait3A_287 = tpu.memref_slice %arg6[%dma_wait3A_281, %dma_wait3A_286] : memref<80x125xi32, #tpu.memory_space<vmem>> -> memref<1x125xi32, #tpu.memory_space<vmem>>
    %dma_wait3A_288 = tpu.memref_squeeze %dma_wait3A_287 : memref<1x125xi32, #tpu.memory_space<vmem>> -> memref<125xi32, #tpu.memory_space<vmem>>
    %dma_wait3A_289 = arith.constant 0 : i32
    %dma_wait3A_290 = arith.constant 0 : i32
    %dma_wait3A_291 = tpu.memref_slice %arg9[%dma_wait3A_289, %dma_wait3A_290] : memref<10240x16xf32, #tpu.memory_space<vmem_shared>> -> memref<10240x16xf32, #tpu.memory_space<vmem_shared>>
    tpu.wait_indirect_dma semaphore(%arg20 : memref<!tpu.dma_semaphore, #tpu.memory_space<semaphore_mem>>) src(%dma_wait3A_285 : memref<125x16xf32, #tpu.memory_space<vmem>>) dst(%dma_wait3A_291 : memref<10240x16xf32, #tpu.memory_space<vmem_shared>>)
    %dma_wait3A_292 = arith.constant 4 : i32
    %dma_wait3A_293 = arith.constant 79 : i32
    %dma_wait3A_294 = arith.constant 0 : i32
    %dma_wait3A_295 = arith.constant 0 : i32
    %dma_wait3A_296 = tpu.memref_slice %arg7[%dma_wait3A_292, %dma_wait3A_294, %dma_wait3A_295] : memref<5x125x16xf32, #tpu.memory_space<vmem>> -> memref<1x125x16xf32, #tpu.memory_space<vmem>>
    %dma_wait3A_297 = tpu.memref_squeeze %dma_wait3A_296 : memref<1x125x16xf32, #tpu.memory_space<vmem>> -> memref<125x16xf32, #tpu.memory_space<vmem>>
    %dma_wait3A_298 = arith.constant 0 : i32
    %dma_wait3A_299 = tpu.memref_slice %arg6[%dma_wait3A_293, %dma_wait3A_298] : memref<80x125xi32, #tpu.memory_space<vmem>> -> memref<1x125xi32, #tpu.memory_space<vmem>>
    %dma_wait3A_300 = tpu.memref_squeeze %dma_wait3A_299 : memref<1x125xi32, #tpu.memory_space<vmem>> -> memref<125xi32, #tpu.memory_space<vmem>>
    %dma_wait3A_301 = arith.constant 0 : i32
    %dma_wait3A_302 = arith.constant 0 : i32
    %dma_wait3A_303 = tpu.memref_slice %arg9[%dma_wait3A_301, %dma_wait3A_302] : memref<10240x16xf32, #tpu.memory_space<vmem_shared>> -> memref<10240x16xf32, #tpu.memory_space<vmem_shared>>
    tpu.wait_indirect_dma semaphore(%arg21 : memref<!tpu.dma_semaphore, #tpu.memory_space<semaphore_mem>>) src(%dma_wait3A_297 : memref<125x16xf32, #tpu.memory_space<vmem>>) dst(%dma_wait3A_303 : memref<10240x16xf32, #tpu.memory_space<vmem_shared>>)
    %barrier3A_304 = arith.constant 0 : index
    tpu.barrier barrier_id(%barrier3A_304)
    %mul3A_305 = arith.constant 640 : i32
    %mul3A_306 = arith.muli %arg1, %mul3A_305 : i32
    "tpu.region"() ({
      %run_scoped3A = tpu.sem_alloc : memref<!tpu.dma_semaphore, #tpu.memory_space<semaphore_mem>>
      %dma_start3A_309 = arith.constant 0 : i32
      %dma_start3A_310 = tpu.memref_slice %arg9[%mul3A_306, %dma_start3A_309] : memref<10240x16xf32, #tpu.memory_space<vmem_shared>> -> memref<640x16xf32, #tpu.memory_space<vmem_shared>>
      %dma_start3A_311 = arith.constant 0 : i32
      %dma_start3A_312 = tpu.memref_slice %arg9[%mul3A_306, %dma_start3A_311] : memref<10240x16xf32, #tpu.memory_space<vmem_shared>> -> memref<640x16xf32, #tpu.memory_space<vmem_shared>>
      tpu.enqueue_dma source(%dma_start3A_312 : memref<640x16xf32, #tpu.memory_space<vmem_shared>>) target(%arg8 : memref<640x16xf32, #tpu.memory_space<vmem>>) target_semaphore(%run_scoped3A : memref<!tpu.dma_semaphore, #tpu.memory_space<semaphore_mem>>)
      %dma_wait3A_313 = arith.constant 0 : i32
      %dma_wait3A_314 = tpu.memref_slice %arg9[%mul3A_306, %dma_wait3A_313] : memref<10240x16xf32, #tpu.memory_space<vmem_shared>> -> memref<640x16xf32, #tpu.memory_space<vmem_shared>>
      %dma_wait3A_315 = arith.constant 0 : i32
      %dma_wait3A_316 = tpu.memref_slice %arg9[%mul3A_306, %dma_wait3A_315] : memref<10240x16xf32, #tpu.memory_space<vmem_shared>> -> memref<640x16xf32, #tpu.memory_space<vmem_shared>>
      tpu.wait_dma2 semaphore(%run_scoped3A : memref<!tpu.dma_semaphore, #tpu.memory_space<semaphore_mem>>) src(%dma_wait3A_316 : memref<640x16xf32, #tpu.memory_space<vmem_shared>>) dst(%arg8 : memref<640x16xf32, #tpu.memory_space<vmem>>)
      tpu.yield
    }) : () -> ()
    %mul3A_307 = arith.constant 640 : i32
    %mul3A_308 = arith.muli %arg1, %mul3A_307 : i32
    "tpu.region"() ({
      %run_scoped3A = tpu.sem_alloc : memref<!tpu.dma_semaphore, #tpu.memory_space<semaphore_mem>>
      %dma_start3A_309 = arith.constant 0 : i32
      %dma_start3A_310 = tpu.memref_slice %arg4[%arg0, %mul3A_308, %dma_start3A_309] : memref<2x10240x16xf32, #tpu.memory_space<hbm>> -> memref<1x640x16xf32, #tpu.memory_space<hbm>>
      %dma_start3A_311 = tpu.memref_squeeze %dma_start3A_310 : memref<1x640x16xf32, #tpu.memory_space<hbm>> -> memref<640x16xf32, #tpu.memory_space<hbm>>
      %dma_start3A_312 = arith.constant 0 : i32
      %dma_start3A_313 = tpu.memref_slice %arg4[%arg0, %mul3A_308, %dma_start3A_312] : memref<2x10240x16xf32, #tpu.memory_space<hbm>> -> memref<1x640x16xf32, #tpu.memory_space<hbm>>
      %dma_start3A_314 = tpu.memref_squeeze %dma_start3A_313 : memref<1x640x16xf32, #tpu.memory_space<hbm>> -> memref<640x16xf32, #tpu.memory_space<hbm>>
      tpu.enqueue_dma source(%arg8 : memref<640x16xf32, #tpu.memory_space<vmem>>) target(%dma_start3A_314 : memref<640x16xf32, #tpu.memory_space<hbm>>) target_semaphore(%run_scoped3A : memref<!tpu.dma_semaphore, #tpu.memory_space<semaphore_mem>>)
      %dma_wait3A_315 = arith.constant 0 : i32
      %dma_wait3A_316 = tpu.memref_slice %arg4[%arg0, %mul3A_308, %dma_wait3A_315] : memref<2x10240x16xf32, #tpu.memory_space<hbm>> -> memref<1x640x16xf32, #tpu.memory_space<hbm>>
      %dma_wait3A_317 = tpu.memref_squeeze %dma_wait3A_316 : memref<1x640x16xf32, #tpu.memory_space<hbm>> -> memref<640x16xf32, #tpu.memory_space<hbm>>
      %dma_wait3A_318 = arith.constant 0 : i32
      %dma_wait3A_319 = tpu.memref_slice %arg4[%arg0, %mul3A_308, %dma_wait3A_318] : memref<2x10240x16xf32, #tpu.memory_space<hbm>> -> memref<1x640x16xf32, #tpu.memory_space<hbm>>
      %dma_wait3A_320 = tpu.memref_squeeze %dma_wait3A_319 : memref<1x640x16xf32, #tpu.memory_space<hbm>> -> memref<640x16xf32, #tpu.memory_space<hbm>>
      tpu.wait_dma2 semaphore(%run_scoped3A : memref<!tpu.dma_semaphore, #tpu.memory_space<semaphore_mem>>) src(%arg8 : memref<640x16xf32, #tpu.memory_space<vmem>>) dst(%dma_wait3A_320 : memref<640x16xf32, #tpu.memory_space<hbm>>)
      tpu.yield
    }) : () -> ()
    return
  }
}

#map = affine_map<(d0, d1) -> (0, 0, 0, 0)>
#map1 = affine_map<(d0, d1) -> (0, 0, 0)>
module attributes {stable_mosaic.version = 14 : i64} {
  func.func @_deg_call(%arg0: i32, %arg1: i32, %arg2: memref<2x32x80x125xi32, #tpu.memory_space<hbm>>, %arg3: memref<2x10240x16xf32, #tpu.memory_space<hbm>>, %arg4: memref<80x125xi32, #tpu.memory_space<vmem>>, %arg5: memref<125x16xf32, #tpu.memory_space<vmem>>, %arg6: memref<640x16xf32, #tpu.memory_space<vmem>>, %arg7: memref<10240x16xf32, #tpu.memory_space<vmem_shared>>, %arg8: memref<!tpu.dma_semaphore, #tpu.memory_space<semaphore_mem>>, %arg9: memref<!tpu.dma_semaphore, #tpu.memory_space<semaphore_mem>>, %arg10: memref<!tpu.dma_semaphore, #tpu.memory_space<semaphore_mem>>, %arg11: memref<!tpu.dma_semaphore, #tpu.memory_space<semaphore_mem>>, %arg12: memref<!tpu.dma_semaphore, #tpu.memory_space<semaphore_mem>>) attributes {dimension_semantics = [#tpu.dimension_semantics<core_parallel>, #tpu.dimension_semantics<subcore_parallel>], iteration_bounds = array<i64: 2, 16>, scalar_prefetch = 0 : i64, scratch_operands = 9 : i64, tpu.core_type = #tpu.core_type<sc_vector_subcore>, window_params = [{transform_indices = #map}, {transform_indices = #map1}]} {
    %mul3A = arith.constant 2 : i32
    %mul3A_0 = arith.muli %arg1, %mul3A : i32
    %add3A = arith.addi %mul3A_0, %arg0 : i32
    %dma_start3A = arith.constant 1 : i32
    %dma_start3A_1 = arith.constant 0 : i32
    %dma_start3A_2 = arith.constant 0 : i32
    %dma_start3A_3 = tpu.memref_slice %arg2[%dma_start3A, %add3A, %dma_start3A_1, %dma_start3A_2] : memref<2x32x80x125xi32, #tpu.memory_space<hbm>> -> memref<1x1x80x125xi32, #tpu.memory_space<hbm>>
    %dma_start3A_4 = tpu.memref_squeeze %dma_start3A_3 : memref<1x1x80x125xi32, #tpu.memory_space<hbm>> -> memref<80x125xi32, #tpu.memory_space<hbm>>
    %dma_start3A_5 = arith.constant 0 : i32
    %dma_start3A_6 = arith.constant 0 : i32
    %dma_start3A_7 = tpu.memref_slice %arg2[%dma_start3A, %add3A, %dma_start3A_5, %dma_start3A_6] : memref<2x32x80x125xi32, #tpu.memory_space<hbm>> -> memref<1x1x80x125xi32, #tpu.memory_space<hbm>>
    %dma_start3A_8 = tpu.memref_squeeze %dma_start3A_7 : memref<1x1x80x125xi32, #tpu.memory_space<hbm>> -> memref<80x125xi32, #tpu.memory_space<hbm>>
    tpu.enqueue_dma source(%dma_start3A_8 : memref<80x125xi32, #tpu.memory_space<hbm>>) target(%arg4 : memref<80x125xi32, #tpu.memory_space<vmem>>) target_semaphore(%arg8 : memref<!tpu.dma_semaphore, #tpu.memory_space<semaphore_mem>>)
    %scan3A = arith.constant 0 : i32
    %scan3A_9 = arith.constant 0 : i32
    %scan3A_10 = arith.constant 125 : i32
    %scan3A_11 = arith.addi %scan3A_9, %scan3A_10 : i32
    %scan3A_12 = arith.constant 1 : i32
    %scan3A_13 = scf.for %scan3A_114 = %scan3A_9 to %scan3A_11 step %scan3A_12 iter_args(%scan3A_115 = %scan3A) -> (i32)  : i32 {
      %broadcast_in_dim3A = arith.constant 1.000000e+00 : f32
      %broadcast_in_dim3A_116 = vector.broadcast %broadcast_in_dim3A : f32 to vector<16xf32>
      %swap3A = arith.index_cast %scan3A_114 : i32 to index
      %swap3A_117 = arith.constant 0 : index
      %swap3A_118 = tpu.vector_load %arg5[%swap3A, %swap3A_117] {strides = array<i32>} : memref<125x16xf32, #tpu.memory_space<vmem>>, vector<1x16xf32>,
      %swap3A_119 = vector.shape_cast %swap3A_118 : vector<1x16xf32> to vector<16xf32>
      %swap3A_120 = vector.shape_cast %broadcast_in_dim3A_116 : vector<16xf32> to vector<1x16xf32>
      tpu.vector_store %arg5[%swap3A, %swap3A_117], %swap3A_120 {strides = array<i32>} : memref<125x16xf32, #tpu.memory_space<vmem>>, vector<1x16xf32>,
      %scan3A_121 = arith.constant 0 : i32
      scf.yield %scan3A_121 : i32
    }
    %scan3A_14 = arith.constant 125 : i32
    %scan3A_15 = arith.constant 0 : i32
    %scan3A_16 = arith.constant 0 : i32
    %scan3A_17 = arith.constant 640 : i32
    %scan3A_18 = arith.addi %scan3A_16, %scan3A_17 : i32
    %scan3A_19 = arith.constant 1 : i32
    %scan3A_20 = scf.for %scan3A_114 = %scan3A_16 to %scan3A_18 step %scan3A_19 iter_args(%scan3A_115 = %scan3A_15) -> (i32)  : i32 {
      %broadcast_in_dim3A = arith.constant 0.000000e+00 : f32
      %broadcast_in_dim3A_116 = vector.broadcast %broadcast_in_dim3A : f32 to vector<16xf32>
      %swap3A = arith.index_cast %scan3A_114 : i32 to index
      %swap3A_117 = arith.constant 0 : index
      %swap3A_118 = tpu.vector_load %arg6[%swap3A, %swap3A_117] {strides = array<i32>} : memref<640x16xf32, #tpu.memory_space<vmem>>, vector<1x16xf32>,
      %swap3A_119 = vector.shape_cast %swap3A_118 : vector<1x16xf32> to vector<16xf32>
      %swap3A_120 = vector.shape_cast %broadcast_in_dim3A_116 : vector<16xf32> to vector<1x16xf32>
      tpu.vector_store %arg6[%swap3A, %swap3A_117], %swap3A_120 {strides = array<i32>} : memref<640x16xf32, #tpu.memory_space<vmem>>, vector<1x16xf32>,
      %scan3A_121 = arith.constant 0 : i32
      scf.yield %scan3A_121 : i32
    }
    %scan3A_21 = arith.constant 640 : i32
    %mul3A_22 = arith.constant 640 : i32
    %mul3A_23 = arith.muli %arg1, %mul3A_22 : i32
    "tpu.region"() ({
      %run_scoped3A = tpu.sem_alloc : memref<!tpu.dma_semaphore, #tpu.memory_space<semaphore_mem>>
      %dma_start3A_114 = arith.constant 0 : i32
      %dma_start3A_115 = tpu.memref_slice %arg7[%mul3A_23, %dma_start3A_114] : memref<10240x16xf32, #tpu.memory_space<vmem_shared>> -> memref<640x16xf32, #tpu.memory_space<vmem_shared>>
      %dma_start3A_116 = arith.constant 0 : i32
      %dma_start3A_117 = tpu.memref_slice %arg7[%mul3A_23, %dma_start3A_116] : memref<10240x16xf32, #tpu.memory_space<vmem_shared>> -> memref<640x16xf32, #tpu.memory_space<vmem_shared>>
      tpu.enqueue_dma source(%arg6 : memref<640x16xf32, #tpu.memory_space<vmem>>) target(%dma_start3A_117 : memref<640x16xf32, #tpu.memory_space<vmem_shared>>) target_semaphore(%run_scoped3A : memref<!tpu.dma_semaphore, #tpu.memory_space<semaphore_mem>>)
      %dma_wait3A_118 = arith.constant 0 : i32
      %dma_wait3A_119 = tpu.memref_slice %arg7[%mul3A_23, %dma_wait3A_118] : memref<10240x16xf32, #tpu.memory_space<vmem_shared>> -> memref<640x16xf32, #tpu.memory_space<vmem_shared>>
      %dma_wait3A_120 = arith.constant 0 : i32
      %dma_wait3A_121 = tpu.memref_slice %arg7[%mul3A_23, %dma_wait3A_120] : memref<10240x16xf32, #tpu.memory_space<vmem_shared>> -> memref<640x16xf32, #tpu.memory_space<vmem_shared>>
      tpu.wait_dma2 semaphore(%run_scoped3A : memref<!tpu.dma_semaphore, #tpu.memory_space<semaphore_mem>>) src(%arg6 : memref<640x16xf32, #tpu.memory_space<vmem>>) dst(%dma_wait3A_121 : memref<640x16xf32, #tpu.memory_space<vmem_shared>>)
      tpu.yield
    }) : () -> ()
    %dma_wait3A = arith.constant 1 : i32
    %dma_wait3A_24 = arith.constant 0 : i32
    %dma_wait3A_25 = arith.constant 0 : i32
    %dma_wait3A_26 = tpu.memref_slice %arg2[%dma_wait3A, %add3A, %dma_wait3A_24, %dma_wait3A_25] : memref<2x32x80x125xi32, #tpu.memory_space<hbm>> -> memref<1x1x80x125xi32, #tpu.memory_space<hbm>>
    %dma_wait3A_27 = tpu.memref_squeeze %dma_wait3A_26 : memref<1x1x80x125xi32, #tpu.memory_space<hbm>> -> memref<80x125xi32, #tpu.memory_space<hbm>>
    %dma_wait3A_28 = arith.constant 0 : i32
    %dma_wait3A_29 = arith.constant 0 : i32
    %dma_wait3A_30 = tpu.memref_slice %arg2[%dma_wait3A, %add3A, %dma_wait3A_28, %dma_wait3A_29] : memref<2x32x80x125xi32, #tpu.memory_space<hbm>> -> memref<1x1x80x125xi32, #tpu.memory_space<hbm>>
    %dma_wait3A_31 = tpu.memref_squeeze %dma_wait3A_30 : memref<1x1x80x125xi32, #tpu.memory_space<hbm>> -> memref<80x125xi32, #tpu.memory_space<hbm>>
    tpu.wait_dma2 semaphore(%arg8 : memref<!tpu.dma_semaphore, #tpu.memory_space<semaphore_mem>>) src(%dma_wait3A_31 : memref<80x125xi32, #tpu.memory_space<hbm>>) dst(%arg4 : memref<80x125xi32, #tpu.memory_space<vmem>>)
    %barrier3A = arith.constant 0 : index
    tpu.barrier barrier_id(%barrier3A)
    %dma_start3A_32 = arith.constant 0 : i32
    %dma_start3A_33 = arith.constant 0 : i32
    %dma_start3A_34 = tpu.memref_slice %arg4[%dma_start3A_32, %dma_start3A_33] : memref<80x125xi32, #tpu.memory_space<vmem>> -> memref<1x125xi32, #tpu.memory_space<vmem>>
    %dma_start3A_35 = tpu.memref_squeeze %dma_start3A_34 : memref<1x125xi32, #tpu.memory_space<vmem>> -> memref<125xi32, #tpu.memory_space<vmem>>
    %dma_start3A_36 = arith.constant 0 : i32
    %dma_start3A_37 = arith.constant 0 : i32
    %dma_start3A_38 = tpu.memref_slice %arg7[%dma_start3A_36, %dma_start3A_37] : memref<10240x16xf32, #tpu.memory_space<vmem_shared>> -> memref<10240x16xf32, #tpu.memory_space<vmem_shared>>
    tpu.enqueue_indirect_dma source(%arg5 : memref<125x16xf32, #tpu.memory_space<vmem>>) target(%dma_start3A_38 : memref<10240x16xf32, #tpu.memory_space<vmem_shared>>) offsets(%dma_start3A_35 : memref<125xi32, #tpu.memory_space<vmem>>) semaphore(%arg8 : memref<!tpu.dma_semaphore, #tpu.memory_space<semaphore_mem>>) {add = true}
    %dma_start3A_39 = arith.constant 1 : i32
    %dma_start3A_40 = arith.constant 0 : i32
    %dma_start3A_41 = tpu.memref_slice %arg4[%dma_start3A_39, %dma_start3A_40] : memref<80x125xi32, #tpu.memory_space<vmem>> -> memref<1x125xi32, #tpu.memory_space<vmem>>
    %dma_start3A_42 = tpu.memref_squeeze %dma_start3A_41 : memref<1x125xi32, #tpu.memory_space<vmem>> -> memref<125xi32, #tpu.memory_space<vmem>>
    %dma_start3A_43 = arith.constant 0 : i32
    %dma_start3A_44 = arith.constant 0 : i32
    %dma_start3A_45 = tpu.memref_slice %arg7[%dma_start3A_43, %dma_start3A_44] : memref<10240x16xf32, #tpu.memory_space<vmem_shared>> -> memref<10240x16xf32, #tpu.memory_space<vmem_shared>>
    tpu.enqueue_indirect_dma source(%arg5 : memref<125x16xf32, #tpu.memory_space<vmem>>) target(%dma_start3A_45 : memref<10240x16xf32, #tpu.memory_space<vmem_shared>>) offsets(%dma_start3A_42 : memref<125xi32, #tpu.memory_space<vmem>>) semaphore(%arg9 : memref<!tpu.dma_semaphore, #tpu.memory_space<semaphore_mem>>) {add = true}
    %dma_start3A_46 = arith.constant 2 : i32
    %dma_start3A_47 = arith.constant 0 : i32
    %dma_start3A_48 = tpu.memref_slice %arg4[%dma_start3A_46, %dma_start3A_47] : memref<80x125xi32, #tpu.memory_space<vmem>> -> memref<1x125xi32, #tpu.memory_space<vmem>>
    %dma_start3A_49 = tpu.memref_squeeze %dma_start3A_48 : memref<1x125xi32, #tpu.memory_space<vmem>> -> memref<125xi32, #tpu.memory_space<vmem>>
    %dma_start3A_50 = arith.constant 0 : i32
    %dma_start3A_51 = arith.constant 0 : i32
    %dma_start3A_52 = tpu.memref_slice %arg7[%dma_start3A_50, %dma_start3A_51] : memref<10240x16xf32, #tpu.memory_space<vmem_shared>> -> memref<10240x16xf32, #tpu.memory_space<vmem_shared>>
    tpu.enqueue_indirect_dma source(%arg5 : memref<125x16xf32, #tpu.memory_space<vmem>>) target(%dma_start3A_52 : memref<10240x16xf32, #tpu.memory_space<vmem_shared>>) offsets(%dma_start3A_49 : memref<125xi32, #tpu.memory_space<vmem>>) semaphore(%arg10 : memref<!tpu.dma_semaphore, #tpu.memory_space<semaphore_mem>>) {add = true}
    %dma_start3A_53 = arith.constant 3 : i32
    %dma_start3A_54 = arith.constant 0 : i32
    %dma_start3A_55 = tpu.memref_slice %arg4[%dma_start3A_53, %dma_start3A_54] : memref<80x125xi32, #tpu.memory_space<vmem>> -> memref<1x125xi32, #tpu.memory_space<vmem>>
    %dma_start3A_56 = tpu.memref_squeeze %dma_start3A_55 : memref<1x125xi32, #tpu.memory_space<vmem>> -> memref<125xi32, #tpu.memory_space<vmem>>
    %dma_start3A_57 = arith.constant 0 : i32
    %dma_start3A_58 = arith.constant 0 : i32
    %dma_start3A_59 = tpu.memref_slice %arg7[%dma_start3A_57, %dma_start3A_58] : memref<10240x16xf32, #tpu.memory_space<vmem_shared>> -> memref<10240x16xf32, #tpu.memory_space<vmem_shared>>
    tpu.enqueue_indirect_dma source(%arg5 : memref<125x16xf32, #tpu.memory_space<vmem>>) target(%dma_start3A_59 : memref<10240x16xf32, #tpu.memory_space<vmem_shared>>) offsets(%dma_start3A_56 : memref<125xi32, #tpu.memory_space<vmem>>) semaphore(%arg11 : memref<!tpu.dma_semaphore, #tpu.memory_space<semaphore_mem>>) {add = true}
    %dma_start3A_60 = arith.constant 4 : i32
    %dma_start3A_61 = arith.constant 0 : i32
    %dma_start3A_62 = tpu.memref_slice %arg4[%dma_start3A_60, %dma_start3A_61] : memref<80x125xi32, #tpu.memory_space<vmem>> -> memref<1x125xi32, #tpu.memory_space<vmem>>
    %dma_start3A_63 = tpu.memref_squeeze %dma_start3A_62 : memref<1x125xi32, #tpu.memory_space<vmem>> -> memref<125xi32, #tpu.memory_space<vmem>>
    %dma_start3A_64 = arith.constant 0 : i32
    %dma_start3A_65 = arith.constant 0 : i32
    %dma_start3A_66 = tpu.memref_slice %arg7[%dma_start3A_64, %dma_start3A_65] : memref<10240x16xf32, #tpu.memory_space<vmem_shared>> -> memref<10240x16xf32, #tpu.memory_space<vmem_shared>>
    tpu.enqueue_indirect_dma source(%arg5 : memref<125x16xf32, #tpu.memory_space<vmem>>) target(%dma_start3A_66 : memref<10240x16xf32, #tpu.memory_space<vmem_shared>>) offsets(%dma_start3A_63 : memref<125xi32, #tpu.memory_space<vmem>>) semaphore(%arg12 : memref<!tpu.dma_semaphore, #tpu.memory_space<semaphore_mem>>) {add = true}
    %scan3A_67 = arith.constant 0 : i32
    %scan3A_68 = arith.constant 1 : i32
    %scan3A_69 = arith.constant 15 : i32
    %scan3A_70 = arith.addi %scan3A_68, %scan3A_69 : i32
    %scan3A_71 = arith.constant 1 : i32
    %scan3A_72 = scf.for %scan3A_114 = %scan3A_68 to %scan3A_70 step %scan3A_71 iter_args(%scan3A_115 = %scan3A_67) -> (i32)  : i32 {
      %mul3A_116 = arith.constant 5 : i32
      %mul3A_117 = arith.muli %mul3A_116, %scan3A_114 : i32
      %sub3A = arith.constant 5 : i32
      %sub3A_118 = arith.subi %mul3A_117, %sub3A : i32
      %add3A_119 = arith.constant 0 : i32
      %add3A_120 = arith.addi %sub3A_118, %add3A_119 : i32
      %dma_wait3A_121 = arith.constant 0 : i32
      %dma_wait3A_122 = tpu.memref_slice %arg4[%add3A_120, %dma_wait3A_121] : memref<80x125xi32, #tpu.memory_space<vmem>> -> memref<1x125xi32, #tpu.memory_space<vmem>>
      %dma_wait3A_123 = tpu.memref_squeeze %dma_wait3A_122 : memref<1x125xi32, #tpu.memory_space<vmem>> -> memref<125xi32, #tpu.memory_space<vmem>>
      %dma_wait3A_124 = arith.constant 0 : i32
      %dma_wait3A_125 = arith.constant 0 : i32
      %dma_wait3A_126 = tpu.memref_slice %arg7[%dma_wait3A_124, %dma_wait3A_125] : memref<10240x16xf32, #tpu.memory_space<vmem_shared>> -> memref<10240x16xf32, #tpu.memory_space<vmem_shared>>
      tpu.wait_indirect_dma semaphore(%arg8 : memref<!tpu.dma_semaphore, #tpu.memory_space<semaphore_mem>>) src(%arg5 : memref<125x16xf32, #tpu.memory_space<vmem>>) dst(%dma_wait3A_126 : memref<10240x16xf32, #tpu.memory_space<vmem_shared>>)
      %add3A_127 = arith.constant 0 : i32
      %add3A_128 = arith.addi %mul3A_117, %add3A_127 : i32
      %dma_start3A_129 = arith.constant 0 : i32
      %dma_start3A_130 = tpu.memref_slice %arg4[%add3A_128, %dma_start3A_129] : memref<80x125xi32, #tpu.memory_space<vmem>> -> memref<1x125xi32, #tpu.memory_space<vmem>>
      %dma_start3A_131 = tpu.memref_squeeze %dma_start3A_130 : memref<1x125xi32, #tpu.memory_space<vmem>> -> memref<125xi32, #tpu.memory_space<vmem>>
      %dma_start3A_132 = arith.constant 0 : i32
      %dma_start3A_133 = arith.constant 0 : i32
      %dma_start3A_134 = tpu.memref_slice %arg7[%dma_start3A_132, %dma_start3A_133] : memref<10240x16xf32, #tpu.memory_space<vmem_shared>> -> memref<10240x16xf32, #tpu.memory_space<vmem_shared>>
      tpu.enqueue_indirect_dma source(%arg5 : memref<125x16xf32, #tpu.memory_space<vmem>>) target(%dma_start3A_134 : memref<10240x16xf32, #tpu.memory_space<vmem_shared>>) offsets(%dma_start3A_131 : memref<125xi32, #tpu.memory_space<vmem>>) semaphore(%arg8 : memref<!tpu.dma_semaphore, #tpu.memory_space<semaphore_mem>>) {add = true}
      %sub3A_135 = arith.constant 5 : i32
      %sub3A_136 = arith.subi %mul3A_117, %sub3A_135 : i32
      %add3A_137 = arith.constant 1 : i32
      %add3A_138 = arith.addi %sub3A_136, %add3A_137 : i32
      %dma_wait3A_139 = arith.constant 0 : i32
      %dma_wait3A_140 = tpu.memref_slice %arg4[%add3A_138, %dma_wait3A_139] : memref<80x125xi32, #tpu.memory_space<vmem>> -> memref<1x125xi32, #tpu.memory_space<vmem>>
      %dma_wait3A_141 = tpu.memref_squeeze %dma_wait3A_140 : memref<1x125xi32, #tpu.memory_space<vmem>> -> memref<125xi32, #tpu.memory_space<vmem>>
      %dma_wait3A_142 = arith.constant 0 : i32
      %dma_wait3A_143 = arith.constant 0 : i32
      %dma_wait3A_144 = tpu.memref_slice %arg7[%dma_wait3A_142, %dma_wait3A_143] : memref<10240x16xf32, #tpu.memory_space<vmem_shared>> -> memref<10240x16xf32, #tpu.memory_space<vmem_shared>>
      tpu.wait_indirect_dma semaphore(%arg9 : memref<!tpu.dma_semaphore, #tpu.memory_space<semaphore_mem>>) src(%arg5 : memref<125x16xf32, #tpu.memory_space<vmem>>) dst(%dma_wait3A_144 : memref<10240x16xf32, #tpu.memory_space<vmem_shared>>)
      %add3A_145 = arith.constant 1 : i32
      %add3A_146 = arith.addi %mul3A_117, %add3A_145 : i32
      %dma_start3A_147 = arith.constant 0 : i32
      %dma_start3A_148 = tpu.memref_slice %arg4[%add3A_146, %dma_start3A_147] : memref<80x125xi32, #tpu.memory_space<vmem>> -> memref<1x125xi32, #tpu.memory_space<vmem>>
      %dma_start3A_149 = tpu.memref_squeeze %dma_start3A_148 : memref<1x125xi32, #tpu.memory_space<vmem>> -> memref<125xi32, #tpu.memory_space<vmem>>
      %dma_start3A_150 = arith.constant 0 : i32
      %dma_start3A_151 = arith.constant 0 : i32
      %dma_start3A_152 = tpu.memref_slice %arg7[%dma_start3A_150, %dma_start3A_151] : memref<10240x16xf32, #tpu.memory_space<vmem_shared>> -> memref<10240x16xf32, #tpu.memory_space<vmem_shared>>
      tpu.enqueue_indirect_dma source(%arg5 : memref<125x16xf32, #tpu.memory_space<vmem>>) target(%dma_start3A_152 : memref<10240x16xf32, #tpu.memory_space<vmem_shared>>) offsets(%dma_start3A_149 : memref<125xi32, #tpu.memory_space<vmem>>) semaphore(%arg9 : memref<!tpu.dma_semaphore, #tpu.memory_space<semaphore_mem>>) {add = true}
      %sub3A_153 = arith.constant 5 : i32
      %sub3A_154 = arith.subi %mul3A_117, %sub3A_153 : i32
      %add3A_155 = arith.constant 2 : i32
      %add3A_156 = arith.addi %sub3A_154, %add3A_155 : i32
      %dma_wait3A_157 = arith.constant 0 : i32
      %dma_wait3A_158 = tpu.memref_slice %arg4[%add3A_156, %dma_wait3A_157] : memref<80x125xi32, #tpu.memory_space<vmem>> -> memref<1x125xi32, #tpu.memory_space<vmem>>
      %dma_wait3A_159 = tpu.memref_squeeze %dma_wait3A_158 : memref<1x125xi32, #tpu.memory_space<vmem>> -> memref<125xi32, #tpu.memory_space<vmem>>
      %dma_wait3A_160 = arith.constant 0 : i32
      %dma_wait3A_161 = arith.constant 0 : i32
      %dma_wait3A_162 = tpu.memref_slice %arg7[%dma_wait3A_160, %dma_wait3A_161] : memref<10240x16xf32, #tpu.memory_space<vmem_shared>> -> memref<10240x16xf32, #tpu.memory_space<vmem_shared>>
      tpu.wait_indirect_dma semaphore(%arg10 : memref<!tpu.dma_semaphore, #tpu.memory_space<semaphore_mem>>) src(%arg5 : memref<125x16xf32, #tpu.memory_space<vmem>>) dst(%dma_wait3A_162 : memref<10240x16xf32, #tpu.memory_space<vmem_shared>>)
      %add3A_163 = arith.constant 2 : i32
      %add3A_164 = arith.addi %mul3A_117, %add3A_163 : i32
      %dma_start3A_165 = arith.constant 0 : i32
      %dma_start3A_166 = tpu.memref_slice %arg4[%add3A_164, %dma_start3A_165] : memref<80x125xi32, #tpu.memory_space<vmem>> -> memref<1x125xi32, #tpu.memory_space<vmem>>
      %dma_start3A_167 = tpu.memref_squeeze %dma_start3A_166 : memref<1x125xi32, #tpu.memory_space<vmem>> -> memref<125xi32, #tpu.memory_space<vmem>>
      %dma_start3A_168 = arith.constant 0 : i32
      %dma_start3A_169 = arith.constant 0 : i32
      %dma_start3A_170 = tpu.memref_slice %arg7[%dma_start3A_168, %dma_start3A_169] : memref<10240x16xf32, #tpu.memory_space<vmem_shared>> -> memref<10240x16xf32, #tpu.memory_space<vmem_shared>>
      tpu.enqueue_indirect_dma source(%arg5 : memref<125x16xf32, #tpu.memory_space<vmem>>) target(%dma_start3A_170 : memref<10240x16xf32, #tpu.memory_space<vmem_shared>>) offsets(%dma_start3A_167 : memref<125xi32, #tpu.memory_space<vmem>>) semaphore(%arg10 : memref<!tpu.dma_semaphore, #tpu.memory_space<semaphore_mem>>) {add = true}
      %sub3A_171 = arith.constant 5 : i32
      %sub3A_172 = arith.subi %mul3A_117, %sub3A_171 : i32
      %add3A_173 = arith.constant 3 : i32
      %add3A_174 = arith.addi %sub3A_172, %add3A_173 : i32
      %dma_wait3A_175 = arith.constant 0 : i32
      %dma_wait3A_176 = tpu.memref_slice %arg4[%add3A_174, %dma_wait3A_175] : memref<80x125xi32, #tpu.memory_space<vmem>> -> memref<1x125xi32, #tpu.memory_space<vmem>>
      %dma_wait3A_177 = tpu.memref_squeeze %dma_wait3A_176 : memref<1x125xi32, #tpu.memory_space<vmem>> -> memref<125xi32, #tpu.memory_space<vmem>>
      %dma_wait3A_178 = arith.constant 0 : i32
      %dma_wait3A_179 = arith.constant 0 : i32
      %dma_wait3A_180 = tpu.memref_slice %arg7[%dma_wait3A_178, %dma_wait3A_179] : memref<10240x16xf32, #tpu.memory_space<vmem_shared>> -> memref<10240x16xf32, #tpu.memory_space<vmem_shared>>
      tpu.wait_indirect_dma semaphore(%arg11 : memref<!tpu.dma_semaphore, #tpu.memory_space<semaphore_mem>>) src(%arg5 : memref<125x16xf32, #tpu.memory_space<vmem>>) dst(%dma_wait3A_180 : memref<10240x16xf32, #tpu.memory_space<vmem_shared>>)
      %add3A_181 = arith.constant 3 : i32
      %add3A_182 = arith.addi %mul3A_117, %add3A_181 : i32
      %dma_start3A_183 = arith.constant 0 : i32
      %dma_start3A_184 = tpu.memref_slice %arg4[%add3A_182, %dma_start3A_183] : memref<80x125xi32, #tpu.memory_space<vmem>> -> memref<1x125xi32, #tpu.memory_space<vmem>>
      %dma_start3A_185 = tpu.memref_squeeze %dma_start3A_184 : memref<1x125xi32, #tpu.memory_space<vmem>> -> memref<125xi32, #tpu.memory_space<vmem>>
      %dma_start3A_186 = arith.constant 0 : i32
      %dma_start3A_187 = arith.constant 0 : i32
      %dma_start3A_188 = tpu.memref_slice %arg7[%dma_start3A_186, %dma_start3A_187] : memref<10240x16xf32, #tpu.memory_space<vmem_shared>> -> memref<10240x16xf32, #tpu.memory_space<vmem_shared>>
      tpu.enqueue_indirect_dma source(%arg5 : memref<125x16xf32, #tpu.memory_space<vmem>>) target(%dma_start3A_188 : memref<10240x16xf32, #tpu.memory_space<vmem_shared>>) offsets(%dma_start3A_185 : memref<125xi32, #tpu.memory_space<vmem>>) semaphore(%arg11 : memref<!tpu.dma_semaphore, #tpu.memory_space<semaphore_mem>>) {add = true}
      %sub3A_189 = arith.constant 5 : i32
      %sub3A_190 = arith.subi %mul3A_117, %sub3A_189 : i32
      %add3A_191 = arith.constant 4 : i32
      %add3A_192 = arith.addi %sub3A_190, %add3A_191 : i32
      %dma_wait3A_193 = arith.constant 0 : i32
      %dma_wait3A_194 = tpu.memref_slice %arg4[%add3A_192, %dma_wait3A_193] : memref<80x125xi32, #tpu.memory_space<vmem>> -> memref<1x125xi32, #tpu.memory_space<vmem>>
      %dma_wait3A_195 = tpu.memref_squeeze %dma_wait3A_194 : memref<1x125xi32, #tpu.memory_space<vmem>> -> memref<125xi32, #tpu.memory_space<vmem>>
      %dma_wait3A_196 = arith.constant 0 : i32
      %dma_wait3A_197 = arith.constant 0 : i32
      %dma_wait3A_198 = tpu.memref_slice %arg7[%dma_wait3A_196, %dma_wait3A_197] : memref<10240x16xf32, #tpu.memory_space<vmem_shared>> -> memref<10240x16xf32, #tpu.memory_space<vmem_shared>>
      tpu.wait_indirect_dma semaphore(%arg12 : memref<!tpu.dma_semaphore, #tpu.memory_space<semaphore_mem>>) src(%arg5 : memref<125x16xf32, #tpu.memory_space<vmem>>) dst(%dma_wait3A_198 : memref<10240x16xf32, #tpu.memory_space<vmem_shared>>)
      %add3A_199 = arith.constant 4 : i32
      %add3A_200 = arith.addi %mul3A_117, %add3A_199 : i32
      %dma_start3A_201 = arith.constant 0 : i32
      %dma_start3A_202 = tpu.memref_slice %arg4[%add3A_200, %dma_start3A_201] : memref<80x125xi32, #tpu.memory_space<vmem>> -> memref<1x125xi32, #tpu.memory_space<vmem>>
      %dma_start3A_203 = tpu.memref_squeeze %dma_start3A_202 : memref<1x125xi32, #tpu.memory_space<vmem>> -> memref<125xi32, #tpu.memory_space<vmem>>
      %dma_start3A_204 = arith.constant 0 : i32
      %dma_start3A_205 = arith.constant 0 : i32
      %dma_start3A_206 = tpu.memref_slice %arg7[%dma_start3A_204, %dma_start3A_205] : memref<10240x16xf32, #tpu.memory_space<vmem_shared>> -> memref<10240x16xf32, #tpu.memory_space<vmem_shared>>
      tpu.enqueue_indirect_dma source(%arg5 : memref<125x16xf32, #tpu.memory_space<vmem>>) target(%dma_start3A_206 : memref<10240x16xf32, #tpu.memory_space<vmem_shared>>) offsets(%dma_start3A_203 : memref<125xi32, #tpu.memory_space<vmem>>) semaphore(%arg12 : memref<!tpu.dma_semaphore, #tpu.memory_space<semaphore_mem>>) {add = true}
      %scan3A_207 = arith.constant 0 : i32
      scf.yield %scan3A_207 : i32
    }
    %scan3A_73 = arith.constant 15 : i32
    %dma_wait3A_74 = arith.constant 75 : i32
    %dma_wait3A_75 = arith.constant 0 : i32
    %dma_wait3A_76 = tpu.memref_slice %arg4[%dma_wait3A_74, %dma_wait3A_75] : memref<80x125xi32, #tpu.memory_space<vmem>> -> memref<1x125xi32, #tpu.memory_space<vmem>>
    %dma_wait3A_77 = tpu.memref_squeeze %dma_wait3A_76 : memref<1x125xi32, #tpu.memory_space<vmem>> -> memref<125xi32, #tpu.memory_space<vmem>>
    %dma_wait3A_78 = arith.constant 0 : i32
    %dma_wait3A_79 = arith.constant 0 : i32
    %dma_wait3A_80 = tpu.memref_slice %arg7[%dma_wait3A_78, %dma_wait3A_79] : memref<10240x16xf32, #tpu.memory_space<vmem_shared>> -> memref<10240x16xf32, #tpu.memory_space<vmem_shared>>
    tpu.wait_indirect_dma semaphore(%arg8 : memref<!tpu.dma_semaphore, #tpu.memory_space<semaphore_mem>>) src(%arg5 : memref<125x16xf32, #tpu.memory_space<vmem>>) dst(%dma_wait3A_80 : memref<10240x16xf32, #tpu.memory_space<vmem_shared>>)
    %dma_wait3A_81 = arith.constant 76 : i32
    %dma_wait3A_82 = arith.constant 0 : i32
    %dma_wait3A_83 = tpu.memref_slice %arg4[%dma_wait3A_81, %dma_wait3A_82] : memref<80x125xi32, #tpu.memory_space<vmem>> -> memref<1x125xi32, #tpu.memory_space<vmem>>
    %dma_wait3A_84 = tpu.memref_squeeze %dma_wait3A_83 : memref<1x125xi32, #tpu.memory_space<vmem>> -> memref<125xi32, #tpu.memory_space<vmem>>
    %dma_wait3A_85 = arith.constant 0 : i32
    %dma_wait3A_86 = arith.constant 0 : i32
    %dma_wait3A_87 = tpu.memref_slice %arg7[%dma_wait3A_85, %dma_wait3A_86] : memref<10240x16xf32, #tpu.memory_space<vmem_shared>> -> memref<10240x16xf32, #tpu.memory_space<vmem_shared>>
    tpu.wait_indirect_dma semaphore(%arg9 : memref<!tpu.dma_semaphore, #tpu.memory_space<semaphore_mem>>) src(%arg5 : memref<125x16xf32, #tpu.memory_space<vmem>>) dst(%dma_wait3A_87 : memref<10240x16xf32, #tpu.memory_space<vmem_shared>>)
    %dma_wait3A_88 = arith.constant 77 : i32
    %dma_wait3A_89 = arith.constant 0 : i32
    %dma_wait3A_90 = tpu.memref_slice %arg4[%dma_wait3A_88, %dma_wait3A_89] : memref<80x125xi32, #tpu.memory_space<vmem>> -> memref<1x125xi32, #tpu.memory_space<vmem>>
    %dma_wait3A_91 = tpu.memref_squeeze %dma_wait3A_90 : memref<1x125xi32, #tpu.memory_space<vmem>> -> memref<125xi32, #tpu.memory_space<vmem>>
    %dma_wait3A_92 = arith.constant 0 : i32
    %dma_wait3A_93 = arith.constant 0 : i32
    %dma_wait3A_94 = tpu.memref_slice %arg7[%dma_wait3A_92, %dma_wait3A_93] : memref<10240x16xf32, #tpu.memory_space<vmem_shared>> -> memref<10240x16xf32, #tpu.memory_space<vmem_shared>>
    tpu.wait_indirect_dma semaphore(%arg10 : memref<!tpu.dma_semaphore, #tpu.memory_space<semaphore_mem>>) src(%arg5 : memref<125x16xf32, #tpu.memory_space<vmem>>) dst(%dma_wait3A_94 : memref<10240x16xf32, #tpu.memory_space<vmem_shared>>)
    %dma_wait3A_95 = arith.constant 78 : i32
    %dma_wait3A_96 = arith.constant 0 : i32
    %dma_wait3A_97 = tpu.memref_slice %arg4[%dma_wait3A_95, %dma_wait3A_96] : memref<80x125xi32, #tpu.memory_space<vmem>> -> memref<1x125xi32, #tpu.memory_space<vmem>>
    %dma_wait3A_98 = tpu.memref_squeeze %dma_wait3A_97 : memref<1x125xi32, #tpu.memory_space<vmem>> -> memref<125xi32, #tpu.memory_space<vmem>>
    %dma_wait3A_99 = arith.constant 0 : i32
    %dma_wait3A_100 = arith.constant 0 : i32
    %dma_wait3A_101 = tpu.memref_slice %arg7[%dma_wait3A_99, %dma_wait3A_100] : memref<10240x16xf32, #tpu.memory_space<vmem_shared>> -> memref<10240x16xf32, #tpu.memory_space<vmem_shared>>
    tpu.wait_indirect_dma semaphore(%arg11 : memref<!tpu.dma_semaphore, #tpu.memory_space<semaphore_mem>>) src(%arg5 : memref<125x16xf32, #tpu.memory_space<vmem>>) dst(%dma_wait3A_101 : memref<10240x16xf32, #tpu.memory_space<vmem_shared>>)
    %dma_wait3A_102 = arith.constant 79 : i32
    %dma_wait3A_103 = arith.constant 0 : i32
    %dma_wait3A_104 = tpu.memref_slice %arg4[%dma_wait3A_102, %dma_wait3A_103] : memref<80x125xi32, #tpu.memory_space<vmem>> -> memref<1x125xi32, #tpu.memory_space<vmem>>
    %dma_wait3A_105 = tpu.memref_squeeze %dma_wait3A_104 : memref<1x125xi32, #tpu.memory_space<vmem>> -> memref<125xi32, #tpu.memory_space<vmem>>
    %dma_wait3A_106 = arith.constant 0 : i32
    %dma_wait3A_107 = arith.constant 0 : i32
    %dma_wait3A_108 = tpu.memref_slice %arg7[%dma_wait3A_106, %dma_wait3A_107] : memref<10240x16xf32, #tpu.memory_space<vmem_shared>> -> memref<10240x16xf32, #tpu.memory_space<vmem_shared>>
    tpu.wait_indirect_dma semaphore(%arg12 : memref<!tpu.dma_semaphore, #tpu.memory_space<semaphore_mem>>) src(%arg5 : memref<125x16xf32, #tpu.memory_space<vmem>>) dst(%dma_wait3A_108 : memref<10240x16xf32, #tpu.memory_space<vmem_shared>>)
    %barrier3A_109 = arith.constant 0 : index
    tpu.barrier barrier_id(%barrier3A_109)
    %mul3A_110 = arith.constant 640 : i32
    %mul3A_111 = arith.muli %arg1, %mul3A_110 : i32
    "tpu.region"() ({
      %run_scoped3A = tpu.sem_alloc : memref<!tpu.dma_semaphore, #tpu.memory_space<semaphore_mem>>
      %dma_start3A_114 = arith.constant 0 : i32
      %dma_start3A_115 = tpu.memref_slice %arg7[%mul3A_111, %dma_start3A_114] : memref<10240x16xf32, #tpu.memory_space<vmem_shared>> -> memref<640x16xf32, #tpu.memory_space<vmem_shared>>
      %dma_start3A_116 = arith.constant 0 : i32
      %dma_start3A_117 = tpu.memref_slice %arg7[%mul3A_111, %dma_start3A_116] : memref<10240x16xf32, #tpu.memory_space<vmem_shared>> -> memref<640x16xf32, #tpu.memory_space<vmem_shared>>
      tpu.enqueue_dma source(%dma_start3A_117 : memref<640x16xf32, #tpu.memory_space<vmem_shared>>) target(%arg6 : memref<640x16xf32, #tpu.memory_space<vmem>>) target_semaphore(%run_scoped3A : memref<!tpu.dma_semaphore, #tpu.memory_space<semaphore_mem>>)
      %dma_wait3A_118 = arith.constant 0 : i32
      %dma_wait3A_119 = tpu.memref_slice %arg7[%mul3A_111, %dma_wait3A_118] : memref<10240x16xf32, #tpu.memory_space<vmem_shared>> -> memref<640x16xf32, #tpu.memory_space<vmem_shared>>
      %dma_wait3A_120 = arith.constant 0 : i32
      %dma_wait3A_121 = tpu.memref_slice %arg7[%mul3A_111, %dma_wait3A_120] : memref<10240x16xf32, #tpu.memory_space<vmem_shared>> -> memref<640x16xf32, #tpu.memory_space<vmem_shared>>
      tpu.wait_dma2 semaphore(%run_scoped3A : memref<!tpu.dma_semaphore, #tpu.memory_space<semaphore_mem>>) src(%dma_wait3A_121 : memref<640x16xf32, #tpu.memory_space<vmem_shared>>) dst(%arg6 : memref<640x16xf32, #tpu.memory_space<vmem>>)
      tpu.yield
    }) : () -> ()
    %mul3A_112 = arith.constant 640 : i32
    %mul3A_113 = arith.muli %arg1, %mul3A_112 : i32
    "tpu.region"() ({
      %run_scoped3A = tpu.sem_alloc : memref<!tpu.dma_semaphore, #tpu.memory_space<semaphore_mem>>
      %dma_start3A_114 = arith.constant 0 : i32
      %dma_start3A_115 = tpu.memref_slice %arg3[%arg0, %mul3A_113, %dma_start3A_114] : memref<2x10240x16xf32, #tpu.memory_space<hbm>> -> memref<1x640x16xf32, #tpu.memory_space<hbm>>
      %dma_start3A_116 = tpu.memref_squeeze %dma_start3A_115 : memref<1x640x16xf32, #tpu.memory_space<hbm>> -> memref<640x16xf32, #tpu.memory_space<hbm>>
      %dma_start3A_117 = arith.constant 0 : i32
      %dma_start3A_118 = tpu.memref_slice %arg3[%arg0, %mul3A_113, %dma_start3A_117] : memref<2x10240x16xf32, #tpu.memory_space<hbm>> -> memref<1x640x16xf32, #tpu.memory_space<hbm>>
      %dma_start3A_119 = tpu.memref_squeeze %dma_start3A_118 : memref<1x640x16xf32, #tpu.memory_space<hbm>> -> memref<640x16xf32, #tpu.memory_space<hbm>>
      tpu.enqueue_dma source(%arg6 : memref<640x16xf32, #tpu.memory_space<vmem>>) target(%dma_start3A_119 : memref<640x16xf32, #tpu.memory_space<hbm>>) target_semaphore(%run_scoped3A : memref<!tpu.dma_semaphore, #tpu.memory_space<semaphore_mem>>)
      %dma_wait3A_120 = arith.constant 0 : i32
      %dma_wait3A_121 = tpu.memref_slice %arg3[%arg0, %mul3A_113, %dma_wait3A_120] : memref<2x10240x16xf32, #tpu.memory_space<hbm>> -> memref<1x640x16xf32, #tpu.memory_space<hbm>>
      %dma_wait3A_122 = tpu.memref_squeeze %dma_wait3A_121 : memref<1x640x16xf32, #tpu.memory_space<hbm>> -> memref<640x16xf32, #tpu.memory_space<hbm>>
      %dma_wait3A_123 = arith.constant 0 : i32
      %dma_wait3A_124 = tpu.memref_slice %arg3[%arg0, %mul3A_113, %dma_wait3A_123] : memref<2x10240x16xf32, #tpu.memory_space<hbm>> -> memref<1x640x16xf32, #tpu.memory_space<hbm>>
      %dma_wait3A_125 = tpu.memref_squeeze %dma_wait3A_124 : memref<1x640x16xf32, #tpu.memory_space<hbm>> -> memref<640x16xf32, #tpu.memory_space<hbm>>
      tpu.wait_dma2 semaphore(%run_scoped3A : memref<!tpu.dma_semaphore, #tpu.memory_space<semaphore_mem>>) src(%arg6 : memref<640x16xf32, #tpu.memory_space<vmem>>) dst(%dma_wait3A_125 : memref<640x16xf32, #tpu.memory_space<hbm>>)
      tpu.yield
    }) : () -> ()
    return
  }
}

#map = affine_map<(d0, d1) -> (0, 0, 0, 0)>
#map1 = affine_map<(d0, d1) -> (0, 0)>
#map2 = affine_map<(d0, d1) -> (0, 0, 0)>
module attributes {stable_mosaic.version = 14 : i64} {
  func.func @_agg_call(%arg0: i32, %arg1: i32, %arg2: memref<2x32x80x125xi32, #tpu.memory_space<hbm>>, %arg3: memref<10240x16xf32, #tpu.memory_space<hbm>>, %arg4: memref<2x10240x16xf32, #tpu.memory_space<hbm>>, %arg5: memref<80x125xi32, #tpu.memory_space<vmem>>, %arg6: memref<80x125xi32, #tpu.memory_space<vmem>>, %arg7: memref<5x125x16xf32, #tpu.memory_space<vmem>>, %arg8: memref<640x16xf32, #tpu.memory_space<vmem>>, %arg9: memref<10240x16xf32, #tpu.memory_space<vmem_shared>>, %arg10: memref<10240x16xf32, #tpu.memory_space<vmem_shared>>, %arg11: memref<640x16xf32, #tpu.memory_space<vmem>>, %arg12: memref<!tpu.dma_semaphore, #tpu.memory_space<semaphore_mem>>, %arg13: memref<!tpu.dma_semaphore, #tpu.memory_space<semaphore_mem>>, %arg14: memref<!tpu.dma_semaphore, #tpu.memory_space<semaphore_mem>>, %arg15: memref<!tpu.dma_semaphore, #tpu.memory_space<semaphore_mem>>, %arg16: memref<!tpu.dma_semaphore, #tpu.memory_space<semaphore_mem>>, %arg17: memref<!tpu.dma_semaphore, #tpu.memory_space<semaphore_mem>>, %arg18: memref<!tpu.dma_semaphore, #tpu.memory_space<semaphore_mem>>, %arg19: memref<!tpu.dma_semaphore, #tpu.memory_space<semaphore_mem>>, %arg20: memref<!tpu.dma_semaphore, #tpu.memory_space<semaphore_mem>>, %arg21: memref<!tpu.dma_semaphore, #tpu.memory_space<semaphore_mem>>) attributes {dimension_semantics = [#tpu.dimension_semantics<core_parallel>, #tpu.dimension_semantics<subcore_parallel>], iteration_bounds = array<i64: 2, 16>, scalar_prefetch = 0 : i64, scratch_operands = 17 : i64, tpu.core_type = #tpu.core_type<sc_vector_subcore>, window_params = [{transform_indices = #map}, {transform_indices = #map1}, {transform_indices = #map2}]} {
    %mul3A = arith.constant 2 : i32
    %mul3A_0 = arith.muli %arg1, %mul3A : i32
    %add3A = arith.addi %mul3A_0, %arg0 : i32
    %dma_start3A = arith.constant 0 : i32
    %dma_start3A_1 = arith.constant 0 : i32
    %dma_start3A_2 = arith.constant 0 : i32
    %dma_start3A_3 = tpu.memref_slice %arg2[%dma_start3A, %add3A, %dma_start3A_1, %dma_start3A_2] : memref<2x32x80x125xi32, #tpu.memory_space<hbm>> -> memref<1x1x80x125xi32, #tpu.memory_space<hbm>>
    %dma_start3A_4 = tpu.memref_squeeze %dma_start3A_3 : memref<1x1x80x125xi32, #tpu.memory_space<hbm>> -> memref<80x125xi32, #tpu.memory_space<hbm>>
    %dma_start3A_5 = arith.constant 0 : i32
    %dma_start3A_6 = arith.constant 0 : i32
    %dma_start3A_7 = tpu.memref_slice %arg2[%dma_start3A, %add3A, %dma_start3A_5, %dma_start3A_6] : memref<2x32x80x125xi32, #tpu.memory_space<hbm>> -> memref<1x1x80x125xi32, #tpu.memory_space<hbm>>
    %dma_start3A_8 = tpu.memref_squeeze %dma_start3A_7 : memref<1x1x80x125xi32, #tpu.memory_space<hbm>> -> memref<80x125xi32, #tpu.memory_space<hbm>>
    tpu.enqueue_dma source(%dma_start3A_8 : memref<80x125xi32, #tpu.memory_space<hbm>>) target(%arg5 : memref<80x125xi32, #tpu.memory_space<vmem>>) target_semaphore(%arg12 : memref<!tpu.dma_semaphore, #tpu.memory_space<semaphore_mem>>)
    %dma_start3A_9 = arith.constant 1 : i32
    %dma_start3A_10 = arith.constant 0 : i32
    %dma_start3A_11 = arith.constant 0 : i32
    %dma_start3A_12 = tpu.memref_slice %arg2[%dma_start3A_9, %add3A, %dma_start3A_10, %dma_start3A_11] : memref<2x32x80x125xi32, #tpu.memory_space<hbm>> -> memref<1x1x80x125xi32, #tpu.memory_space<hbm>>
    %dma_start3A_13 = tpu.memref_squeeze %dma_start3A_12 : memref<1x1x80x125xi32, #tpu.memory_space<hbm>> -> memref<80x125xi32, #tpu.memory_space<hbm>>
    %dma_start3A_14 = arith.constant 0 : i32
    %dma_start3A_15 = arith.constant 0 : i32
    %dma_start3A_16 = tpu.memref_slice %arg2[%dma_start3A_9, %add3A, %dma_start3A_14, %dma_start3A_15] : memref<2x32x80x125xi32, #tpu.memory_space<hbm>> -> memref<1x1x80x125xi32, #tpu.memory_space<hbm>>
    %dma_start3A_17 = tpu.memref_squeeze %dma_start3A_16 : memref<1x1x80x125xi32, #tpu.memory_space<hbm>> -> memref<80x125xi32, #tpu.memory_space<hbm>>
    tpu.enqueue_dma source(%dma_start3A_17 : memref<80x125xi32, #tpu.memory_space<hbm>>) target(%arg6 : memref<80x125xi32, #tpu.memory_space<vmem>>) target_semaphore(%arg13 : memref<!tpu.dma_semaphore, #tpu.memory_space<semaphore_mem>>)
    %mul3A_18 = arith.constant 640 : i32
    %mul3A_19 = arith.muli %arg1, %mul3A_18 : i32
    %dma_start3A_20 = arith.constant 0 : i32
    %dma_start3A_21 = tpu.memref_slice %arg3[%mul3A_19, %dma_start3A_20] : memref<10240x16xf32, #tpu.memory_space<hbm>> -> memref<640x16xf32, #tpu.memory_space<hbm>>
    %dma_start3A_22 = arith.constant 0 : i32
    %dma_start3A_23 = tpu.memref_slice %arg3[%mul3A_19, %dma_start3A_22] : memref<10240x16xf32, #tpu.memory_space<hbm>> -> memref<640x16xf32, #tpu.memory_space<hbm>>
    tpu.enqueue_dma source(%dma_start3A_23 : memref<640x16xf32, #tpu.memory_space<hbm>>) target(%arg11 : memref<640x16xf32, #tpu.memory_space<vmem>>) target_semaphore(%arg14 : memref<!tpu.dma_semaphore, #tpu.memory_space<semaphore_mem>>)
    %scan3A = arith.constant 0 : i32
    %scan3A_24 = arith.constant 0 : i32
    %scan3A_25 = arith.constant 640 : i32
    %scan3A_26 = arith.addi %scan3A_24, %scan3A_25 : i32
    %scan3A_27 = arith.constant 1 : i32
    %scan3A_28 = scf.for %scan3A_309 = %scan3A_24 to %scan3A_26 step %scan3A_27 iter_args(%scan3A_310 = %scan3A) -> (i32)  : i32 {
      %broadcast_in_dim3A = arith.constant 0.000000e+00 : f32
      %broadcast_in_dim3A_311 = vector.broadcast %broadcast_in_dim3A : f32 to vector<16xf32>
      %swap3A = arith.index_cast %scan3A_309 : i32 to index
      %swap3A_312 = arith.constant 0 : index
      %swap3A_313 = tpu.vector_load %arg8[%swap3A, %swap3A_312] {strides = array<i32>} : memref<640x16xf32, #tpu.memory_space<vmem>>, vector<1x16xf32>,
      %swap3A_314 = vector.shape_cast %swap3A_313 : vector<1x16xf32> to vector<16xf32>
      %swap3A_315 = vector.shape_cast %broadcast_in_dim3A_311 : vector<16xf32> to vector<1x16xf32>
      tpu.vector_store %arg8[%swap3A, %swap3A_312], %swap3A_315 {strides = array<i32>} : memref<640x16xf32, #tpu.memory_space<vmem>>, vector<1x16xf32>,
      %scan3A_316 = arith.constant 0 : i32
      scf.yield %scan3A_316 : i32
    }
    %scan3A_29 = arith.constant 640 : i32
    %mul3A_30 = arith.constant 640 : i32
    %mul3A_31 = arith.muli %arg1, %mul3A_30 : i32
    %dma_wait3A = arith.constant 0 : i32
    %dma_wait3A_32 = tpu.memref_slice %arg3[%mul3A_31, %dma_wait3A] : memref<10240x16xf32, #tpu.memory_space<hbm>> -> memref<640x16xf32, #tpu.memory_space<hbm>>
    %dma_wait3A_33 = arith.constant 0 : i32
    %dma_wait3A_34 = tpu.memref_slice %arg3[%mul3A_31, %dma_wait3A_33] : memref<10240x16xf32, #tpu.memory_space<hbm>> -> memref<640x16xf32, #tpu.memory_space<hbm>>
    tpu.wait_dma2 semaphore(%arg14 : memref<!tpu.dma_semaphore, #tpu.memory_space<semaphore_mem>>) src(%dma_wait3A_34 : memref<640x16xf32, #tpu.memory_space<hbm>>) dst(%arg11 : memref<640x16xf32, #tpu.memory_space<vmem>>)
    %mul3A_35 = arith.constant 640 : i32
    %mul3A_36 = arith.muli %arg1, %mul3A_35 : i32
    "tpu.region"() ({
      %run_scoped3A = tpu.sem_alloc : memref<!tpu.dma_semaphore, #tpu.memory_space<semaphore_mem>>
      %dma_start3A_309 = arith.constant 0 : i32
      %dma_start3A_310 = tpu.memref_slice %arg10[%mul3A_36, %dma_start3A_309] : memref<10240x16xf32, #tpu.memory_space<vmem_shared>> -> memref<640x16xf32, #tpu.memory_space<vmem_shared>>
      %dma_start3A_311 = arith.constant 0 : i32
      %dma_start3A_312 = tpu.memref_slice %arg10[%mul3A_36, %dma_start3A_311] : memref<10240x16xf32, #tpu.memory_space<vmem_shared>> -> memref<640x16xf32, #tpu.memory_space<vmem_shared>>
      tpu.enqueue_dma source(%arg11 : memref<640x16xf32, #tpu.memory_space<vmem>>) target(%dma_start3A_312 : memref<640x16xf32, #tpu.memory_space<vmem_shared>>) target_semaphore(%run_scoped3A : memref<!tpu.dma_semaphore, #tpu.memory_space<semaphore_mem>>)
      %dma_wait3A_313 = arith.constant 0 : i32
      %dma_wait3A_314 = tpu.memref_slice %arg10[%mul3A_36, %dma_wait3A_313] : memref<10240x16xf32, #tpu.memory_space<vmem_shared>> -> memref<640x16xf32, #tpu.memory_space<vmem_shared>>
      %dma_wait3A_315 = arith.constant 0 : i32
      %dma_wait3A_316 = tpu.memref_slice %arg10[%mul3A_36, %dma_wait3A_315] : memref<10240x16xf32, #tpu.memory_space<vmem_shared>> -> memref<640x16xf32, #tpu.memory_space<vmem_shared>>
      tpu.wait_dma2 semaphore(%run_scoped3A : memref<!tpu.dma_semaphore, #tpu.memory_space<semaphore_mem>>) src(%arg11 : memref<640x16xf32, #tpu.memory_space<vmem>>) dst(%dma_wait3A_316 : memref<640x16xf32, #tpu.memory_space<vmem_shared>>)
      tpu.yield
    }) : () -> ()
    %mul3A_37 = arith.constant 640 : i32
    %mul3A_38 = arith.muli %arg1, %mul3A_37 : i32
    "tpu.region"() ({
      %run_scoped3A = tpu.sem_alloc : memref<!tpu.dma_semaphore, #tpu.memory_space<semaphore_mem>>
      %dma_start3A_309 = arith.constant 0 : i32
      %dma_start3A_310 = tpu.memref_slice %arg9[%mul3A_38, %dma_start3A_309] : memref<10240x16xf32, #tpu.memory_space<vmem_shared>> -> memref<640x16xf32, #tpu.memory_space<vmem_shared>>
      %dma_start3A_311 = arith.constant 0 : i32
      %dma_start3A_312 = tpu.memref_slice %arg9[%mul3A_38, %dma_start3A_311] : memref<10240x16xf32, #tpu.memory_space<vmem_shared>> -> memref<640x16xf32, #tpu.memory_space<vmem_shared>>
      tpu.enqueue_dma source(%arg8 : memref<640x16xf32, #tpu.memory_space<vmem>>) target(%dma_start3A_312 : memref<640x16xf32, #tpu.memory_space<vmem_shared>>) target_semaphore(%run_scoped3A : memref<!tpu.dma_semaphore, #tpu.memory_space<semaphore_mem>>)
      %dma_wait3A_313 = arith.constant 0 : i32
      %dma_wait3A_314 = tpu.memref_slice %arg9[%mul3A_38, %dma_wait3A_313] : memref<10240x16xf32, #tpu.memory_space<vmem_shared>> -> memref<640x16xf32, #tpu.memory_space<vmem_shared>>
      %dma_wait3A_315 = arith.constant 0 : i32
      %dma_wait3A_316 = tpu.memref_slice %arg9[%mul3A_38, %dma_wait3A_315] : memref<10240x16xf32, #tpu.memory_space<vmem_shared>> -> memref<640x16xf32, #tpu.memory_space<vmem_shared>>
      tpu.wait_dma2 semaphore(%run_scoped3A : memref<!tpu.dma_semaphore, #tpu.memory_space<semaphore_mem>>) src(%arg8 : memref<640x16xf32, #tpu.memory_space<vmem>>) dst(%dma_wait3A_316 : memref<640x16xf32, #tpu.memory_space<vmem_shared>>)
      tpu.yield
    }) : () -> ()
    %dma_wait3A_39 = arith.constant 0 : i32
    %dma_wait3A_40 = arith.constant 0 : i32
    %dma_wait3A_41 = arith.constant 0 : i32
    %dma_wait3A_42 = tpu.memref_slice %arg2[%dma_wait3A_39, %add3A, %dma_wait3A_40, %dma_wait3A_41] : memref<2x32x80x125xi32, #tpu.memory_space<hbm>> -> memref<1x1x80x125xi32, #tpu.memory_space<hbm>>
    %dma_wait3A_43 = tpu.memref_squeeze %dma_wait3A_42 : memref<1x1x80x125xi32, #tpu.memory_space<hbm>> -> memref<80x125xi32, #tpu.memory_space<hbm>>
    %dma_wait3A_44 = arith.constant 0 : i32
    %dma_wait3A_45 = arith.constant 0 : i32
    %dma_wait3A_46 = tpu.memref_slice %arg2[%dma_wait3A_39, %add3A, %dma_wait3A_44, %dma_wait3A_45] : memref<2x32x80x125xi32, #tpu.memory_space<hbm>> -> memref<1x1x80x125xi32, #tpu.memory_space<hbm>>
    %dma_wait3A_47 = tpu.memref_squeeze %dma_wait3A_46 : memref<1x1x80x125xi32, #tpu.memory_space<hbm>> -> memref<80x125xi32, #tpu.memory_space<hbm>>
    tpu.wait_dma2 semaphore(%arg12 : memref<!tpu.dma_semaphore, #tpu.memory_space<semaphore_mem>>) src(%dma_wait3A_47 : memref<80x125xi32, #tpu.memory_space<hbm>>) dst(%arg5 : memref<80x125xi32, #tpu.memory_space<vmem>>)
    %dma_wait3A_48 = arith.constant 1 : i32
    %dma_wait3A_49 = arith.constant 0 : i32
    %dma_wait3A_50 = arith.constant 0 : i32
    %dma_wait3A_51 = tpu.memref_slice %arg2[%dma_wait3A_48, %add3A, %dma_wait3A_49, %dma_wait3A_50] : memref<2x32x80x125xi32, #tpu.memory_space<hbm>> -> memref<1x1x80x125xi32, #tpu.memory_space<hbm>>
    %dma_wait3A_52 = tpu.memref_squeeze %dma_wait3A_51 : memref<1x1x80x125xi32, #tpu.memory_space<hbm>> -> memref<80x125xi32, #tpu.memory_space<hbm>>
    %dma_wait3A_53 = arith.constant 0 : i32
    %dma_wait3A_54 = arith.constant 0 : i32
    %dma_wait3A_55 = tpu.memref_slice %arg2[%dma_wait3A_48, %add3A, %dma_wait3A_53, %dma_wait3A_54] : memref<2x32x80x125xi32, #tpu.memory_space<hbm>> -> memref<1x1x80x125xi32, #tpu.memory_space<hbm>>
    %dma_wait3A_56 = tpu.memref_squeeze %dma_wait3A_55 : memref<1x1x80x125xi32, #tpu.memory_space<hbm>> -> memref<80x125xi32, #tpu.memory_space<hbm>>
    tpu.wait_dma2 semaphore(%arg13 : memref<!tpu.dma_semaphore, #tpu.memory_space<semaphore_mem>>) src(%dma_wait3A_56 : memref<80x125xi32, #tpu.memory_space<hbm>>) dst(%arg6 : memref<80x125xi32, #tpu.memory_space<vmem>>)
    %barrier3A = arith.constant 0 : index
    tpu.barrier barrier_id(%barrier3A)
    %dma_start3A_57 = arith.constant 0 : i32
    %dma_start3A_58 = arith.constant 0 : i32
    %dma_start3A_59 = arith.constant 0 : i32
    %dma_start3A_60 = arith.constant 0 : i32
    %dma_start3A_61 = tpu.memref_slice %arg7[%dma_start3A_58, %dma_start3A_59, %dma_start3A_60] : memref<5x125x16xf32, #tpu.memory_space<vmem>> -> memref<1x125x16xf32, #tpu.memory_space<vmem>>
    %dma_start3A_62 = tpu.memref_squeeze %dma_start3A_61 : memref<1x125x16xf32, #tpu.memory_space<vmem>> -> memref<125x16xf32, #tpu.memory_space<vmem>>
    %dma_start3A_63 = arith.constant 0 : i32
    %dma_start3A_64 = tpu.memref_slice %arg5[%dma_start3A_57, %dma_start3A_63] : memref<80x125xi32, #tpu.memory_space<vmem>> -> memref<1x125xi32, #tpu.memory_space<vmem>>
    %dma_start3A_65 = tpu.memref_squeeze %dma_start3A_64 : memref<1x125xi32, #tpu.memory_space<vmem>> -> memref<125xi32, #tpu.memory_space<vmem>>
    %dma_start3A_66 = arith.constant 0 : i32
    %dma_start3A_67 = arith.constant 0 : i32
    %dma_start3A_68 = tpu.memref_slice %arg10[%dma_start3A_66, %dma_start3A_67] : memref<10240x16xf32, #tpu.memory_space<vmem_shared>> -> memref<10240x16xf32, #tpu.memory_space<vmem_shared>>
    tpu.enqueue_indirect_dma source(%dma_start3A_68 : memref<10240x16xf32, #tpu.memory_space<vmem_shared>>) target(%dma_start3A_62 : memref<125x16xf32, #tpu.memory_space<vmem>>) offsets(%dma_start3A_65 : memref<125xi32, #tpu.memory_space<vmem>>) semaphore(%arg12 : memref<!tpu.dma_semaphore, #tpu.memory_space<semaphore_mem>>)
    %dma_start3A_69 = arith.constant 1 : i32
    %dma_start3A_70 = arith.constant 1 : i32
    %dma_start3A_71 = arith.constant 0 : i32
    %dma_start3A_72 = arith.constant 0 : i32
    %dma_start3A_73 = tpu.memref_slice %arg7[%dma_start3A_70, %dma_start3A_71, %dma_start3A_72] : memref<5x125x16xf32, #tpu.memory_space<vmem>> -> memref<1x125x16xf32, #tpu.memory_space<vmem>>
    %dma_start3A_74 = tpu.memref_squeeze %dma_start3A_73 : memref<1x125x16xf32, #tpu.memory_space<vmem>> -> memref<125x16xf32, #tpu.memory_space<vmem>>
    %dma_start3A_75 = arith.constant 0 : i32
    %dma_start3A_76 = tpu.memref_slice %arg5[%dma_start3A_69, %dma_start3A_75] : memref<80x125xi32, #tpu.memory_space<vmem>> -> memref<1x125xi32, #tpu.memory_space<vmem>>
    %dma_start3A_77 = tpu.memref_squeeze %dma_start3A_76 : memref<1x125xi32, #tpu.memory_space<vmem>> -> memref<125xi32, #tpu.memory_space<vmem>>
    %dma_start3A_78 = arith.constant 0 : i32
    %dma_start3A_79 = arith.constant 0 : i32
    %dma_start3A_80 = tpu.memref_slice %arg10[%dma_start3A_78, %dma_start3A_79] : memref<10240x16xf32, #tpu.memory_space<vmem_shared>> -> memref<10240x16xf32, #tpu.memory_space<vmem_shared>>
    tpu.enqueue_indirect_dma source(%dma_start3A_80 : memref<10240x16xf32, #tpu.memory_space<vmem_shared>>) target(%dma_start3A_74 : memref<125x16xf32, #tpu.memory_space<vmem>>) offsets(%dma_start3A_77 : memref<125xi32, #tpu.memory_space<vmem>>) semaphore(%arg13 : memref<!tpu.dma_semaphore, #tpu.memory_space<semaphore_mem>>)
    %dma_start3A_81 = arith.constant 2 : i32
    %dma_start3A_82 = arith.constant 2 : i32
    %dma_start3A_83 = arith.constant 0 : i32
    %dma_start3A_84 = arith.constant 0 : i32
    %dma_start3A_85 = tpu.memref_slice %arg7[%dma_start3A_82, %dma_start3A_83, %dma_start3A_84] : memref<5x125x16xf32, #tpu.memory_space<vmem>> -> memref<1x125x16xf32, #tpu.memory_space<vmem>>
    %dma_start3A_86 = tpu.memref_squeeze %dma_start3A_85 : memref<1x125x16xf32, #tpu.memory_space<vmem>> -> memref<125x16xf32, #tpu.memory_space<vmem>>
    %dma_start3A_87 = arith.constant 0 : i32
    %dma_start3A_88 = tpu.memref_slice %arg5[%dma_start3A_81, %dma_start3A_87] : memref<80x125xi32, #tpu.memory_space<vmem>> -> memref<1x125xi32, #tpu.memory_space<vmem>>
    %dma_start3A_89 = tpu.memref_squeeze %dma_start3A_88 : memref<1x125xi32, #tpu.memory_space<vmem>> -> memref<125xi32, #tpu.memory_space<vmem>>
    %dma_start3A_90 = arith.constant 0 : i32
    %dma_start3A_91 = arith.constant 0 : i32
    %dma_start3A_92 = tpu.memref_slice %arg10[%dma_start3A_90, %dma_start3A_91] : memref<10240x16xf32, #tpu.memory_space<vmem_shared>> -> memref<10240x16xf32, #tpu.memory_space<vmem_shared>>
    tpu.enqueue_indirect_dma source(%dma_start3A_92 : memref<10240x16xf32, #tpu.memory_space<vmem_shared>>) target(%dma_start3A_86 : memref<125x16xf32, #tpu.memory_space<vmem>>) offsets(%dma_start3A_89 : memref<125xi32, #tpu.memory_space<vmem>>) semaphore(%arg14 : memref<!tpu.dma_semaphore, #tpu.memory_space<semaphore_mem>>)
    %dma_start3A_93 = arith.constant 3 : i32
    %dma_start3A_94 = arith.constant 3 : i32
    %dma_start3A_95 = arith.constant 0 : i32
    %dma_start3A_96 = arith.constant 0 : i32
    %dma_start3A_97 = tpu.memref_slice %arg7[%dma_start3A_94, %dma_start3A_95, %dma_start3A_96] : memref<5x125x16xf32, #tpu.memory_space<vmem>> -> memref<1x125x16xf32, #tpu.memory_space<vmem>>
    %dma_start3A_98 = tpu.memref_squeeze %dma_start3A_97 : memref<1x125x16xf32, #tpu.memory_space<vmem>> -> memref<125x16xf32, #tpu.memory_space<vmem>>
    %dma_start3A_99 = arith.constant 0 : i32
    %dma_start3A_100 = tpu.memref_slice %arg5[%dma_start3A_93, %dma_start3A_99] : memref<80x125xi32, #tpu.memory_space<vmem>> -> memref<1x125xi32, #tpu.memory_space<vmem>>
    %dma_start3A_101 = tpu.memref_squeeze %dma_start3A_100 : memref<1x125xi32, #tpu.memory_space<vmem>> -> memref<125xi32, #tpu.memory_space<vmem>>
    %dma_start3A_102 = arith.constant 0 : i32
    %dma_start3A_103 = arith.constant 0 : i32
    %dma_start3A_104 = tpu.memref_slice %arg10[%dma_start3A_102, %dma_start3A_103] : memref<10240x16xf32, #tpu.memory_space<vmem_shared>> -> memref<10240x16xf32, #tpu.memory_space<vmem_shared>>
    tpu.enqueue_indirect_dma source(%dma_start3A_104 : memref<10240x16xf32, #tpu.memory_space<vmem_shared>>) target(%dma_start3A_98 : memref<125x16xf32, #tpu.memory_space<vmem>>) offsets(%dma_start3A_101 : memref<125xi32, #tpu.memory_space<vmem>>) semaphore(%arg15 : memref<!tpu.dma_semaphore, #tpu.memory_space<semaphore_mem>>)
    %dma_start3A_105 = arith.constant 4 : i32
    %dma_start3A_106 = arith.constant 4 : i32
    %dma_start3A_107 = arith.constant 0 : i32
    %dma_start3A_108 = arith.constant 0 : i32
    %dma_start3A_109 = tpu.memref_slice %arg7[%dma_start3A_106, %dma_start3A_107, %dma_start3A_108] : memref<5x125x16xf32, #tpu.memory_space<vmem>> -> memref<1x125x16xf32, #tpu.memory_space<vmem>>
    %dma_start3A_110 = tpu.memref_squeeze %dma_start3A_109 : memref<1x125x16xf32, #tpu.memory_space<vmem>> -> memref<125x16xf32, #tpu.memory_space<vmem>>
    %dma_start3A_111 = arith.constant 0 : i32
    %dma_start3A_112 = tpu.memref_slice %arg5[%dma_start3A_105, %dma_start3A_111] : memref<80x125xi32, #tpu.memory_space<vmem>> -> memref<1x125xi32, #tpu.memory_space<vmem>>
    %dma_start3A_113 = tpu.memref_squeeze %dma_start3A_112 : memref<1x125xi32, #tpu.memory_space<vmem>> -> memref<125xi32, #tpu.memory_space<vmem>>
    %dma_start3A_114 = arith.constant 0 : i32
    %dma_start3A_115 = arith.constant 0 : i32
    %dma_start3A_116 = tpu.memref_slice %arg10[%dma_start3A_114, %dma_start3A_115] : memref<10240x16xf32, #tpu.memory_space<vmem_shared>> -> memref<10240x16xf32, #tpu.memory_space<vmem_shared>>
    tpu.enqueue_indirect_dma source(%dma_start3A_116 : memref<10240x16xf32, #tpu.memory_space<vmem_shared>>) target(%dma_start3A_110 : memref<125x16xf32, #tpu.memory_space<vmem>>) offsets(%dma_start3A_113 : memref<125xi32, #tpu.memory_space<vmem>>) semaphore(%arg16 : memref<!tpu.dma_semaphore, #tpu.memory_space<semaphore_mem>>)
    %scan3A_117 = arith.constant 0 : i32
    %scan3A_118 = arith.constant 0 : i32
    %scan3A_119 = arith.constant 15 : i32
    %scan3A_120 = arith.addi %scan3A_118, %scan3A_119 : i32
    %scan3A_121 = arith.constant 1 : i32
    %scan3A_122 = scf.for %scan3A_309 = %scan3A_118 to %scan3A_120 step %scan3A_121 iter_args(%scan3A_310 = %scan3A_117) -> (i32)  : i32 {
      %mul3A_311 = arith.constant 5 : i32
      %mul3A_312 = arith.muli %mul3A_311, %scan3A_309 : i32
      %add3A_313 = arith.constant 0 : i32
      %add3A_314 = arith.addi %mul3A_312, %add3A_313 : i32
      %dma_wait3A_315 = arith.constant 0 : i32
      %dma_wait3A_316 = arith.constant 0 : i32
      %dma_wait3A_317 = arith.constant 0 : i32
      %dma_wait3A_318 = tpu.memref_slice %arg7[%dma_wait3A_315, %dma_wait3A_316, %dma_wait3A_317] : memref<5x125x16xf32, #tpu.memory_space<vmem>> -> memref<1x125x16xf32, #tpu.memory_space<vmem>>
      %dma_wait3A_319 = tpu.memref_squeeze %dma_wait3A_318 : memref<1x125x16xf32, #tpu.memory_space<vmem>> -> memref<125x16xf32, #tpu.memory_space<vmem>>
      %dma_wait3A_320 = arith.constant 0 : i32
      %dma_wait3A_321 = tpu.memref_slice %arg5[%add3A_314, %dma_wait3A_320] : memref<80x125xi32, #tpu.memory_space<vmem>> -> memref<1x125xi32, #tpu.memory_space<vmem>>
      %dma_wait3A_322 = tpu.memref_squeeze %dma_wait3A_321 : memref<1x125xi32, #tpu.memory_space<vmem>> -> memref<125xi32, #tpu.memory_space<vmem>>
      %dma_wait3A_323 = arith.constant 0 : i32
      %dma_wait3A_324 = arith.constant 0 : i32
      %dma_wait3A_325 = tpu.memref_slice %arg10[%dma_wait3A_323, %dma_wait3A_324] : memref<10240x16xf32, #tpu.memory_space<vmem_shared>> -> memref<10240x16xf32, #tpu.memory_space<vmem_shared>>
      tpu.wait_indirect_dma semaphore(%arg12 : memref<!tpu.dma_semaphore, #tpu.memory_space<semaphore_mem>>) src(%dma_wait3A_325 : memref<10240x16xf32, #tpu.memory_space<vmem_shared>>) dst(%dma_wait3A_319 : memref<125x16xf32, #tpu.memory_space<vmem>>)
      %add3A_326 = arith.constant 0 : i32
      %add3A_327 = arith.addi %mul3A_312, %add3A_326 : i32
      %dma_start3A_328 = arith.constant 0 : i32
      %dma_start3A_329 = arith.constant 0 : i32
      %dma_start3A_330 = arith.constant 0 : i32
      %dma_start3A_331 = tpu.memref_slice %arg7[%dma_start3A_328, %dma_start3A_329, %dma_start3A_330] : memref<5x125x16xf32, #tpu.memory_space<vmem>> -> memref<1x125x16xf32, #tpu.memory_space<vmem>>
      %dma_start3A_332 = tpu.memref_squeeze %dma_start3A_331 : memref<1x125x16xf32, #tpu.memory_space<vmem>> -> memref<125x16xf32, #tpu.memory_space<vmem>>
      %dma_start3A_333 = arith.constant 0 : i32
      %dma_start3A_334 = tpu.memref_slice %arg6[%add3A_327, %dma_start3A_333] : memref<80x125xi32, #tpu.memory_space<vmem>> -> memref<1x125xi32, #tpu.memory_space<vmem>>
      %dma_start3A_335 = tpu.memref_squeeze %dma_start3A_334 : memref<1x125xi32, #tpu.memory_space<vmem>> -> memref<125xi32, #tpu.memory_space<vmem>>
      %dma_start3A_336 = arith.constant 0 : i32
      %dma_start3A_337 = arith.constant 0 : i32
      %dma_start3A_338 = tpu.memref_slice %arg9[%dma_start3A_336, %dma_start3A_337] : memref<10240x16xf32, #tpu.memory_space<vmem_shared>> -> memref<10240x16xf32, #tpu.memory_space<vmem_shared>>
      tpu.enqueue_indirect_dma source(%dma_start3A_332 : memref<125x16xf32, #tpu.memory_space<vmem>>) target(%dma_start3A_338 : memref<10240x16xf32, #tpu.memory_space<vmem_shared>>) offsets(%dma_start3A_335 : memref<125xi32, #tpu.memory_space<vmem>>) semaphore(%arg17 : memref<!tpu.dma_semaphore, #tpu.memory_space<semaphore_mem>>) {add = true}
      %add3A_339 = arith.constant 1 : i32
      %add3A_340 = arith.addi %mul3A_312, %add3A_339 : i32
      %dma_wait3A_341 = arith.constant 1 : i32
      %dma_wait3A_342 = arith.constant 0 : i32
      %dma_wait3A_343 = arith.constant 0 : i32
      %dma_wait3A_344 = tpu.memref_slice %arg7[%dma_wait3A_341, %dma_wait3A_342, %dma_wait3A_343] : memref<5x125x16xf32, #tpu.memory_space<vmem>> -> memref<1x125x16xf32, #tpu.memory_space<vmem>>
      %dma_wait3A_345 = tpu.memref_squeeze %dma_wait3A_344 : memref<1x125x16xf32, #tpu.memory_space<vmem>> -> memref<125x16xf32, #tpu.memory_space<vmem>>
      %dma_wait3A_346 = arith.constant 0 : i32
      %dma_wait3A_347 = tpu.memref_slice %arg5[%add3A_340, %dma_wait3A_346] : memref<80x125xi32, #tpu.memory_space<vmem>> -> memref<1x125xi32, #tpu.memory_space<vmem>>
      %dma_wait3A_348 = tpu.memref_squeeze %dma_wait3A_347 : memref<1x125xi32, #tpu.memory_space<vmem>> -> memref<125xi32, #tpu.memory_space<vmem>>
      %dma_wait3A_349 = arith.constant 0 : i32
      %dma_wait3A_350 = arith.constant 0 : i32
      %dma_wait3A_351 = tpu.memref_slice %arg10[%dma_wait3A_349, %dma_wait3A_350] : memref<10240x16xf32, #tpu.memory_space<vmem_shared>> -> memref<10240x16xf32, #tpu.memory_space<vmem_shared>>
      tpu.wait_indirect_dma semaphore(%arg13 : memref<!tpu.dma_semaphore, #tpu.memory_space<semaphore_mem>>) src(%dma_wait3A_351 : memref<10240x16xf32, #tpu.memory_space<vmem_shared>>) dst(%dma_wait3A_345 : memref<125x16xf32, #tpu.memory_space<vmem>>)
      %add3A_352 = arith.constant 1 : i32
      %add3A_353 = arith.addi %mul3A_312, %add3A_352 : i32
      %dma_start3A_354 = arith.constant 1 : i32
      %dma_start3A_355 = arith.constant 0 : i32
      %dma_start3A_356 = arith.constant 0 : i32
      %dma_start3A_357 = tpu.memref_slice %arg7[%dma_start3A_354, %dma_start3A_355, %dma_start3A_356] : memref<5x125x16xf32, #tpu.memory_space<vmem>> -> memref<1x125x16xf32, #tpu.memory_space<vmem>>
      %dma_start3A_358 = tpu.memref_squeeze %dma_start3A_357 : memref<1x125x16xf32, #tpu.memory_space<vmem>> -> memref<125x16xf32, #tpu.memory_space<vmem>>
      %dma_start3A_359 = arith.constant 0 : i32
      %dma_start3A_360 = tpu.memref_slice %arg6[%add3A_353, %dma_start3A_359] : memref<80x125xi32, #tpu.memory_space<vmem>> -> memref<1x125xi32, #tpu.memory_space<vmem>>
      %dma_start3A_361 = tpu.memref_squeeze %dma_start3A_360 : memref<1x125xi32, #tpu.memory_space<vmem>> -> memref<125xi32, #tpu.memory_space<vmem>>
      %dma_start3A_362 = arith.constant 0 : i32
      %dma_start3A_363 = arith.constant 0 : i32
      %dma_start3A_364 = tpu.memref_slice %arg9[%dma_start3A_362, %dma_start3A_363] : memref<10240x16xf32, #tpu.memory_space<vmem_shared>> -> memref<10240x16xf32, #tpu.memory_space<vmem_shared>>
      tpu.enqueue_indirect_dma source(%dma_start3A_358 : memref<125x16xf32, #tpu.memory_space<vmem>>) target(%dma_start3A_364 : memref<10240x16xf32, #tpu.memory_space<vmem_shared>>) offsets(%dma_start3A_361 : memref<125xi32, #tpu.memory_space<vmem>>) semaphore(%arg18 : memref<!tpu.dma_semaphore, #tpu.memory_space<semaphore_mem>>) {add = true}
      %add3A_365 = arith.constant 0 : i32
      %add3A_366 = arith.addi %mul3A_312, %add3A_365 : i32
      %dma_wait3A_367 = arith.constant 0 : i32
      %dma_wait3A_368 = arith.constant 0 : i32
      %dma_wait3A_369 = arith.constant 0 : i32
      %dma_wait3A_370 = tpu.memref_slice %arg7[%dma_wait3A_367, %dma_wait3A_368, %dma_wait3A_369] : memref<5x125x16xf32, #tpu.memory_space<vmem>> -> memref<1x125x16xf32, #tpu.memory_space<vmem>>
      %dma_wait3A_371 = tpu.memref_squeeze %dma_wait3A_370 : memref<1x125x16xf32, #tpu.memory_space<vmem>> -> memref<125x16xf32, #tpu.memory_space<vmem>>
      %dma_wait3A_372 = arith.constant 0 : i32
      %dma_wait3A_373 = tpu.memref_slice %arg6[%add3A_366, %dma_wait3A_372] : memref<80x125xi32, #tpu.memory_space<vmem>> -> memref<1x125xi32, #tpu.memory_space<vmem>>
      %dma_wait3A_374 = tpu.memref_squeeze %dma_wait3A_373 : memref<1x125xi32, #tpu.memory_space<vmem>> -> memref<125xi32, #tpu.memory_space<vmem>>
      %dma_wait3A_375 = arith.constant 0 : i32
      %dma_wait3A_376 = arith.constant 0 : i32
      %dma_wait3A_377 = tpu.memref_slice %arg9[%dma_wait3A_375, %dma_wait3A_376] : memref<10240x16xf32, #tpu.memory_space<vmem_shared>> -> memref<10240x16xf32, #tpu.memory_space<vmem_shared>>
      tpu.wait_indirect_dma semaphore(%arg17 : memref<!tpu.dma_semaphore, #tpu.memory_space<semaphore_mem>>) src(%dma_wait3A_371 : memref<125x16xf32, #tpu.memory_space<vmem>>) dst(%dma_wait3A_377 : memref<10240x16xf32, #tpu.memory_space<vmem_shared>>)
      %add3A_378 = arith.constant 5 : i32
      %add3A_379 = arith.addi %mul3A_312, %add3A_378 : i32
      %dma_start3A_380 = arith.constant 0 : i32
      %dma_start3A_381 = arith.constant 0 : i32
      %dma_start3A_382 = arith.constant 0 : i32
      %dma_start3A_383 = tpu.memref_slice %arg7[%dma_start3A_380, %dma_start3A_381, %dma_start3A_382] : memref<5x125x16xf32, #tpu.memory_space<vmem>> -> memref<1x125x16xf32, #tpu.memory_space<vmem>>
      %dma_start3A_384 = tpu.memref_squeeze %dma_start3A_383 : memref<1x125x16xf32, #tpu.memory_space<vmem>> -> memref<125x16xf32, #tpu.memory_space<vmem>>
      %dma_start3A_385 = arith.constant 0 : i32
      %dma_start3A_386 = tpu.memref_slice %arg5[%add3A_379, %dma_start3A_385] : memref<80x125xi32, #tpu.memory_space<vmem>> -> memref<1x125xi32, #tpu.memory_space<vmem>>
      %dma_start3A_387 = tpu.memref_squeeze %dma_start3A_386 : memref<1x125xi32, #tpu.memory_space<vmem>> -> memref<125xi32, #tpu.memory_space<vmem>>
      %dma_start3A_388 = arith.constant 0 : i32
      %dma_start3A_389 = arith.constant 0 : i32
      %dma_start3A_390 = tpu.memref_slice %arg10[%dma_start3A_388, %dma_start3A_389] : memref<10240x16xf32, #tpu.memory_space<vmem_shared>> -> memref<10240x16xf32, #tpu.memory_space<vmem_shared>>
      tpu.enqueue_indirect_dma source(%dma_start3A_390 : memref<10240x16xf32, #tpu.memory_space<vmem_shared>>) target(%dma_start3A_384 : memref<125x16xf32, #tpu.memory_space<vmem>>) offsets(%dma_start3A_387 : memref<125xi32, #tpu.memory_space<vmem>>) semaphore(%arg12 : memref<!tpu.dma_semaphore, #tpu.memory_space<semaphore_mem>>)
      %add3A_391 = arith.constant 2 : i32
      %add3A_392 = arith.addi %mul3A_312, %add3A_391 : i32
      %dma_wait3A_393 = arith.constant 2 : i32
      %dma_wait3A_394 = arith.constant 0 : i32
      %dma_wait3A_395 = arith.constant 0 : i32
      %dma_wait3A_396 = tpu.memref_slice %arg7[%dma_wait3A_393, %dma_wait3A_394, %dma_wait3A_395] : memref<5x125x16xf32, #tpu.memory_space<vmem>> -> memref<1x125x16xf32, #tpu.memory_space<vmem>>
      %dma_wait3A_397 = tpu.memref_squeeze %dma_wait3A_396 : memref<1x125x16xf32, #tpu.memory_space<vmem>> -> memref<125x16xf32, #tpu.memory_space<vmem>>
      %dma_wait3A_398 = arith.constant 0 : i32
      %dma_wait3A_399 = tpu.memref_slice %arg5[%add3A_392, %dma_wait3A_398] : memref<80x125xi32, #tpu.memory_space<vmem>> -> memref<1x125xi32, #tpu.memory_space<vmem>>
      %dma_wait3A_400 = tpu.memref_squeeze %dma_wait3A_399 : memref<1x125xi32, #tpu.memory_space<vmem>> -> memref<125xi32, #tpu.memory_space<vmem>>
      %dma_wait3A_401 = arith.constant 0 : i32
      %dma_wait3A_402 = arith.constant 0 : i32
      %dma_wait3A_403 = tpu.memref_slice %arg10[%dma_wait3A_401, %dma_wait3A_402] : memref<10240x16xf32, #tpu.memory_space<vmem_shared>> -> memref<10240x16xf32, #tpu.memory_space<vmem_shared>>
      tpu.wait_indirect_dma semaphore(%arg14 : memref<!tpu.dma_semaphore, #tpu.memory_space<semaphore_mem>>) src(%dma_wait3A_403 : memref<10240x16xf32, #tpu.memory_space<vmem_shared>>) dst(%dma_wait3A_397 : memref<125x16xf32, #tpu.memory_space<vmem>>)
      %add3A_404 = arith.constant 2 : i32
      %add3A_405 = arith.addi %mul3A_312, %add3A_404 : i32
      %dma_start3A_406 = arith.constant 2 : i32
      %dma_start3A_407 = arith.constant 0 : i32
      %dma_start3A_408 = arith.constant 0 : i32
      %dma_start3A_409 = tpu.memref_slice %arg7[%dma_start3A_406, %dma_start3A_407, %dma_start3A_408] : memref<5x125x16xf32, #tpu.memory_space<vmem>> -> memref<1x125x16xf32, #tpu.memory_space<vmem>>
      %dma_start3A_410 = tpu.memref_squeeze %dma_start3A_409 : memref<1x125x16xf32, #tpu.memory_space<vmem>> -> memref<125x16xf32, #tpu.memory_space<vmem>>
      %dma_start3A_411 = arith.constant 0 : i32
      %dma_start3A_412 = tpu.memref_slice %arg6[%add3A_405, %dma_start3A_411] : memref<80x125xi32, #tpu.memory_space<vmem>> -> memref<1x125xi32, #tpu.memory_space<vmem>>
      %dma_start3A_413 = tpu.memref_squeeze %dma_start3A_412 : memref<1x125xi32, #tpu.memory_space<vmem>> -> memref<125xi32, #tpu.memory_space<vmem>>
      %dma_start3A_414 = arith.constant 0 : i32
      %dma_start3A_415 = arith.constant 0 : i32
      %dma_start3A_416 = tpu.memref_slice %arg9[%dma_start3A_414, %dma_start3A_415] : memref<10240x16xf32, #tpu.memory_space<vmem_shared>> -> memref<10240x16xf32, #tpu.memory_space<vmem_shared>>
      tpu.enqueue_indirect_dma source(%dma_start3A_410 : memref<125x16xf32, #tpu.memory_space<vmem>>) target(%dma_start3A_416 : memref<10240x16xf32, #tpu.memory_space<vmem_shared>>) offsets(%dma_start3A_413 : memref<125xi32, #tpu.memory_space<vmem>>) semaphore(%arg19 : memref<!tpu.dma_semaphore, #tpu.memory_space<semaphore_mem>>) {add = true}
      %add3A_417 = arith.constant 1 : i32
      %add3A_418 = arith.addi %mul3A_312, %add3A_417 : i32
      %dma_wait3A_419 = arith.constant 1 : i32
      %dma_wait3A_420 = arith.constant 0 : i32
      %dma_wait3A_421 = arith.constant 0 : i32
      %dma_wait3A_422 = tpu.memref_slice %arg7[%dma_wait3A_419, %dma_wait3A_420, %dma_wait3A_421] : memref<5x125x16xf32, #tpu.memory_space<vmem>> -> memref<1x125x16xf32, #tpu.memory_space<vmem>>
      %dma_wait3A_423 = tpu.memref_squeeze %dma_wait3A_422 : memref<1x125x16xf32, #tpu.memory_space<vmem>> -> memref<125x16xf32, #tpu.memory_space<vmem>>
      %dma_wait3A_424 = arith.constant 0 : i32
      %dma_wait3A_425 = tpu.memref_slice %arg6[%add3A_418, %dma_wait3A_424] : memref<80x125xi32, #tpu.memory_space<vmem>> -> memref<1x125xi32, #tpu.memory_space<vmem>>
      %dma_wait3A_426 = tpu.memref_squeeze %dma_wait3A_425 : memref<1x125xi32, #tpu.memory_space<vmem>> -> memref<125xi32, #tpu.memory_space<vmem>>
      %dma_wait3A_427 = arith.constant 0 : i32
      %dma_wait3A_428 = arith.constant 0 : i32
      %dma_wait3A_429 = tpu.memref_slice %arg9[%dma_wait3A_427, %dma_wait3A_428] : memref<10240x16xf32, #tpu.memory_space<vmem_shared>> -> memref<10240x16xf32, #tpu.memory_space<vmem_shared>>
      tpu.wait_indirect_dma semaphore(%arg18 : memref<!tpu.dma_semaphore, #tpu.memory_space<semaphore_mem>>) src(%dma_wait3A_423 : memref<125x16xf32, #tpu.memory_space<vmem>>) dst(%dma_wait3A_429 : memref<10240x16xf32, #tpu.memory_space<vmem_shared>>)
      %add3A_430 = arith.constant 6 : i32
      %add3A_431 = arith.addi %mul3A_312, %add3A_430 : i32
      %dma_start3A_432 = arith.constant 1 : i32
      %dma_start3A_433 = arith.constant 0 : i32
      %dma_start3A_434 = arith.constant 0 : i32
      %dma_start3A_435 = tpu.memref_slice %arg7[%dma_start3A_432, %dma_start3A_433, %dma_start3A_434] : memref<5x125x16xf32, #tpu.memory_space<vmem>> -> memref<1x125x16xf32, #tpu.memory_space<vmem>>
      %dma_start3A_436 = tpu.memref_squeeze %dma_start3A_435 : memref<1x125x16xf32, #tpu.memory_space<vmem>> -> memref<125x16xf32, #tpu.memory_space<vmem>>
      %dma_start3A_437 = arith.constant 0 : i32
      %dma_start3A_438 = tpu.memref_slice %arg5[%add3A_431, %dma_start3A_437] : memref<80x125xi32, #tpu.memory_space<vmem>> -> memref<1x125xi32, #tpu.memory_space<vmem>>
      %dma_start3A_439 = tpu.memref_squeeze %dma_start3A_438 : memref<1x125xi32, #tpu.memory_space<vmem>> -> memref<125xi32, #tpu.memory_space<vmem>>
      %dma_start3A_440 = arith.constant 0 : i32
      %dma_start3A_441 = arith.constant 0 : i32
      %dma_start3A_442 = tpu.memref_slice %arg10[%dma_start3A_440, %dma_start3A_441] : memref<10240x16xf32, #tpu.memory_space<vmem_shared>> -> memref<10240x16xf32, #tpu.memory_space<vmem_shared>>
      tpu.enqueue_indirect_dma source(%dma_start3A_442 : memref<10240x16xf32, #tpu.memory_space<vmem_shared>>) target(%dma_start3A_436 : memref<125x16xf32, #tpu.memory_space<vmem>>) offsets(%dma_start3A_439 : memref<125xi32, #tpu.memory_space<vmem>>) semaphore(%arg13 : memref<!tpu.dma_semaphore, #tpu.memory_space<semaphore_mem>>)
      %add3A_443 = arith.constant 3 : i32
      %add3A_444 = arith.addi %mul3A_312, %add3A_443 : i32
      %dma_wait3A_445 = arith.constant 3 : i32
      %dma_wait3A_446 = arith.constant 0 : i32
      %dma_wait3A_447 = arith.constant 0 : i32
      %dma_wait3A_448 = tpu.memref_slice %arg7[%dma_wait3A_445, %dma_wait3A_446, %dma_wait3A_447] : memref<5x125x16xf32, #tpu.memory_space<vmem>> -> memref<1x125x16xf32, #tpu.memory_space<vmem>>
      %dma_wait3A_449 = tpu.memref_squeeze %dma_wait3A_448 : memref<1x125x16xf32, #tpu.memory_space<vmem>> -> memref<125x16xf32, #tpu.memory_space<vmem>>
      %dma_wait3A_450 = arith.constant 0 : i32
      %dma_wait3A_451 = tpu.memref_slice %arg5[%add3A_444, %dma_wait3A_450] : memref<80x125xi32, #tpu.memory_space<vmem>> -> memref<1x125xi32, #tpu.memory_space<vmem>>
      %dma_wait3A_452 = tpu.memref_squeeze %dma_wait3A_451 : memref<1x125xi32, #tpu.memory_space<vmem>> -> memref<125xi32, #tpu.memory_space<vmem>>
      %dma_wait3A_453 = arith.constant 0 : i32
      %dma_wait3A_454 = arith.constant 0 : i32
      %dma_wait3A_455 = tpu.memref_slice %arg10[%dma_wait3A_453, %dma_wait3A_454] : memref<10240x16xf32, #tpu.memory_space<vmem_shared>> -> memref<10240x16xf32, #tpu.memory_space<vmem_shared>>
      tpu.wait_indirect_dma semaphore(%arg15 : memref<!tpu.dma_semaphore, #tpu.memory_space<semaphore_mem>>) src(%dma_wait3A_455 : memref<10240x16xf32, #tpu.memory_space<vmem_shared>>) dst(%dma_wait3A_449 : memref<125x16xf32, #tpu.memory_space<vmem>>)
      %add3A_456 = arith.constant 3 : i32
      %add3A_457 = arith.addi %mul3A_312, %add3A_456 : i32
      %dma_start3A_458 = arith.constant 3 : i32
      %dma_start3A_459 = arith.constant 0 : i32
      %dma_start3A_460 = arith.constant 0 : i32
      %dma_start3A_461 = tpu.memref_slice %arg7[%dma_start3A_458, %dma_start3A_459, %dma_start3A_460] : memref<5x125x16xf32, #tpu.memory_space<vmem>> -> memref<1x125x16xf32, #tpu.memory_space<vmem>>
      %dma_start3A_462 = tpu.memref_squeeze %dma_start3A_461 : memref<1x125x16xf32, #tpu.memory_space<vmem>> -> memref<125x16xf32, #tpu.memory_space<vmem>>
      %dma_start3A_463 = arith.constant 0 : i32
      %dma_start3A_464 = tpu.memref_slice %arg6[%add3A_457, %dma_start3A_463] : memref<80x125xi32, #tpu.memory_space<vmem>> -> memref<1x125xi32, #tpu.memory_space<vmem>>
      %dma_start3A_465 = tpu.memref_squeeze %dma_start3A_464 : memref<1x125xi32, #tpu.memory_space<vmem>> -> memref<125xi32, #tpu.memory_space<vmem>>
      %dma_start3A_466 = arith.constant 0 : i32
      %dma_start3A_467 = arith.constant 0 : i32
      %dma_start3A_468 = tpu.memref_slice %arg9[%dma_start3A_466, %dma_start3A_467] : memref<10240x16xf32, #tpu.memory_space<vmem_shared>> -> memref<10240x16xf32, #tpu.memory_space<vmem_shared>>
      tpu.enqueue_indirect_dma source(%dma_start3A_462 : memref<125x16xf32, #tpu.memory_space<vmem>>) target(%dma_start3A_468 : memref<10240x16xf32, #tpu.memory_space<vmem_shared>>) offsets(%dma_start3A_465 : memref<125xi32, #tpu.memory_space<vmem>>) semaphore(%arg20 : memref<!tpu.dma_semaphore, #tpu.memory_space<semaphore_mem>>) {add = true}
      %add3A_469 = arith.constant 2 : i32
      %add3A_470 = arith.addi %mul3A_312, %add3A_469 : i32
      %dma_wait3A_471 = arith.constant 2 : i32
      %dma_wait3A_472 = arith.constant 0 : i32
      %dma_wait3A_473 = arith.constant 0 : i32
      %dma_wait3A_474 = tpu.memref_slice %arg7[%dma_wait3A_471, %dma_wait3A_472, %dma_wait3A_473] : memref<5x125x16xf32, #tpu.memory_space<vmem>> -> memref<1x125x16xf32, #tpu.memory_space<vmem>>
      %dma_wait3A_475 = tpu.memref_squeeze %dma_wait3A_474 : memref<1x125x16xf32, #tpu.memory_space<vmem>> -> memref<125x16xf32, #tpu.memory_space<vmem>>
      %dma_wait3A_476 = arith.constant 0 : i32
      %dma_wait3A_477 = tpu.memref_slice %arg6[%add3A_470, %dma_wait3A_476] : memref<80x125xi32, #tpu.memory_space<vmem>> -> memref<1x125xi32, #tpu.memory_space<vmem>>
      %dma_wait3A_478 = tpu.memref_squeeze %dma_wait3A_477 : memref<1x125xi32, #tpu.memory_space<vmem>> -> memref<125xi32, #tpu.memory_space<vmem>>
      %dma_wait3A_479 = arith.constant 0 : i32
      %dma_wait3A_480 = arith.constant 0 : i32
      %dma_wait3A_481 = tpu.memref_slice %arg9[%dma_wait3A_479, %dma_wait3A_480] : memref<10240x16xf32, #tpu.memory_space<vmem_shared>> -> memref<10240x16xf32, #tpu.memory_space<vmem_shared>>
      tpu.wait_indirect_dma semaphore(%arg19 : memref<!tpu.dma_semaphore, #tpu.memory_space<semaphore_mem>>) src(%dma_wait3A_475 : memref<125x16xf32, #tpu.memory_space<vmem>>) dst(%dma_wait3A_481 : memref<10240x16xf32, #tpu.memory_space<vmem_shared>>)
      %add3A_482 = arith.constant 7 : i32
      %add3A_483 = arith.addi %mul3A_312, %add3A_482 : i32
      %dma_start3A_484 = arith.constant 2 : i32
      %dma_start3A_485 = arith.constant 0 : i32
      %dma_start3A_486 = arith.constant 0 : i32
      %dma_start3A_487 = tpu.memref_slice %arg7[%dma_start3A_484, %dma_start3A_485, %dma_start3A_486] : memref<5x125x16xf32, #tpu.memory_space<vmem>> -> memref<1x125x16xf32, #tpu.memory_space<vmem>>
      %dma_start3A_488 = tpu.memref_squeeze %dma_start3A_487 : memref<1x125x16xf32, #tpu.memory_space<vmem>> -> memref<125x16xf32, #tpu.memory_space<vmem>>
      %dma_start3A_489 = arith.constant 0 : i32
      %dma_start3A_490 = tpu.memref_slice %arg5[%add3A_483, %dma_start3A_489] : memref<80x125xi32, #tpu.memory_space<vmem>> -> memref<1x125xi32, #tpu.memory_space<vmem>>
      %dma_start3A_491 = tpu.memref_squeeze %dma_start3A_490 : memref<1x125xi32, #tpu.memory_space<vmem>> -> memref<125xi32, #tpu.memory_space<vmem>>
      %dma_start3A_492 = arith.constant 0 : i32
      %dma_start3A_493 = arith.constant 0 : i32
      %dma_start3A_494 = tpu.memref_slice %arg10[%dma_start3A_492, %dma_start3A_493] : memref<10240x16xf32, #tpu.memory_space<vmem_shared>> -> memref<10240x16xf32, #tpu.memory_space<vmem_shared>>
      tpu.enqueue_indirect_dma source(%dma_start3A_494 : memref<10240x16xf32, #tpu.memory_space<vmem_shared>>) target(%dma_start3A_488 : memref<125x16xf32, #tpu.memory_space<vmem>>) offsets(%dma_start3A_491 : memref<125xi32, #tpu.memory_space<vmem>>) semaphore(%arg14 : memref<!tpu.dma_semaphore, #tpu.memory_space<semaphore_mem>>)
      %add3A_495 = arith.constant 4 : i32
      %add3A_496 = arith.addi %mul3A_312, %add3A_495 : i32
      %dma_wait3A_497 = arith.constant 4 : i32
      %dma_wait3A_498 = arith.constant 0 : i32
      %dma_wait3A_499 = arith.constant 0 : i32
      %dma_wait3A_500 = tpu.memref_slice %arg7[%dma_wait3A_497, %dma_wait3A_498, %dma_wait3A_499] : memref<5x125x16xf32, #tpu.memory_space<vmem>> -> memref<1x125x16xf32, #tpu.memory_space<vmem>>
      %dma_wait3A_501 = tpu.memref_squeeze %dma_wait3A_500 : memref<1x125x16xf32, #tpu.memory_space<vmem>> -> memref<125x16xf32, #tpu.memory_space<vmem>>
      %dma_wait3A_502 = arith.constant 0 : i32
      %dma_wait3A_503 = tpu.memref_slice %arg5[%add3A_496, %dma_wait3A_502] : memref<80x125xi32, #tpu.memory_space<vmem>> -> memref<1x125xi32, #tpu.memory_space<vmem>>
      %dma_wait3A_504 = tpu.memref_squeeze %dma_wait3A_503 : memref<1x125xi32, #tpu.memory_space<vmem>> -> memref<125xi32, #tpu.memory_space<vmem>>
      %dma_wait3A_505 = arith.constant 0 : i32
      %dma_wait3A_506 = arith.constant 0 : i32
      %dma_wait3A_507 = tpu.memref_slice %arg10[%dma_wait3A_505, %dma_wait3A_506] : memref<10240x16xf32, #tpu.memory_space<vmem_shared>> -> memref<10240x16xf32, #tpu.memory_space<vmem_shared>>
      tpu.wait_indirect_dma semaphore(%arg16 : memref<!tpu.dma_semaphore, #tpu.memory_space<semaphore_mem>>) src(%dma_wait3A_507 : memref<10240x16xf32, #tpu.memory_space<vmem_shared>>) dst(%dma_wait3A_501 : memref<125x16xf32, #tpu.memory_space<vmem>>)
      %add3A_508 = arith.constant 4 : i32
      %add3A_509 = arith.addi %mul3A_312, %add3A_508 : i32
      %dma_start3A_510 = arith.constant 4 : i32
      %dma_start3A_511 = arith.constant 0 : i32
      %dma_start3A_512 = arith.constant 0 : i32
      %dma_start3A_513 = tpu.memref_slice %arg7[%dma_start3A_510, %dma_start3A_511, %dma_start3A_512] : memref<5x125x16xf32, #tpu.memory_space<vmem>> -> memref<1x125x16xf32, #tpu.memory_space<vmem>>
      %dma_start3A_514 = tpu.memref_squeeze %dma_start3A_513 : memref<1x125x16xf32, #tpu.memory_space<vmem>> -> memref<125x16xf32, #tpu.memory_space<vmem>>
      %dma_start3A_515 = arith.constant 0 : i32
      %dma_start3A_516 = tpu.memref_slice %arg6[%add3A_509, %dma_start3A_515] : memref<80x125xi32, #tpu.memory_space<vmem>> -> memref<1x125xi32, #tpu.memory_space<vmem>>
      %dma_start3A_517 = tpu.memref_squeeze %dma_start3A_516 : memref<1x125xi32, #tpu.memory_space<vmem>> -> memref<125xi32, #tpu.memory_space<vmem>>
      %dma_start3A_518 = arith.constant 0 : i32
      %dma_start3A_519 = arith.constant 0 : i32
      %dma_start3A_520 = tpu.memref_slice %arg9[%dma_start3A_518, %dma_start3A_519] : memref<10240x16xf32, #tpu.memory_space<vmem_shared>> -> memref<10240x16xf32, #tpu.memory_space<vmem_shared>>
      tpu.enqueue_indirect_dma source(%dma_start3A_514 : memref<125x16xf32, #tpu.memory_space<vmem>>) target(%dma_start3A_520 : memref<10240x16xf32, #tpu.memory_space<vmem_shared>>) offsets(%dma_start3A_517 : memref<125xi32, #tpu.memory_space<vmem>>) semaphore(%arg21 : memref<!tpu.dma_semaphore, #tpu.memory_space<semaphore_mem>>) {add = true}
      %add3A_521 = arith.constant 3 : i32
      %add3A_522 = arith.addi %mul3A_312, %add3A_521 : i32
      %dma_wait3A_523 = arith.constant 3 : i32
      %dma_wait3A_524 = arith.constant 0 : i32
      %dma_wait3A_525 = arith.constant 0 : i32
      %dma_wait3A_526 = tpu.memref_slice %arg7[%dma_wait3A_523, %dma_wait3A_524, %dma_wait3A_525] : memref<5x125x16xf32, #tpu.memory_space<vmem>> -> memref<1x125x16xf32, #tpu.memory_space<vmem>>
      %dma_wait3A_527 = tpu.memref_squeeze %dma_wait3A_526 : memref<1x125x16xf32, #tpu.memory_space<vmem>> -> memref<125x16xf32, #tpu.memory_space<vmem>>
      %dma_wait3A_528 = arith.constant 0 : i32
      %dma_wait3A_529 = tpu.memref_slice %arg6[%add3A_522, %dma_wait3A_528] : memref<80x125xi32, #tpu.memory_space<vmem>> -> memref<1x125xi32, #tpu.memory_space<vmem>>
      %dma_wait3A_530 = tpu.memref_squeeze %dma_wait3A_529 : memref<1x125xi32, #tpu.memory_space<vmem>> -> memref<125xi32, #tpu.memory_space<vmem>>
      %dma_wait3A_531 = arith.constant 0 : i32
      %dma_wait3A_532 = arith.constant 0 : i32
      %dma_wait3A_533 = tpu.memref_slice %arg9[%dma_wait3A_531, %dma_wait3A_532] : memref<10240x16xf32, #tpu.memory_space<vmem_shared>> -> memref<10240x16xf32, #tpu.memory_space<vmem_shared>>
      tpu.wait_indirect_dma semaphore(%arg20 : memref<!tpu.dma_semaphore, #tpu.memory_space<semaphore_mem>>) src(%dma_wait3A_527 : memref<125x16xf32, #tpu.memory_space<vmem>>) dst(%dma_wait3A_533 : memref<10240x16xf32, #tpu.memory_space<vmem_shared>>)
      %add3A_534 = arith.constant 8 : i32
      %add3A_535 = arith.addi %mul3A_312, %add3A_534 : i32
      %dma_start3A_536 = arith.constant 3 : i32
      %dma_start3A_537 = arith.constant 0 : i32
      %dma_start3A_538 = arith.constant 0 : i32
      %dma_start3A_539 = tpu.memref_slice %arg7[%dma_start3A_536, %dma_start3A_537, %dma_start3A_538] : memref<5x125x16xf32, #tpu.memory_space<vmem>> -> memref<1x125x16xf32, #tpu.memory_space<vmem>>
      %dma_start3A_540 = tpu.memref_squeeze %dma_start3A_539 : memref<1x125x16xf32, #tpu.memory_space<vmem>> -> memref<125x16xf32, #tpu.memory_space<vmem>>
      %dma_start3A_541 = arith.constant 0 : i32
      %dma_start3A_542 = tpu.memref_slice %arg5[%add3A_535, %dma_start3A_541] : memref<80x125xi32, #tpu.memory_space<vmem>> -> memref<1x125xi32, #tpu.memory_space<vmem>>
      %dma_start3A_543 = tpu.memref_squeeze %dma_start3A_542 : memref<1x125xi32, #tpu.memory_space<vmem>> -> memref<125xi32, #tpu.memory_space<vmem>>
      %dma_start3A_544 = arith.constant 0 : i32
      %dma_start3A_545 = arith.constant 0 : i32
      %dma_start3A_546 = tpu.memref_slice %arg10[%dma_start3A_544, %dma_start3A_545] : memref<10240x16xf32, #tpu.memory_space<vmem_shared>> -> memref<10240x16xf32, #tpu.memory_space<vmem_shared>>
      tpu.enqueue_indirect_dma source(%dma_start3A_546 : memref<10240x16xf32, #tpu.memory_space<vmem_shared>>) target(%dma_start3A_540 : memref<125x16xf32, #tpu.memory_space<vmem>>) offsets(%dma_start3A_543 : memref<125xi32, #tpu.memory_space<vmem>>) semaphore(%arg15 : memref<!tpu.dma_semaphore, #tpu.memory_space<semaphore_mem>>)
      %add3A_547 = arith.constant 4 : i32
      %add3A_548 = arith.addi %mul3A_312, %add3A_547 : i32
      %dma_wait3A_549 = arith.constant 4 : i32
      %dma_wait3A_550 = arith.constant 0 : i32
      %dma_wait3A_551 = arith.constant 0 : i32
      %dma_wait3A_552 = tpu.memref_slice %arg7[%dma_wait3A_549, %dma_wait3A_550, %dma_wait3A_551] : memref<5x125x16xf32, #tpu.memory_space<vmem>> -> memref<1x125x16xf32, #tpu.memory_space<vmem>>
      %dma_wait3A_553 = tpu.memref_squeeze %dma_wait3A_552 : memref<1x125x16xf32, #tpu.memory_space<vmem>> -> memref<125x16xf32, #tpu.memory_space<vmem>>
      %dma_wait3A_554 = arith.constant 0 : i32
      %dma_wait3A_555 = tpu.memref_slice %arg6[%add3A_548, %dma_wait3A_554] : memref<80x125xi32, #tpu.memory_space<vmem>> -> memref<1x125xi32, #tpu.memory_space<vmem>>
      %dma_wait3A_556 = tpu.memref_squeeze %dma_wait3A_555 : memref<1x125xi32, #tpu.memory_space<vmem>> -> memref<125xi32, #tpu.memory_space<vmem>>
      %dma_wait3A_557 = arith.constant 0 : i32
      %dma_wait3A_558 = arith.constant 0 : i32
      %dma_wait3A_559 = tpu.memref_slice %arg9[%dma_wait3A_557, %dma_wait3A_558] : memref<10240x16xf32, #tpu.memory_space<vmem_shared>> -> memref<10240x16xf32, #tpu.memory_space<vmem_shared>>
      tpu.wait_indirect_dma semaphore(%arg21 : memref<!tpu.dma_semaphore, #tpu.memory_space<semaphore_mem>>) src(%dma_wait3A_553 : memref<125x16xf32, #tpu.memory_space<vmem>>) dst(%dma_wait3A_559 : memref<10240x16xf32, #tpu.memory_space<vmem_shared>>)
      %add3A_560 = arith.constant 9 : i32
      %add3A_561 = arith.addi %mul3A_312, %add3A_560 : i32
      %dma_start3A_562 = arith.constant 4 : i32
      %dma_start3A_563 = arith.constant 0 : i32
      %dma_start3A_564 = arith.constant 0 : i32
      %dma_start3A_565 = tpu.memref_slice %arg7[%dma_start3A_562, %dma_start3A_563, %dma_start3A_564] : memref<5x125x16xf32, #tpu.memory_space<vmem>> -> memref<1x125x16xf32, #tpu.memory_space<vmem>>
      %dma_start3A_566 = tpu.memref_squeeze %dma_start3A_565 : memref<1x125x16xf32, #tpu.memory_space<vmem>> -> memref<125x16xf32, #tpu.memory_space<vmem>>
      %dma_start3A_567 = arith.constant 0 : i32
      %dma_start3A_568 = tpu.memref_slice %arg5[%add3A_561, %dma_start3A_567] : memref<80x125xi32, #tpu.memory_space<vmem>> -> memref<1x125xi32, #tpu.memory_space<vmem>>
      %dma_start3A_569 = tpu.memref_squeeze %dma_start3A_568 : memref<1x125xi32, #tpu.memory_space<vmem>> -> memref<125xi32, #tpu.memory_space<vmem>>
      %dma_start3A_570 = arith.constant 0 : i32
      %dma_start3A_571 = arith.constant 0 : i32
      %dma_start3A_572 = tpu.memref_slice %arg10[%dma_start3A_570, %dma_start3A_571] : memref<10240x16xf32, #tpu.memory_space<vmem_shared>> -> memref<10240x16xf32, #tpu.memory_space<vmem_shared>>
      tpu.enqueue_indirect_dma source(%dma_start3A_572 : memref<10240x16xf32, #tpu.memory_space<vmem_shared>>) target(%dma_start3A_566 : memref<125x16xf32, #tpu.memory_space<vmem>>) offsets(%dma_start3A_569 : memref<125xi32, #tpu.memory_space<vmem>>) semaphore(%arg16 : memref<!tpu.dma_semaphore, #tpu.memory_space<semaphore_mem>>)
      %scan3A_573 = arith.constant 0 : i32
      scf.yield %scan3A_573 : i32
    }
    %scan3A_123 = arith.constant 15 : i32
    %dma_wait3A_124 = arith.constant 75 : i32
    %dma_wait3A_125 = arith.constant 0 : i32
    %dma_wait3A_126 = arith.constant 0 : i32
    %dma_wait3A_127 = arith.constant 0 : i32
    %dma_wait3A_128 = tpu.memref_slice %arg7[%dma_wait3A_125, %dma_wait3A_126, %dma_wait3A_127] : memref<5x125x16xf32, #tpu.memory_space<vmem>> -> memref<1x125x16xf32, #tpu.memory_space<vmem>>
    %dma_wait3A_129 = tpu.memref_squeeze %dma_wait3A_128 : memref<1x125x16xf32, #tpu.memory_space<vmem>> -> memref<125x16xf32, #tpu.memory_space<vmem>>
    %dma_wait3A_130 = arith.constant 0 : i32
    %dma_wait3A_131 = tpu.memref_slice %arg5[%dma_wait3A_124, %dma_wait3A_130] : memref<80x125xi32, #tpu.memory_space<vmem>> -> memref<1x125xi32, #tpu.memory_space<vmem>>
    %dma_wait3A_132 = tpu.memref_squeeze %dma_wait3A_131 : memref<1x125xi32, #tpu.memory_space<vmem>> -> memref<125xi32, #tpu.memory_space<vmem>>
    %dma_wait3A_133 = arith.constant 0 : i32
    %dma_wait3A_134 = arith.constant 0 : i32
    %dma_wait3A_135 = tpu.memref_slice %arg10[%dma_wait3A_133, %dma_wait3A_134] : memref<10240x16xf32, #tpu.memory_space<vmem_shared>> -> memref<10240x16xf32, #tpu.memory_space<vmem_shared>>
    tpu.wait_indirect_dma semaphore(%arg12 : memref<!tpu.dma_semaphore, #tpu.memory_space<semaphore_mem>>) src(%dma_wait3A_135 : memref<10240x16xf32, #tpu.memory_space<vmem_shared>>) dst(%dma_wait3A_129 : memref<125x16xf32, #tpu.memory_space<vmem>>)
    %dma_start3A_136 = arith.constant 0 : i32
    %dma_start3A_137 = arith.constant 75 : i32
    %dma_start3A_138 = arith.constant 0 : i32
    %dma_start3A_139 = arith.constant 0 : i32
    %dma_start3A_140 = tpu.memref_slice %arg7[%dma_start3A_136, %dma_start3A_138, %dma_start3A_139] : memref<5x125x16xf32, #tpu.memory_space<vmem>> -> memref<1x125x16xf32, #tpu.memory_space<vmem>>
    %dma_start3A_141 = tpu.memref_squeeze %dma_start3A_140 : memref<1x125x16xf32, #tpu.memory_space<vmem>> -> memref<125x16xf32, #tpu.memory_space<vmem>>
    %dma_start3A_142 = arith.constant 0 : i32
    %dma_start3A_143 = tpu.memref_slice %arg6[%dma_start3A_137, %dma_start3A_142] : memref<80x125xi32, #tpu.memory_space<vmem>> -> memref<1x125xi32, #tpu.memory_space<vmem>>
    %dma_start3A_144 = tpu.memref_squeeze %dma_start3A_143 : memref<1x125xi32, #tpu.memory_space<vmem>> -> memref<125xi32, #tpu.memory_space<vmem>>
    %dma_start3A_145 = arith.constant 0 : i32
    %dma_start3A_146 = arith.constant 0 : i32
    %dma_start3A_147 = tpu.memref_slice %arg9[%dma_start3A_145, %dma_start3A_146] : memref<10240x16xf32, #tpu.memory_space<vmem_shared>> -> memref<10240x16xf32, #tpu.memory_space<vmem_shared>>
    tpu.enqueue_indirect_dma source(%dma_start3A_141 : memref<125x16xf32, #tpu.memory_space<vmem>>) target(%dma_start3A_147 : memref<10240x16xf32, #tpu.memory_space<vmem_shared>>) offsets(%dma_start3A_144 : memref<125xi32, #tpu.memory_space<vmem>>) semaphore(%arg17 : memref<!tpu.dma_semaphore, #tpu.memory_space<semaphore_mem>>) {add = true}
    %dma_wait3A_148 = arith.constant 76 : i32
    %dma_wait3A_149 = arith.constant 1 : i32
    %dma_wait3A_150 = arith.constant 0 : i32
    %dma_wait3A_151 = arith.constant 0 : i32
    %dma_wait3A_152 = tpu.memref_slice %arg7[%dma_wait3A_149, %dma_wait3A_150, %dma_wait3A_151] : memref<5x125x16xf32, #tpu.memory_space<vmem>> -> memref<1x125x16xf32, #tpu.memory_space<vmem>>
    %dma_wait3A_153 = tpu.memref_squeeze %dma_wait3A_152 : memref<1x125x16xf32, #tpu.memory_space<vmem>> -> memref<125x16xf32, #tpu.memory_space<vmem>>
    %dma_wait3A_154 = arith.constant 0 : i32
    %dma_wait3A_155 = tpu.memref_slice %arg5[%dma_wait3A_148, %dma_wait3A_154] : memref<80x125xi32, #tpu.memory_space<vmem>> -> memref<1x125xi32, #tpu.memory_space<vmem>>
    %dma_wait3A_156 = tpu.memref_squeeze %dma_wait3A_155 : memref<1x125xi32, #tpu.memory_space<vmem>> -> memref<125xi32, #tpu.memory_space<vmem>>
    %dma_wait3A_157 = arith.constant 0 : i32
    %dma_wait3A_158 = arith.constant 0 : i32
    %dma_wait3A_159 = tpu.memref_slice %arg10[%dma_wait3A_157, %dma_wait3A_158] : memref<10240x16xf32, #tpu.memory_space<vmem_shared>> -> memref<10240x16xf32, #tpu.memory_space<vmem_shared>>
    tpu.wait_indirect_dma semaphore(%arg13 : memref<!tpu.dma_semaphore, #tpu.memory_space<semaphore_mem>>) src(%dma_wait3A_159 : memref<10240x16xf32, #tpu.memory_space<vmem_shared>>) dst(%dma_wait3A_153 : memref<125x16xf32, #tpu.memory_space<vmem>>)
    %dma_start3A_160 = arith.constant 1 : i32
    %dma_start3A_161 = arith.constant 76 : i32
    %dma_start3A_162 = arith.constant 0 : i32
    %dma_start3A_163 = arith.constant 0 : i32
    %dma_start3A_164 = tpu.memref_slice %arg7[%dma_start3A_160, %dma_start3A_162, %dma_start3A_163] : memref<5x125x16xf32, #tpu.memory_space<vmem>> -> memref<1x125x16xf32, #tpu.memory_space<vmem>>
    %dma_start3A_165 = tpu.memref_squeeze %dma_start3A_164 : memref<1x125x16xf32, #tpu.memory_space<vmem>> -> memref<125x16xf32, #tpu.memory_space<vmem>>
    %dma_start3A_166 = arith.constant 0 : i32
    %dma_start3A_167 = tpu.memref_slice %arg6[%dma_start3A_161, %dma_start3A_166] : memref<80x125xi32, #tpu.memory_space<vmem>> -> memref<1x125xi32, #tpu.memory_space<vmem>>
    %dma_start3A_168 = tpu.memref_squeeze %dma_start3A_167 : memref<1x125xi32, #tpu.memory_space<vmem>> -> memref<125xi32, #tpu.memory_space<vmem>>
    %dma_start3A_169 = arith.constant 0 : i32
    %dma_start3A_170 = arith.constant 0 : i32
    %dma_start3A_171 = tpu.memref_slice %arg9[%dma_start3A_169, %dma_start3A_170] : memref<10240x16xf32, #tpu.memory_space<vmem_shared>> -> memref<10240x16xf32, #tpu.memory_space<vmem_shared>>
    tpu.enqueue_indirect_dma source(%dma_start3A_165 : memref<125x16xf32, #tpu.memory_space<vmem>>) target(%dma_start3A_171 : memref<10240x16xf32, #tpu.memory_space<vmem_shared>>) offsets(%dma_start3A_168 : memref<125xi32, #tpu.memory_space<vmem>>) semaphore(%arg18 : memref<!tpu.dma_semaphore, #tpu.memory_space<semaphore_mem>>) {add = true}
    %dma_wait3A_172 = arith.constant 0 : i32
    %dma_wait3A_173 = arith.constant 75 : i32
    %dma_wait3A_174 = arith.constant 0 : i32
    %dma_wait3A_175 = arith.constant 0 : i32
    %dma_wait3A_176 = tpu.memref_slice %arg7[%dma_wait3A_172, %dma_wait3A_174, %dma_wait3A_175] : memref<5x125x16xf32, #tpu.memory_space<vmem>> -> memref<1x125x16xf32, #tpu.memory_space<vmem>>
    %dma_wait3A_177 = tpu.memref_squeeze %dma_wait3A_176 : memref<1x125x16xf32, #tpu.memory_space<vmem>> -> memref<125x16xf32, #tpu.memory_space<vmem>>
    %dma_wait3A_178 = arith.constant 0 : i32
    %dma_wait3A_179 = tpu.memref_slice %arg6[%dma_wait3A_173, %dma_wait3A_178] : memref<80x125xi32, #tpu.memory_space<vmem>> -> memref<1x125xi32, #tpu.memory_space<vmem>>
    %dma_wait3A_180 = tpu.memref_squeeze %dma_wait3A_179 : memref<1x125xi32, #tpu.memory_space<vmem>> -> memref<125xi32, #tpu.memory_space<vmem>>
    %dma_wait3A_181 = arith.constant 0 : i32
    %dma_wait3A_182 = arith.constant 0 : i32
    %dma_wait3A_183 = tpu.memref_slice %arg9[%dma_wait3A_181, %dma_wait3A_182] : memref<10240x16xf32, #tpu.memory_space<vmem_shared>> -> memref<10240x16xf32, #tpu.memory_space<vmem_shared>>
    tpu.wait_indirect_dma semaphore(%arg17 : memref<!tpu.dma_semaphore, #tpu.memory_space<semaphore_mem>>) src(%dma_wait3A_177 : memref<125x16xf32, #tpu.memory_space<vmem>>) dst(%dma_wait3A_183 : memref<10240x16xf32, #tpu.memory_space<vmem_shared>>)
    %dma_wait3A_184 = arith.constant 77 : i32
    %dma_wait3A_185 = arith.constant 2 : i32
    %dma_wait3A_186 = arith.constant 0 : i32
    %dma_wait3A_187 = arith.constant 0 : i32
    %dma_wait3A_188 = tpu.memref_slice %arg7[%dma_wait3A_185, %dma_wait3A_186, %dma_wait3A_187] : memref<5x125x16xf32, #tpu.memory_space<vmem>> -> memref<1x125x16xf32, #tpu.memory_space<vmem>>
    %dma_wait3A_189 = tpu.memref_squeeze %dma_wait3A_188 : memref<1x125x16xf32, #tpu.memory_space<vmem>> -> memref<125x16xf32, #tpu.memory_space<vmem>>
    %dma_wait3A_190 = arith.constant 0 : i32
    %dma_wait3A_191 = tpu.memref_slice %arg5[%dma_wait3A_184, %dma_wait3A_190] : memref<80x125xi32, #tpu.memory_space<vmem>> -> memref<1x125xi32, #tpu.memory_space<vmem>>
    %dma_wait3A_192 = tpu.memref_squeeze %dma_wait3A_191 : memref<1x125xi32, #tpu.memory_space<vmem>> -> memref<125xi32, #tpu.memory_space<vmem>>
    %dma_wait3A_193 = arith.constant 0 : i32
    %dma_wait3A_194 = arith.constant 0 : i32
    %dma_wait3A_195 = tpu.memref_slice %arg10[%dma_wait3A_193, %dma_wait3A_194] : memref<10240x16xf32, #tpu.memory_space<vmem_shared>> -> memref<10240x16xf32, #tpu.memory_space<vmem_shared>>
    tpu.wait_indirect_dma semaphore(%arg14 : memref<!tpu.dma_semaphore, #tpu.memory_space<semaphore_mem>>) src(%dma_wait3A_195 : memref<10240x16xf32, #tpu.memory_space<vmem_shared>>) dst(%dma_wait3A_189 : memref<125x16xf32, #tpu.memory_space<vmem>>)
    %dma_start3A_196 = arith.constant 2 : i32
    %dma_start3A_197 = arith.constant 77 : i32
    %dma_start3A_198 = arith.constant 0 : i32
    %dma_start3A_199 = arith.constant 0 : i32
    %dma_start3A_200 = tpu.memref_slice %arg7[%dma_start3A_196, %dma_start3A_198, %dma_start3A_199] : memref<5x125x16xf32, #tpu.memory_space<vmem>> -> memref<1x125x16xf32, #tpu.memory_space<vmem>>
    %dma_start3A_201 = tpu.memref_squeeze %dma_start3A_200 : memref<1x125x16xf32, #tpu.memory_space<vmem>> -> memref<125x16xf32, #tpu.memory_space<vmem>>
    %dma_start3A_202 = arith.constant 0 : i32
    %dma_start3A_203 = tpu.memref_slice %arg6[%dma_start3A_197, %dma_start3A_202] : memref<80x125xi32, #tpu.memory_space<vmem>> -> memref<1x125xi32, #tpu.memory_space<vmem>>
    %dma_start3A_204 = tpu.memref_squeeze %dma_start3A_203 : memref<1x125xi32, #tpu.memory_space<vmem>> -> memref<125xi32, #tpu.memory_space<vmem>>
    %dma_start3A_205 = arith.constant 0 : i32
    %dma_start3A_206 = arith.constant 0 : i32
    %dma_start3A_207 = tpu.memref_slice %arg9[%dma_start3A_205, %dma_start3A_206] : memref<10240x16xf32, #tpu.memory_space<vmem_shared>> -> memref<10240x16xf32, #tpu.memory_space<vmem_shared>>
    tpu.enqueue_indirect_dma source(%dma_start3A_201 : memref<125x16xf32, #tpu.memory_space<vmem>>) target(%dma_start3A_207 : memref<10240x16xf32, #tpu.memory_space<vmem_shared>>) offsets(%dma_start3A_204 : memref<125xi32, #tpu.memory_space<vmem>>) semaphore(%arg19 : memref<!tpu.dma_semaphore, #tpu.memory_space<semaphore_mem>>) {add = true}
    %dma_wait3A_208 = arith.constant 1 : i32
    %dma_wait3A_209 = arith.constant 76 : i32
    %dma_wait3A_210 = arith.constant 0 : i32
    %dma_wait3A_211 = arith.constant 0 : i32
    %dma_wait3A_212 = tpu.memref_slice %arg7[%dma_wait3A_208, %dma_wait3A_210, %dma_wait3A_211] : memref<5x125x16xf32, #tpu.memory_space<vmem>> -> memref<1x125x16xf32, #tpu.memory_space<vmem>>
    %dma_wait3A_213 = tpu.memref_squeeze %dma_wait3A_212 : memref<1x125x16xf32, #tpu.memory_space<vmem>> -> memref<125x16xf32, #tpu.memory_space<vmem>>
    %dma_wait3A_214 = arith.constant 0 : i32
    %dma_wait3A_215 = tpu.memref_slice %arg6[%dma_wait3A_209, %dma_wait3A_214] : memref<80x125xi32, #tpu.memory_space<vmem>> -> memref<1x125xi32, #tpu.memory_space<vmem>>
    %dma_wait3A_216 = tpu.memref_squeeze %dma_wait3A_215 : memref<1x125xi32, #tpu.memory_space<vmem>> -> memref<125xi32, #tpu.memory_space<vmem>>
    %dma_wait3A_217 = arith.constant 0 : i32
    %dma_wait3A_218 = arith.constant 0 : i32
    %dma_wait3A_219 = tpu.memref_slice %arg9[%dma_wait3A_217, %dma_wait3A_218] : memref<10240x16xf32, #tpu.memory_space<vmem_shared>> -> memref<10240x16xf32, #tpu.memory_space<vmem_shared>>
    tpu.wait_indirect_dma semaphore(%arg18 : memref<!tpu.dma_semaphore, #tpu.memory_space<semaphore_mem>>) src(%dma_wait3A_213 : memref<125x16xf32, #tpu.memory_space<vmem>>) dst(%dma_wait3A_219 : memref<10240x16xf32, #tpu.memory_space<vmem_shared>>)
    %dma_wait3A_220 = arith.constant 78 : i32
    %dma_wait3A_221 = arith.constant 3 : i32
    %dma_wait3A_222 = arith.constant 0 : i32
    %dma_wait3A_223 = arith.constant 0 : i32
    %dma_wait3A_224 = tpu.memref_slice %arg7[%dma_wait3A_221, %dma_wait3A_222, %dma_wait3A_223] : memref<5x125x16xf32, #tpu.memory_space<vmem>> -> memref<1x125x16xf32, #tpu.memory_space<vmem>>
    %dma_wait3A_225 = tpu.memref_squeeze %dma_wait3A_224 : memref<1x125x16xf32, #tpu.memory_space<vmem>> -> memref<125x16xf32, #tpu.memory_space<vmem>>
    %dma_wait3A_226 = arith.constant 0 : i32
    %dma_wait3A_227 = tpu.memref_slice %arg5[%dma_wait3A_220, %dma_wait3A_226] : memref<80x125xi32, #tpu.memory_space<vmem>> -> memref<1x125xi32, #tpu.memory_space<vmem>>
    %dma_wait3A_228 = tpu.memref_squeeze %dma_wait3A_227 : memref<1x125xi32, #tpu.memory_space<vmem>> -> memref<125xi32, #tpu.memory_space<vmem>>
    %dma_wait3A_229 = arith.constant 0 : i32
    %dma_wait3A_230 = arith.constant 0 : i32
    %dma_wait3A_231 = tpu.memref_slice %arg10[%dma_wait3A_229, %dma_wait3A_230] : memref<10240x16xf32, #tpu.memory_space<vmem_shared>> -> memref<10240x16xf32, #tpu.memory_space<vmem_shared>>
    tpu.wait_indirect_dma semaphore(%arg15 : memref<!tpu.dma_semaphore, #tpu.memory_space<semaphore_mem>>) src(%dma_wait3A_231 : memref<10240x16xf32, #tpu.memory_space<vmem_shared>>) dst(%dma_wait3A_225 : memref<125x16xf32, #tpu.memory_space<vmem>>)
    %dma_start3A_232 = arith.constant 3 : i32
    %dma_start3A_233 = arith.constant 78 : i32
    %dma_start3A_234 = arith.constant 0 : i32
    %dma_start3A_235 = arith.constant 0 : i32
    %dma_start3A_236 = tpu.memref_slice %arg7[%dma_start3A_232, %dma_start3A_234, %dma_start3A_235] : memref<5x125x16xf32, #tpu.memory_space<vmem>> -> memref<1x125x16xf32, #tpu.memory_space<vmem>>
    %dma_start3A_237 = tpu.memref_squeeze %dma_start3A_236 : memref<1x125x16xf32, #tpu.memory_space<vmem>> -> memref<125x16xf32, #tpu.memory_space<vmem>>
    %dma_start3A_238 = arith.constant 0 : i32
    %dma_start3A_239 = tpu.memref_slice %arg6[%dma_start3A_233, %dma_start3A_238] : memref<80x125xi32, #tpu.memory_space<vmem>> -> memref<1x125xi32, #tpu.memory_space<vmem>>
    %dma_start3A_240 = tpu.memref_squeeze %dma_start3A_239 : memref<1x125xi32, #tpu.memory_space<vmem>> -> memref<125xi32, #tpu.memory_space<vmem>>
    %dma_start3A_241 = arith.constant 0 : i32
    %dma_start3A_242 = arith.constant 0 : i32
    %dma_start3A_243 = tpu.memref_slice %arg9[%dma_start3A_241, %dma_start3A_242] : memref<10240x16xf32, #tpu.memory_space<vmem_shared>> -> memref<10240x16xf32, #tpu.memory_space<vmem_shared>>
    tpu.enqueue_indirect_dma source(%dma_start3A_237 : memref<125x16xf32, #tpu.memory_space<vmem>>) target(%dma_start3A_243 : memref<10240x16xf32, #tpu.memory_space<vmem_shared>>) offsets(%dma_start3A_240 : memref<125xi32, #tpu.memory_space<vmem>>) semaphore(%arg20 : memref<!tpu.dma_semaphore, #tpu.memory_space<semaphore_mem>>) {add = true}
    %dma_wait3A_244 = arith.constant 2 : i32
    %dma_wait3A_245 = arith.constant 77 : i32
    %dma_wait3A_246 = arith.constant 0 : i32
    %dma_wait3A_247 = arith.constant 0 : i32
    %dma_wait3A_248 = tpu.memref_slice %arg7[%dma_wait3A_244, %dma_wait3A_246, %dma_wait3A_247] : memref<5x125x16xf32, #tpu.memory_space<vmem>> -> memref<1x125x16xf32, #tpu.memory_space<vmem>>
    %dma_wait3A_249 = tpu.memref_squeeze %dma_wait3A_248 : memref<1x125x16xf32, #tpu.memory_space<vmem>> -> memref<125x16xf32, #tpu.memory_space<vmem>>
    %dma_wait3A_250 = arith.constant 0 : i32
    %dma_wait3A_251 = tpu.memref_slice %arg6[%dma_wait3A_245, %dma_wait3A_250] : memref<80x125xi32, #tpu.memory_space<vmem>> -> memref<1x125xi32, #tpu.memory_space<vmem>>
    %dma_wait3A_252 = tpu.memref_squeeze %dma_wait3A_251 : memref<1x125xi32, #tpu.memory_space<vmem>> -> memref<125xi32, #tpu.memory_space<vmem>>
    %dma_wait3A_253 = arith.constant 0 : i32
    %dma_wait3A_254 = arith.constant 0 : i32
    %dma_wait3A_255 = tpu.memref_slice %arg9[%dma_wait3A_253, %dma_wait3A_254] : memref<10240x16xf32, #tpu.memory_space<vmem_shared>> -> memref<10240x16xf32, #tpu.memory_space<vmem_shared>>
    tpu.wait_indirect_dma semaphore(%arg19 : memref<!tpu.dma_semaphore, #tpu.memory_space<semaphore_mem>>) src(%dma_wait3A_249 : memref<125x16xf32, #tpu.memory_space<vmem>>) dst(%dma_wait3A_255 : memref<10240x16xf32, #tpu.memory_space<vmem_shared>>)
    %dma_wait3A_256 = arith.constant 79 : i32
    %dma_wait3A_257 = arith.constant 4 : i32
    %dma_wait3A_258 = arith.constant 0 : i32
    %dma_wait3A_259 = arith.constant 0 : i32
    %dma_wait3A_260 = tpu.memref_slice %arg7[%dma_wait3A_257, %dma_wait3A_258, %dma_wait3A_259] : memref<5x125x16xf32, #tpu.memory_space<vmem>> -> memref<1x125x16xf32, #tpu.memory_space<vmem>>
    %dma_wait3A_261 = tpu.memref_squeeze %dma_wait3A_260 : memref<1x125x16xf32, #tpu.memory_space<vmem>> -> memref<125x16xf32, #tpu.memory_space<vmem>>
    %dma_wait3A_262 = arith.constant 0 : i32
    %dma_wait3A_263 = tpu.memref_slice %arg5[%dma_wait3A_256, %dma_wait3A_262] : memref<80x125xi32, #tpu.memory_space<vmem>> -> memref<1x125xi32, #tpu.memory_space<vmem>>
    %dma_wait3A_264 = tpu.memref_squeeze %dma_wait3A_263 : memref<1x125xi32, #tpu.memory_space<vmem>> -> memref<125xi32, #tpu.memory_space<vmem>>
    %dma_wait3A_265 = arith.constant 0 : i32
    %dma_wait3A_266 = arith.constant 0 : i32
    %dma_wait3A_267 = tpu.memref_slice %arg10[%dma_wait3A_265, %dma_wait3A_266] : memref<10240x16xf32, #tpu.memory_space<vmem_shared>> -> memref<10240x16xf32, #tpu.memory_space<vmem_shared>>
    tpu.wait_indirect_dma semaphore(%arg16 : memref<!tpu.dma_semaphore, #tpu.memory_space<semaphore_mem>>) src(%dma_wait3A_267 : memref<10240x16xf32, #tpu.memory_space<vmem_shared>>) dst(%dma_wait3A_261 : memref<125x16xf32, #tpu.memory_space<vmem>>)
    %dma_start3A_268 = arith.constant 4 : i32
    %dma_start3A_269 = arith.constant 79 : i32
    %dma_start3A_270 = arith.constant 0 : i32
    %dma_start3A_271 = arith.constant 0 : i32
    %dma_start3A_272 = tpu.memref_slice %arg7[%dma_start3A_268, %dma_start3A_270, %dma_start3A_271] : memref<5x125x16xf32, #tpu.memory_space<vmem>> -> memref<1x125x16xf32, #tpu.memory_space<vmem>>
    %dma_start3A_273 = tpu.memref_squeeze %dma_start3A_272 : memref<1x125x16xf32, #tpu.memory_space<vmem>> -> memref<125x16xf32, #tpu.memory_space<vmem>>
    %dma_start3A_274 = arith.constant 0 : i32
    %dma_start3A_275 = tpu.memref_slice %arg6[%dma_start3A_269, %dma_start3A_274] : memref<80x125xi32, #tpu.memory_space<vmem>> -> memref<1x125xi32, #tpu.memory_space<vmem>>
    %dma_start3A_276 = tpu.memref_squeeze %dma_start3A_275 : memref<1x125xi32, #tpu.memory_space<vmem>> -> memref<125xi32, #tpu.memory_space<vmem>>
    %dma_start3A_277 = arith.constant 0 : i32
    %dma_start3A_278 = arith.constant 0 : i32
    %dma_start3A_279 = tpu.memref_slice %arg9[%dma_start3A_277, %dma_start3A_278] : memref<10240x16xf32, #tpu.memory_space<vmem_shared>> -> memref<10240x16xf32, #tpu.memory_space<vmem_shared>>
    tpu.enqueue_indirect_dma source(%dma_start3A_273 : memref<125x16xf32, #tpu.memory_space<vmem>>) target(%dma_start3A_279 : memref<10240x16xf32, #tpu.memory_space<vmem_shared>>) offsets(%dma_start3A_276 : memref<125xi32, #tpu.memory_space<vmem>>) semaphore(%arg21 : memref<!tpu.dma_semaphore, #tpu.memory_space<semaphore_mem>>) {add = true}
    %dma_wait3A_280 = arith.constant 3 : i32
    %dma_wait3A_281 = arith.constant 78 : i32
    %dma_wait3A_282 = arith.constant 0 : i32
    %dma_wait3A_283 = arith.constant 0 : i32
    %dma_wait3A_284 = tpu.memref_slice %arg7[%dma_wait3A_280, %dma_wait3A_282, %dma_wait3A_283] : memref<5x125x16xf32, #tpu.memory_space<vmem>> -> memref<1x125x16xf32, #tpu.memory_space<vmem>>
    %dma_wait3A_285 = tpu.memref_squeeze %dma_wait3A_284 : memref<1x125x16xf32, #tpu.memory_space<vmem>> -> memref<125x16xf32, #tpu.memory_space<vmem>>
    %dma_wait3A_286 = arith.constant 0 : i32
    %dma_wait3A_287 = tpu.memref_slice %arg6[%dma_wait3A_281, %dma_wait3A_286] : memref<80x125xi32, #tpu.memory_space<vmem>> -> memref<1x125xi32, #tpu.memory_space<vmem>>
    %dma_wait3A_288 = tpu.memref_squeeze %dma_wait3A_287 : memref<1x125xi32, #tpu.memory_space<vmem>> -> memref<125xi32, #tpu.memory_space<vmem>>
    %dma_wait3A_289 = arith.constant 0 : i32
    %dma_wait3A_290 = arith.constant 0 : i32
    %dma_wait3A_291 = tpu.memref_slice %arg9[%dma_wait3A_289, %dma_wait3A_290] : memref<10240x16xf32, #tpu.memory_space<vmem_shared>> -> memref<10240x16xf32, #tpu.memory_space<vmem_shared>>
    tpu.wait_indirect_dma semaphore(%arg20 : memref<!tpu.dma_semaphore, #tpu.memory_space<semaphore_mem>>) src(%dma_wait3A_285 : memref<125x16xf32, #tpu.memory_space<vmem>>) dst(%dma_wait3A_291 : memref<10240x16xf32, #tpu.memory_space<vmem_shared>>)
    %dma_wait3A_292 = arith.constant 4 : i32
    %dma_wait3A_293 = arith.constant 79 : i32
    %dma_wait3A_294 = arith.constant 0 : i32
    %dma_wait3A_295 = arith.constant 0 : i32
    %dma_wait3A_296 = tpu.memref_slice %arg7[%dma_wait3A_292, %dma_wait3A_294, %dma_wait3A_295] : memref<5x125x16xf32, #tpu.memory_space<vmem>> -> memref<1x125x16xf32, #tpu.memory_space<vmem>>
    %dma_wait3A_297 = tpu.memref_squeeze %dma_wait3A_296 : memref<1x125x16xf32, #tpu.memory_space<vmem>> -> memref<125x16xf32, #tpu.memory_space<vmem>>
    %dma_wait3A_298 = arith.constant 0 : i32
    %dma_wait3A_299 = tpu.memref_slice %arg6[%dma_wait3A_293, %dma_wait3A_298] : memref<80x125xi32, #tpu.memory_space<vmem>> -> memref<1x125xi32, #tpu.memory_space<vmem>>
    %dma_wait3A_300 = tpu.memref_squeeze %dma_wait3A_299 : memref<1x125xi32, #tpu.memory_space<vmem>> -> memref<125xi32, #tpu.memory_space<vmem>>
    %dma_wait3A_301 = arith.constant 0 : i32
    %dma_wait3A_302 = arith.constant 0 : i32
    %dma_wait3A_303 = tpu.memref_slice %arg9[%dma_wait3A_301, %dma_wait3A_302] : memref<10240x16xf32, #tpu.memory_space<vmem_shared>> -> memref<10240x16xf32, #tpu.memory_space<vmem_shared>>
    tpu.wait_indirect_dma semaphore(%arg21 : memref<!tpu.dma_semaphore, #tpu.memory_space<semaphore_mem>>) src(%dma_wait3A_297 : memref<125x16xf32, #tpu.memory_space<vmem>>) dst(%dma_wait3A_303 : memref<10240x16xf32, #tpu.memory_space<vmem_shared>>)
    %barrier3A_304 = arith.constant 0 : index
    tpu.barrier barrier_id(%barrier3A_304)
    %mul3A_305 = arith.constant 640 : i32
    %mul3A_306 = arith.muli %arg1, %mul3A_305 : i32
    "tpu.region"() ({
      %run_scoped3A = tpu.sem_alloc : memref<!tpu.dma_semaphore, #tpu.memory_space<semaphore_mem>>
      %dma_start3A_309 = arith.constant 0 : i32
      %dma_start3A_310 = tpu.memref_slice %arg9[%mul3A_306, %dma_start3A_309] : memref<10240x16xf32, #tpu.memory_space<vmem_shared>> -> memref<640x16xf32, #tpu.memory_space<vmem_shared>>
      %dma_start3A_311 = arith.constant 0 : i32
      %dma_start3A_312 = tpu.memref_slice %arg9[%mul3A_306, %dma_start3A_311] : memref<10240x16xf32, #tpu.memory_space<vmem_shared>> -> memref<640x16xf32, #tpu.memory_space<vmem_shared>>
      tpu.enqueue_dma source(%dma_start3A_312 : memref<640x16xf32, #tpu.memory_space<vmem_shared>>) target(%arg8 : memref<640x16xf32, #tpu.memory_space<vmem>>) target_semaphore(%run_scoped3A : memref<!tpu.dma_semaphore, #tpu.memory_space<semaphore_mem>>)
      %dma_wait3A_313 = arith.constant 0 : i32
      %dma_wait3A_314 = tpu.memref_slice %arg9[%mul3A_306, %dma_wait3A_313] : memref<10240x16xf32, #tpu.memory_space<vmem_shared>> -> memref<640x16xf32, #tpu.memory_space<vmem_shared>>
      %dma_wait3A_315 = arith.constant 0 : i32
      %dma_wait3A_316 = tpu.memref_slice %arg9[%mul3A_306, %dma_wait3A_315] : memref<10240x16xf32, #tpu.memory_space<vmem_shared>> -> memref<640x16xf32, #tpu.memory_space<vmem_shared>>
      tpu.wait_dma2 semaphore(%run_scoped3A : memref<!tpu.dma_semaphore, #tpu.memory_space<semaphore_mem>>) src(%dma_wait3A_316 : memref<640x16xf32, #tpu.memory_space<vmem_shared>>) dst(%arg8 : memref<640x16xf32, #tpu.memory_space<vmem>>)
      tpu.yield
    }) : () -> ()
    %mul3A_307 = arith.constant 640 : i32
    %mul3A_308 = arith.muli %arg1, %mul3A_307 : i32
    "tpu.region"() ({
      %run_scoped3A = tpu.sem_alloc : memref<!tpu.dma_semaphore, #tpu.memory_space<semaphore_mem>>
      %dma_start3A_309 = arith.constant 0 : i32
      %dma_start3A_310 = tpu.memref_slice %arg4[%arg0, %mul3A_308, %dma_start3A_309] : memref<2x10240x16xf32, #tpu.memory_space<hbm>> -> memref<1x640x16xf32, #tpu.memory_space<hbm>>
      %dma_start3A_311 = tpu.memref_squeeze %dma_start3A_310 : memref<1x640x16xf32, #tpu.memory_space<hbm>> -> memref<640x16xf32, #tpu.memory_space<hbm>>
      %dma_start3A_312 = arith.constant 0 : i32
      %dma_start3A_313 = tpu.memref_slice %arg4[%arg0, %mul3A_308, %dma_start3A_312] : memref<2x10240x16xf32, #tpu.memory_space<hbm>> -> memref<1x640x16xf32, #tpu.memory_space<hbm>>
      %dma_start3A_314 = tpu.memref_squeeze %dma_start3A_313 : memref<1x640x16xf32, #tpu.memory_space<hbm>> -> memref<640x16xf32, #tpu.memory_space<hbm>>
      tpu.enqueue_dma source(%arg8 : memref<640x16xf32, #tpu.memory_space<vmem>>) target(%dma_start3A_314 : memref<640x16xf32, #tpu.memory_space<hbm>>) target_semaphore(%run_scoped3A : memref<!tpu.dma_semaphore, #tpu.memory_space<semaphore_mem>>)
      %dma_wait3A_315 = arith.constant 0 : i32
      %dma_wait3A_316 = tpu.memref_slice %arg4[%arg0, %mul3A_308, %dma_wait3A_315] : memref<2x10240x16xf32, #tpu.memory_space<hbm>> -> memref<1x640x16xf32, #tpu.memory_space<hbm>>
      %dma_wait3A_317 = tpu.memref_squeeze %dma_wait3A_316 : memref<1x640x16xf32, #tpu.memory_space<hbm>> -> memref<640x16xf32, #tpu.memory_space<hbm>>
      %dma_wait3A_318 = arith.constant 0 : i32
      %dma_wait3A_319 = tpu.memref_slice %arg4[%arg0, %mul3A_308, %dma_wait3A_318] : memref<2x10240x16xf32, #tpu.memory_space<hbm>> -> memref<1x640x16xf32, #tpu.memory_space<hbm>>
      %dma_wait3A_320 = tpu.memref_squeeze %dma_wait3A_319 : memref<1x640x16xf32, #tpu.memory_space<hbm>> -> memref<640x16xf32, #tpu.memory_space<hbm>>
      tpu.wait_dma2 semaphore(%run_scoped3A : memref<!tpu.dma_semaphore, #tpu.memory_space<semaphore_mem>>) src(%arg8 : memref<640x16xf32, #tpu.memory_space<vmem>>) dst(%dma_wait3A_320 : memref<640x16xf32, #tpu.memory_space<hbm>>)
      tpu.yield
    }) : () -> ()
    return
  }
}

module attributes {stable_mosaic.version = 14 : i64} {
  func.func @_hs_body(%arg0: memref<1250x1024xf32, #tpu.memory_space<vmem>>, %arg1: memref<1024x128xf32, #tpu.memory_space<vmem>>, %arg2: memref<2x1280x128xf32, #tpu.memory_space<vmem>>, %arg3: memref<1280x128xf32, #tpu.memory_space<vmem>>, %arg4: memref<1280x128xf32, #tpu.memory_space<vmem>>) attributes {dimension_semantics = [], scalar_prefetch = 0 : i64, scratch_operands = 0 : i64, tpu.core_type = #tpu.core_type<tc>} {
    %get3A = arith.constant 0 : index
    %get3A_0 = arith.constant 0 : index
    %get3A_1 = arith.constant 0 : index
    %get3A_2 = vector.load %arg2[%get3A, %get3A_0, %get3A_1] : memref<2x1280x128xf32, #tpu.memory_space<vmem>>, vector<1x1280x128xf32>
    %get3A_3 = vector.shape_cast %get3A_2 : vector<1x1280x128xf32> to vector<1280x128xf32>
    %add3A = arith.constant 1.000000e+00 : f32
    %add3A_4 = vector.broadcast %add3A : f32 to vector<1280x128xf32>
    %add3A_5 = arith.addf %add3A_4, %get3A_3 : vector<1280x128xf32>
    %get3A_6 = arith.constant 1 : index
    %get3A_7 = arith.constant 0 : index
    %get3A_8 = arith.constant 0 : index
    %get3A_9 = vector.load %arg2[%get3A_6, %get3A_7, %get3A_8] : memref<2x1280x128xf32, #tpu.memory_space<vmem>>, vector<1x1280x128xf32>
    %get3A_10 = vector.shape_cast %get3A_9 : vector<1x1280x128xf32> to vector<1280x128xf32>
    %add3A_11 = arith.addf %add3A_5, %get3A_10 : vector<1280x128xf32>
    %rsqrt3A = math.rsqrt %add3A_11 : vector<1280x128xf32>
    %get3A_12 = arith.constant 0 : index
    %get3A_13 = arith.constant 0 : index
    %get3A_14 = vector.load %arg0[%get3A_12, %get3A_13] : memref<1250x1024xf32, #tpu.memory_space<vmem>>, vector<1250x1024xf32>
    %get3A_15 = arith.constant 0 : index
    %get3A_16 = arith.constant 0 : index
    %get3A_17 = vector.load %arg1[%get3A_15, %get3A_16] : memref<1024x128xf32, #tpu.memory_space<vmem>>, vector<1024x128xf32>
    %dot_general3A = arith.constant dense<0.000000e+00> : vector<1250x128xf32>
    %dot_general3A_18 = tpu.matmul %get3A_14, %get3A_17, %dot_general3A {dimension_numbers = #tpu.dot_dimension_numbers<[1], [0], [0], [1], [0, 0, 1, 1], [], []>, transpose_lhs_hint = false} : vector<1250x1024xf32>, vector<1024x128xf32>, vector<1250x128xf32> -> vector<1250x128xf32>
    %slice3A = vector.extract_strided_slice %rsqrt3A {offsets = [0, 0], sizes = [1250, 128], strides = [1, 1]} : vector<1280x128xf32> to vector<1250x128xf32>
    %mul3A = arith.mulf %dot_general3A_18, %slice3A : vector<1250x128xf32>
    %broadcast_in_dim3A = arith.constant 0.000000e+00 : f32
    %broadcast_in_dim3A_19 = vector.broadcast %broadcast_in_dim3A : f32 to vector<30x128xf32>
    %concatenate3A = tpu.concatenate %mul3A, %broadcast_in_dim3A_19 in 0 : vector<1250x128xf32>, vector<30x128xf32> -> vector<1280x128xf32>
    %swap3A = arith.constant 0 : index
    %swap3A_20 = arith.constant 0 : index
    %swap3A_21 = vector.load %arg3[%swap3A, %swap3A_20] : memref<1280x128xf32, #tpu.memory_space<vmem>>, vector<1280x128xf32>
    tpu.vector_store %arg3[%swap3A, %swap3A_20], %concatenate3A {strides = array<i32>} : memref<1280x128xf32, #tpu.memory_space<vmem>>, vector<1280x128xf32>,
    %swap3A_22 = arith.constant 0 : index
    %swap3A_23 = arith.constant 0 : index
    %swap3A_24 = vector.load %arg4[%swap3A_22, %swap3A_23] : memref<1280x128xf32, #tpu.memory_space<vmem>>, vector<1280x128xf32>
    tpu.vector_store %arg4[%swap3A_22, %swap3A_23], %rsqrt3A {strides = array<i32>} : memref<1280x128xf32, #tpu.memory_space<vmem>>, vector<1280x128xf32>,
    return
  }
}

module attributes {stable_mosaic.version = 14 : i64} {
  func.func @_mid_body(%arg0: memref<2x1280x128xf32, #tpu.memory_space<vmem>>, %arg1: memref<1280x128xf32, #tpu.memory_space<vmem>>, %arg2: memref<1280x128xf32, #tpu.memory_space<vmem>>, %arg3: memref<1x128xf32, #tpu.memory_space<vmem>>, %arg4: memref<1280x128xf32, #tpu.memory_space<vmem>>) attributes {dimension_semantics = [], scalar_prefetch = 0 : i64, scratch_operands = 0 : i64, tpu.core_type = #tpu.core_type<tc>} {
    %get3A = arith.constant 0 : index
    %get3A_0 = arith.constant 0 : index
    %get3A_1 = vector.load %arg2[%get3A, %get3A_0] : memref<1280x128xf32, #tpu.memory_space<vmem>>, vector<1280x128xf32>
    %get3A_2 = arith.constant 0 : index
    %get3A_3 = arith.constant 0 : index
    %get3A_4 = arith.constant 0 : index
    %get3A_5 = vector.load %arg0[%get3A_2, %get3A_3, %get3A_4] : memref<2x1280x128xf32, #tpu.memory_space<vmem>>, vector<1x1280x128xf32>
    %get3A_6 = vector.shape_cast %get3A_5 : vector<1x1280x128xf32> to vector<1280x128xf32>
    %get3A_7 = arith.constant 1 : index
    %get3A_8 = arith.constant 0 : index
    %get3A_9 = arith.constant 0 : index
    %get3A_10 = vector.load %arg0[%get3A_7, %get3A_8, %get3A_9] : memref<2x1280x128xf32, #tpu.memory_space<vmem>>, vector<1x1280x128xf32>
    %get3A_11 = vector.shape_cast %get3A_10 : vector<1x1280x128xf32> to vector<1280x128xf32>
    %add3A = arith.addf %get3A_6, %get3A_11 : vector<1280x128xf32>
    %get3A_12 = arith.constant 0 : index
    %get3A_13 = arith.constant 0 : index
    %get3A_14 = vector.load %arg1[%get3A_12, %get3A_13] : memref<1280x128xf32, #tpu.memory_space<vmem>>, vector<1280x128xf32>
    %add3A_15 = arith.addf %add3A, %get3A_14 : vector<1280x128xf32>
    %mul3A = arith.mulf %get3A_1, %add3A_15 : vector<1280x128xf32>
    %get3A_16 = arith.constant 0 : index
    %get3A_17 = arith.constant 0 : index
    %get3A_18 = vector.load %arg3[%get3A_16, %get3A_17] : memref<1x128xf32, #tpu.memory_space<vmem>>, vector<1x128xf32>
    %add3A_19 = vector.broadcast %get3A_18 : vector<1x128xf32> to vector<1280x128xf32>
    %add3A_20 = arith.addf %mul3A, %add3A_19 : vector<1280x128xf32>
    %max3A = arith.constant 0.000000e+00 : f32
    %max3A_21 = vector.broadcast %max3A : f32 to vector<1280x128xf32>
    %max3A_22 = arith.maximumf %add3A_20, %max3A_21 : vector<1280x128xf32>
    %mul3A_23 = arith.mulf %max3A_22, %get3A_1 : vector<1280x128xf32>
    %swap3A = arith.constant 0 : index
    %swap3A_24 = arith.constant 0 : index
    %swap3A_25 = vector.load %arg4[%swap3A, %swap3A_24] : memref<1280x128xf32, #tpu.memory_space<vmem>>, vector<1280x128xf32>
    tpu.vector_store %arg4[%swap3A, %swap3A_24], %mul3A_23 {strides = array<i32>} : memref<1280x128xf32, #tpu.memory_space<vmem>>, vector<1280x128xf32>,
    return
  }
}

module attributes {stable_mosaic.version = 14 : i64} {
  func.func @_out_body(%arg0: memref<2x1280x128xf32, #tpu.memory_space<vmem>>, %arg1: memref<1280x128xf32, #tpu.memory_space<vmem>>, %arg2: memref<1280x128xf32, #tpu.memory_space<vmem>>, %arg3: memref<128x1024xf32, #tpu.memory_space<vmem>>, %arg4: memref<1x1024xf32, #tpu.memory_space<vmem>>, %arg5: memref<1280x1024xf32, #tpu.memory_space<vmem>>) attributes {dimension_semantics = [], scalar_prefetch = 0 : i64, scratch_operands = 0 : i64, tpu.core_type = #tpu.core_type<tc>} {
    %get3A = arith.constant 0 : index
    %get3A_0 = arith.constant 0 : index
    %get3A_1 = vector.load %arg2[%get3A, %get3A_0] : memref<1280x128xf32, #tpu.memory_space<vmem>>, vector<1280x128xf32>
    %get3A_2 = arith.constant 0 : index
    %get3A_3 = arith.constant 0 : index
    %get3A_4 = arith.constant 0 : index
    %get3A_5 = vector.load %arg0[%get3A_2, %get3A_3, %get3A_4] : memref<2x1280x128xf32, #tpu.memory_space<vmem>>, vector<1x1280x128xf32>
    %get3A_6 = vector.shape_cast %get3A_5 : vector<1x1280x128xf32> to vector<1280x128xf32>
    %get3A_7 = arith.constant 1 : index
    %get3A_8 = arith.constant 0 : index
    %get3A_9 = arith.constant 0 : index
    %get3A_10 = vector.load %arg0[%get3A_7, %get3A_8, %get3A_9] : memref<2x1280x128xf32, #tpu.memory_space<vmem>>, vector<1x1280x128xf32>
    %get3A_11 = vector.shape_cast %get3A_10 : vector<1x1280x128xf32> to vector<1280x128xf32>
    %add3A = arith.addf %get3A_6, %get3A_11 : vector<1280x128xf32>
    %get3A_12 = arith.constant 0 : index
    %get3A_13 = arith.constant 0 : index
    %get3A_14 = vector.load %arg1[%get3A_12, %get3A_13] : memref<1280x128xf32, #tpu.memory_space<vmem>>, vector<1280x128xf32>
    %add3A_15 = arith.addf %add3A, %get3A_14 : vector<1280x128xf32>
    %mul3A = arith.mulf %get3A_1, %add3A_15 : vector<1280x128xf32>
    %get3A_16 = arith.constant 0 : index
    %get3A_17 = arith.constant 0 : index
    %get3A_18 = vector.load %arg3[%get3A_16, %get3A_17] : memref<128x1024xf32, #tpu.memory_space<vmem>>, vector<128x1024xf32>
    %dot_general3A = arith.constant dense<0.000000e+00> : vector<1280x1024xf32>
    %dot_general3A_19 = tpu.matmul %mul3A, %get3A_18, %dot_general3A {dimension_numbers = #tpu.dot_dimension_numbers<[1], [0], [0], [1], [0, 0, 1, 1], [], []>, transpose_lhs_hint = false} : vector<1280x128xf32>, vector<128x1024xf32>, vector<1280x1024xf32> -> vector<1280x1024xf32>
    %get3A_20 = arith.constant 0 : index
    %get3A_21 = arith.constant 0 : index
    %get3A_22 = vector.load %arg4[%get3A_20, %get3A_21] : memref<1x1024xf32, #tpu.memory_space<vmem>>, vector<1x1024xf32>
    %add3A_23 = vector.broadcast %get3A_22 : vector<1x1024xf32> to vector<1280x1024xf32>
    %add3A_24 = arith.addf %dot_general3A_19, %add3A_23 : vector<1280x1024xf32>
    %swap3A = arith.constant 0 : index
    %swap3A_25 = arith.constant 0 : index
    %swap3A_26 = vector.load %arg5[%swap3A, %swap3A_25] : memref<1280x1024xf32, #tpu.memory_space<vmem>>, vector<1280x1024xf32>
    tpu.vector_store %arg5[%swap3A, %swap3A_25], %add3A_24 {strides = array<i32>} : memref<1280x1024xf32, #tpu.memory_space<vmem>>, vector<1280x1024xf32>,
    return
  }
}

</mosaic_0001>

<sc_bundles>
// kernel: kernel.11.cloned.1.call-start
scs
__scs_entry_jumppad:
0x0: {  	(pc) =	sbr.rel $0x88, $3  }
0x1: {  	(tag) =	ssettag $0x0;
	lr =	simm.s32 $0x1  }
0x2: {  	[smem:$0x3F9B] =	sst lr;
	_ =	strace $0xD0000000  }
0x3: {  	_ = 	snop  }
0x4: {  	_ = 	snop  }
0x5: {  	_ = 	snop  }
0x6: {  	_ = 	snop  }
0x7: {  	_ = 	snop  }
__scs_overlays_trampoline_lowered:
0x8: {  	[smem:$0x3FAA] =	sst s0  }
0x9: {  	[smem:$0x3FAB] =	sst s1  }
0xa: {  	[smem:$0x3FAC] =	sst s2  }
0xb: {  	[smem:$0x3FAD] =	sst s3  }
0xc: {  	[smem:$0x3FAE] =	sst s4  }
0xd: {  	[smem:$0x3FAF] =	sst s5  }
0xe: {  	[smem:$0x3FB0] =	sst s6  }
0xf: {  	[smem:$0x3FB1] =	sst s7  }
0x10: {  	[smem:$0x3FB2] =	sst s8  }
0x11: {  	[smem:$0x3FB3] =	sst s9;
	s0 =	simm.s32 @!p0 $0x0  }
0x12: {  	s1 =	sld [smem:$0x3F99];
	s0 =	simm.s32 @p0 $0x1  }
0x13: {  	[smem:$0x3FB4] =	sst s0;
	s0 =	simm.s32 @!p1 $0x0  }
0x14: {  	s2 =	sld [smem:$0x3F98];
	s0 =	simm.s32 @p1 $0x1  }
0x15: {  	[smem:$0x3FB5] =	sst s0;
	s0 =	simm.s32 @!p2 $0x0  }
0x16: {  	s3 =	sld [smem:$0x3FDB];
	s0 =	simm.s32 @p2 $0x1  }
0x17: {  	s4 =	simm.s32 $0x1BF5;
	[smem:$0x3FB7] =	sst s0  }
0x18: {  	s0 =	sld [smem:$0x3F9A];
	_ =	swait.ge [sflag:s4], $0x0  }
0x19: {  	s7 =	sld [smem:$0x3F9B]  }
0x1a: {  	s8 =	sadd.s32 $0xFFFFE003, lr  }
0x1b: {  	s9 =	sadd.s32 $0xFFFFFEF7, lr;
	s5 =	simm.s32 $0xFFFFFFFF;
	p2 =	slt.u32 s8, $0xFFFFF086  }
0x1c: {  	p1 =	slt.u32 s9, $0xF7A;
	s5 =	simm.s32 @!p2 $0x0  }
0x1d: {  	s5 =	simm.s32 @p1 $0x1;
	p0 =	seq.s32 s7, s2  }
0x1e: {  	s7 =	smul.u32 @!p0 $0xF7A, s2;
	p2 =	seq.s32 @!p0 s5, $0x0  }
0x1f: {  	s9 =	smul.u32 $0xF7A, s1;
	s8 =	simm.s32 @!p0 $0x1BF5;
	p2 =	por !p2, p0  }
0x20: {  	[sflag:s8] =	ssyncset.s32 @!p0 $0xFFFFF086;
	s6 =	sadd.s32 @!p0 s3, s7;
	s7 =	simm.s32 @!p0 $0x108  }
0x21: {  	s3 =	sadd.s32 s3, s9;
	s6 =	sadd.s32 @!p0 $0x88, s6;
	s7 =	simm.s32 @p2 $0x1082  }
0x22: {  	[simem:s7], [sflag:s8] =	dma.local @!p0 [hbm:s6], $0xF7A  }
0x23: {  	s9 =	sor.u32 $0xD0000000, s2;
	s6 =	simm.s32 $0x108;
	_ =	swait.ge @!p0 [sflag:s8], $0x0  }
0x24: {  	s3 =	sadd.s32 $0x88, s3;
	s6 =	simm.s32 @!p1 $0x1082;
	[sflag:s4] =	ssyncset.s32 $0xFFFFF086  }
0x25: {  	[simem:s6], [sflag:s4] =	dma.local [hbm:s3], $0xF7A  }
0x26: {  	[smem:$0x3F9B] =	sst s1;
	(tag) =	ssettag s2;
	_ =	strace s9  }
0x27: {  	s1 =	sld [smem:$0x3FAB]  }
0x28: {  	s2 =	sld [smem:$0x3FAC]  }
0x29: {  	s4 =	sld [smem:$0x3FAE]  }
0x2a: {  	p0 =	seq.s32 s5, $0x0;
	s5 =	sld [smem:$0x3FAF]  }
0x2b: {  	s6 =	sld [smem:$0x3FB0]  }
0x2c: {  	s7 =	sld [smem:$0x3FB1]  }
0x2d: {  	s3 =	simm.s32 $0x108;
	s8 =	sld [smem:$0x3FB2]  }
0x2e: {  	s3 =	simm.s32 @!p0 $0x1082;
	s9 =	sld [smem:$0x3FB3]  }
0x2f: {  	lr =	sadd.s32 s0, s3;
	s0 =	sld [smem:$0x3FAA]  }
0x30: {  	s3 =	sld [smem:$0x3FAD]  }
0x31: {  	[smem:$0x3FB6] =	sst s10  }
0x32: {  	s10 =	sld [smem:$0x3FB4];
	_ =	sdelay $0x3  }
0x33: {  	p0 =	seq.s32 s10, $0x1;
	s10 =	sld [smem:$0x3FB6];
	_ =	sdelay $0x3  }
0x34: {  	[smem:$0x3FB6] =	sst s10  }
0x35: {  	s10 =	sld [smem:$0x3FB5];
	_ =	sdelay $0x3  }
0x36: {  	p1 =	seq.s32 s10, $0x1;
	s10 =	sld [smem:$0x3FB6];
	_ =	sdelay $0x3  }
0x37: {  	[smem:$0x3FB6] =	sst s10  }
0x38: {  	s10 =	sld [smem:$0x3FB7]  }
0x39: {  	_ = 	snop;
	(pc) =	sbr.ind lr, $3  }
0x3a: {  	_ = 	snop  }
0x3b: {  	_ = 	snop  }
0x3c: {  	p2 =	seq.s32 s10, $0x1;
	s10 =	sld [smem:$0x3FB6]  }
0x3d: {  	_ =	shalt  }
0x3e: {  	_ =	shalt  }
0x3f: {  	_ =	shalt  }
0x40: {  	_ =	shalt  }
0x41: {  	_ =	shalt  }
0x42: {  	_ =	shalt  }
0x43: {  	_ =	shalt  }
0x44: {  	_ =	shalt  }
0x45: {  	_ =	shalt  }
0x46: {  	_ =	shalt  }
0x47: {  	_ =	shalt  }
0x48: {  	_ =	shalt  }
0x49: {  	_ =	shalt  }
0x4a: {  	_ =	shalt  }
0x4b: {  	_ =	shalt  }
0x4c: {  	_ =	shalt  }
0x4d: {  	_ =	shalt  }
0x4e: {  	_ =	shalt  }
0x4f: {  	_ =	shalt  }
0x50: {  	_ =	shalt  }
0x51: {  	_ =	shalt  }
0x52: {  	_ =	shalt  }
0x53: {  	_ =	shalt  }
0x54: {  	_ =	shalt  }
0x55: {  	_ =	shalt  }
0x56: {  	_ =	shalt  }
0x57: {  	_ =	shalt  }
0x58: {  	_ =	shalt  }
0x59: {  	_ =	shalt  }
0x5a: {  	_ =	shalt  }
0x5b: {  	_ =	shalt  }
0x5c: {  	_ =	shalt  }
0x5d: {  	_ =	shalt  }
0x5e: {  	_ =	shalt  }
0x5f: {  	_ =	shalt  }
0x60: {  	_ =	shalt  }
0x61: {  	_ =	shalt  }
0x62: {  	_ =	shalt  }
0x63: {  	_ =	shalt  }
0x64: {  	_ =	shalt  }
0x65: {  	_ =	shalt  }
0x66: {  	_ =	shalt  }
0x67: {  	_ =	shalt  }
0x68: {  	_ =	shalt  }
0x69: {  	_ =	shalt  }
0x6a: {  	_ =	shalt  }
0x6b: {  	_ =	shalt  }
0x6c: {  	_ =	shalt  }
0x6d: {  	_ =	shalt  }
0x6e: {  	_ =	shalt  }
0x6f: {  	_ =	shalt  }
0x70: {  	_ =	shalt  }
0x71: {  	_ =	shalt  }
0x72: {  	_ =	shalt  }
0x73: {  	_ =	shalt  }
0x74: {  	_ =	shalt  }
0x75: {  	_ =	shalt  }
0x76: {  	_ =	shalt  }
0x77: {  	_ =	shalt  }
0x78: {  	_ =	shalt  }
0x79: {  	_ =	shalt  }
0x7a: {  	_ =	shalt  }
0x7b: {  	_ =	shalt  }
0x7c: {  	_ =	shalt  }
0x7d: {  	_ =	shalt  }
0x7e: {  	_ =	shalt  }
0x7f: {  	_ =	shalt  }
0x80: {  	_ =	shalt  }
0x81: {  	_ =	shalt  }
0x82: {  	_ =	shalt  }
0x83: {  	_ =	shalt  }
0x84: {  	_ =	shalt  }
0x85: {  	_ =	shalt  }
0x86: {  	_ =	shalt  }
0x87: {  	_ =	shalt  }
.Lfunc_end0:
.L_simem_size_0:
called_computation.1_lowered:
.L_overlay_start_0:
0x88: {  	s2 =	sld [smem:$0x3FD9]  }
0x89: {  	s3 =	sld [smem:$0x3FFE];
	_ =	sdelay $0x1  }
0x8a: {  	s1 =	srdreg.scid  }
0x8b: {  	s0 =	sand.u32 $0x1, s1  }
0x8c: {  	s17 =	sshll.u32 s0, $0xA;
	s2 =	sadd.s32 s3, s2  }
0x8d: {  	s2 =	sadd.s32 s2, s17  }
0x8e: {  	[smem:$0x3FC2] =	sst s2  }
0x8f: {  	_ = 	snop  }
0x90: {  	s2 =	sld [smem:$0x3FD0];
	(tm) =	ssettm $0x1  }
0x91: {  	s18 =	sld [smem:$0x3FFB];
	_ =	sdelay $0x3  }
0x92: {  	_ =	strace s18  }
0x93: {  	s3 =	sld [smem:$0x3FFC];
	_ =	sdelay $0x3  }
0x94: {  	_ =	strace s3  }
0x95: {  	s3 =	sld [smem:$0x3FFD];
	_ =	sdelay $0x3  }
0x96: {  	_ =	strace s3  }
0x97: {  	_ =	strace $0x8FFFFFFF  }
0x98: {  	s19 =	sld [smem:$0x3FDB];
	_ =	sdelay $0x1  }
0x99: {  	s4 =	simm.s32 $_scs_section_size  }
0x9a: {  	s5 =	simm.s32 $_size__tile_overlayer_lowered;
	s6 =	simm.s32 $_tile_overlayer_lowered  }
0x9b: {  	s22 =	simm.s32 $0x1BFF;
	s21 =	sshll.u32 s6, $0x1;
	s3 =	sadd.s32 s4, s19  }
0x9c: {  	s7 =	simm.s32 $0x0;
	s20 =	sshll.u32 s5, $0x1;
	s5 =	sadd.s32 s21, s3  }
0x9d: {  	[timem:s7], [sflag:s22] =	dma.local [hbm:s5], s20  }
0x9e: {  	_ =	swait.ge [sflag:s22], s20  }
0x9f: {  	s4 =	ssub.s32 $0x0, s20;
	[sflag:s22] =	ssyncset.done $0x0  }
0xa0: {  	[sflag:s22] =	ssyncadd.s32 s4;
	_ =	sdelay $0x1  }
0xa1: {  	s23 =	simm.s32 $0x1B8B  }
0xa2: {  	_ =	swait.ge [sflag:s23], $0x1  }
0xa3: {  	[sflag:s23] =	ssyncset.done $0x0  }
0xa4: {  	s25 =	simm.s32 $0x1B8E;
	s24 =	sld [smem:$0x3FFE];
	[sflag:s23] =	ssyncadd.s32 $0xFFFFFFFF  }
0xa5: {  	s26 =	simm.s32 $execute0_lowered;
	[smem:$0x3FD2] =	sst s25  }
0xa6: {  	s5 =	sshll.u32 s26, $0x1;
	_ =	strace $0x80000049;
	[dreg:$0x1] =	wrdreg $0xFFFFFFFF  }
0xa7: {  	s28 =	simm.s32 $_size_execute0_lowered;
	s3 =	sadd.s32 s3, s5;
	[dreg:$0x0] =	wrdreg $0x0  }
0xa8: {  	s5 =	sshll.u32 s28, $0x1;
	[dreg:$0x2] =	wrdreg s3  }
0xa9: {  	[dreg:$0x3] =	wrdreg s5  }
0xaa: {  	[dreg:$0x4] =	wrdreg $0xC0  }
0xab: {  	_ =	task [dreg:s7], $0x5FFFF  }
0xac: {  	[dreg:$0x1] =	wrdreg $0xFFFFFFFF  }
0xad: {  	[dreg:$0x0] =	wrdreg $0x60  }
0xae: {  	[dreg:$0x2] =	wrdreg s2  }
0xaf: {  	[dreg:$0x3] =	wrdreg s24  }
0xb0: {  	[dreg:$0x4] =	wrdreg $0xC7100  }
0xb1: {  	[dreg:$0x5] =	wrdreg $0x9F100  }
0xb2: {  	[dreg:$0x6] =	wrdreg $0x9  }
0xb3: {  	_ =	task.clear_ibuf [dreg:s7], $0x7FFFF;
	_ =	strace $0x90000049  }
0xb4: {  	s29 =	simm.s32 $0x9;
	_ =	strace $0x8000004B  }
0xb5: {  	_ =	swait.ge [sflag:s29], $0x1  }
0xb6: {  	[sflag:s29] =	ssyncadd.s32 $0xFFFFFFFF  }
0xb7: {  	_ =	strace $0x9000004B  }
0xb8: {  	_ =	sfence  }
0xb9: {  	s30 =	sld [smem:$0x0];
	_ =	sdelay $0x2  }
0xba: {  	s31 =	sshll.u32 s1, $0xD;
	s1 =	sshrl.u32 s1, $0x2  }
0xbb: {  	s3 =	sand.u32 $0x4000, s31;
	s1 =	sadd.s32 s1, s30  }
0xbc: {  	s0 =	sor.u32 s3, s0;
	s1 =	sshll.u32 s1, $0x11  }
0xbd: {  	s0 =	sor.u32 s1, s0  }
0xbe: {  	s0 =	sadd.s32 $0x8F2B, s0  }
0xbf: {  	[sflag:s0] =	ssyncadd.remote.s32 $0x1  }
0xc0: {  	_ =	sfence.sel $0xFFFF  }
0xc1: {  	[dreg:$0x0] =	wrdreg $0xFFFFFFFF;
	(pc) =	sbr.abs _section_cstart, $3  }
0xc2: {  	[dreg:$0x1] =	wrdreg $0xFFFFFFFF  }
0xc3: {  	_ =	task.clear_ibuf [dreg:s7], $0x2FFFF;
	_ =	strace $0x9FFFFFFF  }
0xc4: {  	(tm) =	ssettm $0x7FFFFFFF  }
0xc5: {  	_ =	shalt  }
tec
execute0_lowered:
.L_overlay_start_1:
0x0: {  	(tag) =	ssettag $0x1  }
0x1: {  	s0 =	rddreg [dreg:$0x0]  }
0x2: {  	s1 =	rddreg [dreg:$0x1]  }
0x3: {  	s2 =	rddreg [dreg:$0x2]  }
0x4: {  	s3 =	rddreg [dreg:$0x3];
	s4 =	simm.s32 $0x0  }
0x5: {  	s7 =	stileid.u32;
	s5 =	srdreg.scid;
	s13 =	simm.s32 $0xEF10  }
0x6: {  	s14 =	simm.s32 $0x3;
	s15 =	simm.s32 $0xB;
	s16 =	simm.s32 $0x7710  }
0x7: {  	s17 =	simm.s32 $0x1;
	s18 =	simm.s32 $0x2;
	s19 =	simm.s32 $0x7D  }
0x8: {  	s20 =	simm.s32 $0x5000;
	s22 =	simm.s32 $0x57D0;
	s24 =	simm.s32 $0x5FA0  }
0x9: {  	s29 =	simm.s32 $0x6F40;
	s30 =	simm.s32 $0x6;
	s31 =	simm.s32 $0x7  }
0xa: {  	s12 =	simm.s32 $0x5;
	s21 =	simm.s32 $0x9;
	s23 =	simm.s32 $0xA  }
0xb: {  	s28 =	simm.s32 $0x0;
	s6 =	smul.u32 $0x2800, s7;
	s5 =	sand.u32 $0x1, s5  }
0xc: {  	s7 =	sshll.u32 s7, $0x1;
	[smem:$0x7FF] =	sst s4;
	s8 =	smul.u32 $0x28000, s5  }
0xd: {  	s7 =	sor.u32 s5, s7;
	_ =	strace $0x8000004A;
	s5 =	ssub.s32 $0x2, s5  }
0xe: {  	s9 =	sshrl.u32 s6, $0x3;
	s7 =	smul.u32 $0x2800, s7;
	s10 =	sshrl.u32 s5, $0x1  }
0xf: {  	s9 =	sadd.s32 s9, s1;
	s8 =	sadd.s32 s6, s8;
	s11 =	ssub.s32 s5, s10  }
0x10: {  	s8 =	sshrl.u32 s8, $0x3;
	s7 =	sshrl.u32 s7, $0x3;
	s26 =	sadd.s32 $0x2C00, s9  }
0x11: {  	s9 =	sadd.s32 s6, s3;
	s11 =	smax.u32 s11, $0x1;
	s1 =	sadd.s32 s8, s1  }
0x12: {  	s5 =	sadd.s32 s0, s7;
	[dreg:$0x6] =	wrdreg s26;
	s8 =	sadd.s32 s6, s2  }
0x13: {  	s26 =	simm.s32 $0x6770;
	s0 =	sadd.s32 $0xA000, s5;
	s10 =	sadd.s32 $0x7C00, s1  }
0x14: {  	v0 =	vimm.f32 $0.0e+00;
	s1 =	simm.s32 $0x8;
	[dreg:$0x5] =	wrdreg s0;
	s0 =	simm.s32 $0x4  }
.LBB2_1:
0x15: {  	[tilespmem:s4], [sflag:$0x1] =	stream.linear.gather [hbm4b:s5+s4], $0x2800, $0x38;
	[tilespmem:$0x11710] =	vst v63  }
0x16: {  	s6 =	rddreg [dreg:$0x5];
	s7 =	simm.s32 $0x2800  }
0x17: {  	[tilespmem:s7], [sflag:$0x2] =	stream.linear.gather [hbm4b:s6+s4], $0x2800, $0x38;
	[tilespmem:$0x11710] =	vst v63  }
0x18: {  	s25 =	rddreg [dreg:$0x6]  }
0x19: {  	[tilespmem:s13], [sflag:$0x3] =	stream.linear.gather [hbm4b:s25+s4], $0x2800, $0x38;
	[tilespmem:$0x11710] =	vst v63  }
0x1a: {  	s6 =	simm.s32 $0x40;
	s25 =	simm.s32 $0x0  }
.LBB2_2:
0x1b: {  	p0 =	sne.s32 s6, $0x9FC0;
	[tilespmem:s25+$0x7710] =	vst v0;
	s25 =	smov.u32 s6;
	s6 =	sadd.s32 $0x40, s6  }
.Ltmp0:
0x1c: {  	(pc) =	sbr.rel @p0 .LBB2_2-.Ltmp0, $2  }
0x1d: {  	_ =	sdelay $0x2  }
0x1e: {  	s25 =	sshra.s32 s25, $0x2  }
0x1f: {  	[tilespmem:s25+$0x7710] =	vst v0  }
0x20: {  	_ =	swait.ge [sflag:s14], $0x2800  }
0x21: {  	[sflag:s14] =	ssyncset.done $0x0  }
0x22: {  	[sflag:s14] =	ssyncadd.s32 $0xFFFFD800  }
0x23: {  	[spmem:s8] =	stream.linear.scatter [tilespmem:s13], [sflag:$0xB], $0x2800, $0x38;
	[tilespmem:$0x11710] =	vst v63  }
0x24: {  	_ =	swait.ge [sflag:s15], $0x2800  }
0x25: {  	[sflag:s15] =	ssyncset.done $0x0  }
0x26: {  	[sflag:s15] =	ssyncadd.s32 $0xFFFFD800  }
0x27: {  	[spmem:s9] =	stream.linear.scatter [tilespmem:s16], [sflag:$0xB], $0x2800, $0x38;
	[tilespmem:$0x11710] =	vst v63  }
0x28: {  	_ =	swait.ge [sflag:s15], $0x2800  }
0x29: {  	[sflag:s15] =	ssyncset.done $0x0  }
0x2a: {  	[sflag:s15] =	ssyncadd.s32 $0xFFFFD800  }
0x2b: {  	_ =	swait.ge [sflag:s17], $0x2800  }
0x2c: {  	[sflag:s17] =	ssyncset.done $0x0  }
0x2d: {  	[sflag:s17] =	ssyncadd.s32 $0xFFFFD800  }
0x2e: {  	_ =	swait.ge [sflag:s18], $0x2800  }
0x2f: {  	[sflag:s18] =	ssyncset.done $0x0  }
0x30: {  	[sflag:s18] =	ssyncadd.s32 $0xFFFFD800  }
0x31: {  	s6 =	simm.s32 $0x0;
	[bflag:$0x0] =	sbarrier.arrive $0xFFFF  }
0x32: {  	[tilespmem:s20], [sflag:$0x1] =	stream.indirect.gather [spmem:s2], $0x10, s6, s19, $0xb8;
	[tilespmem:$0x11710] =	vst v63  }
0x33: {  	s25 =	simm.s32 $0x80  }
0x34: {  	[tilespmem:s22], [sflag:$0x2] =	stream.indirect.gather [spmem:s2], $0x10, s25, s19, $0xb8;
	[tilespmem:$0x11710] =	vst v63  }
0x35: {  	s7 =	simm.s32 $0x100  }
0x36: {  	[tilespmem:s24], [sflag:$0x3] =	stream.indirect.gather [spmem:s2], $0x10, s7, s19, $0xb8;
	[tilespmem:$0x11710] =	vst v63  }
0x37: {  	s25 =	simm.s32 $0x180  }
0x38: {  	[tilespmem:s26], [sflag:$0x4] =	stream.indirect.gather [spmem:s2], $0x10, s25, s19, $0xb8;
	[tilespmem:$0x11710] =	vst v63  }
0x39: {  	s7 =	simm.s32 $0x200  }
0x3a: {  	[tilespmem:s29], [sflag:$0x5] =	stream.indirect.gather [spmem:s2], $0x10, s7, s19, $0xb8;
	[tilespmem:$0x11710] =	vst v63  }
0x3b: {  	_ =	swait.ge [sflag:s17], $0x7D0  }
0x3c: {  	[sflag:s17] =	ssyncset.done $0x0  }
0x3d: {  	s25 =	simm.s32 $0x2800;
	[sflag:s17] =	ssyncadd.s32 $0xFFFFF830  }
0x3e: {  	[spmem:s3] =	stream.indirect.scatter.add.f32 [tilespmem:s20], [sflag:$0x6], $0x10, s25, s19, $0xb8;
	[tilespmem:$0x11710] =	vst v63  }
0x3f: {  	_ =	swait.ge [sflag:s18], $0x7D0  }
0x40: {  	[sflag:s18] =	ssyncset.done $0x0  }
0x41: {  	s7 =	simm.s32 $0x2880;
	[sflag:s18] =	ssyncadd.s32 $0xFFFFF830  }
0x42: {  	[spmem:s3] =	stream.indirect.scatter.add.f32 [tilespmem:s22], [sflag:$0x7], $0x10, s7, s19, $0xb8;
	[tilespmem:$0x11710] =	vst v63  }
0x43: {  	_ =	swait.ge [sflag:s30], $0x7D0  }
0x44: {  	[sflag:s30] =	ssyncset.done $0x0  }
0x45: {  	s25 =	simm.s32 $0x280;
	[sflag:s30] =	ssyncadd.s32 $0xFFFFF830  }
0x46: {  	[tilespmem:s20], [sflag:$0x1] =	stream.indirect.gather [spmem:s2], $0x10, s25, s19, $0xb8;
	[tilespmem:$0x11710] =	vst v63  }
0x47: {  	_ =	swait.ge [sflag:s14], $0x7D0  }
0x48: {  	[sflag:s14] =	ssyncset.done $0x0  }
0x49: {  	s7 =	simm.s32 $0x2900;
	[sflag:s14] =	ssyncadd.s32 $0xFFFFF830  }
0x4a: {  	[spmem:s3] =	stream.indirect.scatter.add.f32 [tilespmem:s24], [sflag:$0x8], $0x10, s7, s19, $0xb8;
	[tilespmem:$0x11710] =	vst v63  }
0x4b: {  	_ =	swait.ge [sflag:s31], $0x7D0  }
0x4c: {  	[sflag:s31] =	ssyncset.done $0x0  }
0x4d: {  	s25 =	simm.s32 $0x300;
	[sflag:s31] =	ssyncadd.s32 $0xFFFFF830  }
0x4e: {  	[tilespmem:s22], [sflag:$0x2] =	stream.indirect.gather [spmem:s2], $0x10, s25, s19, $0xb8;
	[tilespmem:$0x11710] =	vst v63  }
0x4f: {  	_ =	swait.ge [sflag:s0], $0x7D0  }
0x50: {  	[sflag:s0] =	ssyncset.done $0x0  }
0x51: {  	s7 =	simm.s32 $0x2980;
	[sflag:s0] =	ssyncadd.s32 $0xFFFFF830  }
0x52: {  	[spmem:s3] =	stream.indirect.scatter.add.f32 [tilespmem:s26], [sflag:$0x9], $0x10, s7, s19, $0xb8;
	[tilespmem:$0x11710] =	vst v63  }
0x53: {  	_ =	swait.ge [sflag:s1], $0x7D0  }
0x54: {  	[sflag:s1] =	ssyncset.done $0x0  }
0x55: {  	s25 =	simm.s32 $0x380;
	[sflag:s1] =	ssyncadd.s32 $0xFFFFF830  }
0x56: {  	[tilespmem:s24], [sflag:$0x3] =	stream.indirect.gather [spmem:s2], $0x10, s25, s19, $0xb8;
	[tilespmem:$0x11710] =	vst v63  }
0x57: {  	_ =	swait.ge [sflag:s12], $0x7D0  }
0x58: {  	[sflag:s12] =	ssyncset.done $0x0  }
0x59: {  	s7 =	simm.s32 $0x2A00;
	[sflag:s12] =	ssyncadd.s32 $0xFFFFF830  }
0x5a: {  	[spmem:s3] =	stream.indirect.scatter.add.f32 [tilespmem:s29], [sflag:$0xA], $0x10, s7, s19, $0xb8;
	[tilespmem:$0x11710] =	vst v63  }
0x5b: {  	_ =	swait.ge [sflag:s21], $0x7D0  }
0x5c: {  	[sflag:s21] =	ssyncset.done $0x0  }
0x5d: {  	s25 =	simm.s32 $0x400;
	[sflag:s21] =	ssyncadd.s32 $0xFFFFF830  }
0x5e: {  	[tilespmem:s26], [sflag:$0x4] =	stream.indirect.gather [spmem:s2], $0x10, s25, s19, $0xb8;
	[tilespmem:$0x11710] =	vst v63  }
0x5f: {  	_ =	swait.ge [sflag:s23], $0x7D0  }
0x60: {  	[sflag:s23] =	ssyncset.done $0x0  }
0x61: {  	s6 =	simm.s32 $0x480;
	s25 =	simm.s32 $0xA00;
	[sflag:s23] =	ssyncadd.s32 $0xFFFFF830  }
.LBB2_4:
0x62: {  	[tilespmem:s29], [sflag:$0x5] =	stream.indirect.gather [spmem:s2], $0x10, s6, s19, $0xb8;
	[tilespmem:$0x11710] =	vst v63  }
0x63: {  	s6 =	smov.u32 s25  }
0x64: {  	p0 =	sne.s32 s25, $0x8C00;
	s25 =	sadd.s32 $0xA00, s25;
	_ =	swait.ge [sflag:s17], $0x7D0  }
0x65: {  	s6 =	sshra.s32 s6, $0x2;
	[sflag:s17] =	ssyncset.done $0x0  }
0x66: {  	s7 =	sadd.s32 $0x2800, s6;
	[sflag:s17] =	ssyncadd.s32 $0xFFFFF830  }
0x67: {  	[spmem:s3] =	stream.indirect.scatter.add.f32 [tilespmem:s20], [sflag:$0x6], $0x10, s7, s19, $0xb8;
	[tilespmem:$0x11710] =	vst v63  }
0x68: {  	_ =	swait.ge [sflag:s18], $0x7D0  }
0x69: {  	[sflag:s18] =	ssyncset.done $0x0  }
0x6a: {  	s7 =	sadd.s32 $0x2880, s6;
	[sflag:s18] =	ssyncadd.s32 $0xFFFFF830  }
0x6b: {  	[spmem:s3] =	stream.indirect.scatter.add.f32 [tilespmem:s22], [sflag:$0x7], $0x10, s7, s19, $0xb8;
	[tilespmem:$0x11710] =	vst v63  }
0x6c: {  	_ =	swait.ge [sflag:s30], $0x7D0  }
0x6d: {  	[sflag:s30] =	ssyncset.done $0x0  }
0x6e: {  	s7 =	sadd.s32 $0x280, s6;
	[sflag:s30] =	ssyncadd.s32 $0xFFFFF830  }
0x6f: {  	[tilespmem:s20], [sflag:$0x1] =	stream.indirect.gather [spmem:s2], $0x10, s7, s19, $0xb8;
	[tilespmem:$0x11710] =	vst v63  }
0x70: {  	_ =	swait.ge [sflag:s14], $0x7D0  }
0x71: {  	[sflag:s14] =	ssyncset.done $0x0  }
0x72: {  	s7 =	sadd.s32 $0x2900, s6;
	[sflag:s14] =	ssyncadd.s32 $0xFFFFF830  }
0x73: {  	[spmem:s3] =	stream.indirect.scatter.add.f32 [tilespmem:s24], [sflag:$0x8], $0x10, s7, s19, $0xb8;
	[tilespmem:$0x11710] =	vst v63  }
0x74: {  	_ =	swait.ge [sflag:s31], $0x7D0  }
0x75: {  	[sflag:s31] =	ssyncset.done $0x0  }
0x76: {  	s7 =	sadd.s32 $0x300, s6;
	[sflag:s31] =	ssyncadd.s32 $0xFFFFF830  }
0x77: {  	[tilespmem:s22], [sflag:$0x2] =	stream.indirect.gather [spmem:s2], $0x10, s7, s19, $0xb8;
	[tilespmem:$0x11710] =	vst v63  }
0x78: {  	_ =	swait.ge [sflag:s0], $0x7D0  }
0x79: {  	[sflag:s0] =	ssyncset.done $0x0  }
0x7a: {  	s7 =	sadd.s32 $0x2980, s6;
	[sflag:s0] =	ssyncadd.s32 $0xFFFFF830  }
0x7b: {  	[spmem:s3] =	stream.indirect.scatter.add.f32 [tilespmem:s26], [sflag:$0x9], $0x10, s7, s19, $0xb8;
	[tilespmem:$0x11710] =	vst v63  }
0x7c: {  	_ =	swait.ge [sflag:s1], $0x7D0  }
0x7d: {  	[sflag:s1] =	ssyncset.done $0x0  }
0x7e: {  	s7 =	sadd.s32 $0x380, s6;
	[sflag:s1] =	ssyncadd.s32 $0xFFFFF830  }
0x7f: {  	[tilespmem:s24], [sflag:$0x3] =	stream.indirect.gather [spmem:s2], $0x10, s7, s19, $0xb8;
	[tilespmem:$0x11710] =	vst v63  }
0x80: {  	_ =	swait.ge [sflag:s12], $0x7D0  }
0x81: {  	[sflag:s12] =	ssyncset.done $0x0  }
0x82: {  	s7 =	sadd.s32 $0x2A00, s6;
	[sflag:s12] =	ssyncadd.s32 $0xFFFFF830  }
0x83: {  	[spmem:s3] =	stream.indirect.scatter.add.f32 [tilespmem:s29], [sflag:$0xA], $0x10, s7, s19, $0xb8;
	[tilespmem:$0x11710] =	vst v63  }
0x84: {  	_ =	swait.ge [sflag:s21], $0x7D0  }
0x85: {  	[sflag:s21] =	ssyncset.done $0x0  }
.Ltmp1:
0x86: {  	s7 =	sadd.s32 $0x400, s6;
	[sflag:s21] =	ssyncadd.s32 $0xFFFFF830;
	(pc) =	sbr.rel @p0 .LBB2_4-.Ltmp1, $4  }
0x87: {  	[tilespmem:s26], [sflag:$0x4] =	stream.indirect.gather [spmem:s2], $0x10, s7, s19, $0xb8;
	[tilespmem:$0x11710] =	vst v63  }
0x88: {  	_ =	swait.ge [sflag:s23], $0x7D0  }
0x89: {  	[sflag:s23] =	ssyncset.done $0x0  }
0x8a: {  	s6 =	sadd.s32 $0x480, s6;
	[sflag:s23] =	ssyncadd.s32 $0xFFFFF830  }
0x8b: {  	[tilespmem:s29], [sflag:$0x5] =	stream.indirect.gather [spmem:s2], $0x10, s6, s19, $0xb8;
	[tilespmem:$0x11710] =	vst v63  }
0x8c: {  	_ =	swait.ge [sflag:s17], $0x7D0  }
0x8d: {  	[sflag:s17] =	ssyncset.done $0x0  }
0x8e: {  	s25 =	simm.s32 $0x4D80;
	[sflag:s17] =	ssyncadd.s32 $0xFFFFF830  }
0x8f: {  	[spmem:s3] =	stream.indirect.scatter.add.f32 [tilespmem:s20], [sflag:$0x6], $0x10, s25, s19, $0xb8;
	[tilespmem:$0x11710] =	vst v63  }
0x90: {  	_ =	swait.ge [sflag:s18], $0x7D0  }
0x91: {  	[sflag:s18] =	ssyncset.done $0x0  }
0x92: {  	s7 =	simm.s32 $0x4E00;
	[sflag:s18] =	ssyncadd.s32 $0xFFFFF830  }
0x93: {  	[spmem:s3] =	stream.indirect.scatter.add.f32 [tilespmem:s22], [sflag:$0x7], $0x10, s7, s19, $0xb8;
	[tilespmem:$0x11710] =	vst v63  }
0x94: {  	_ =	swait.ge [sflag:s30], $0x7D0  }
0x95: {  	[sflag:s30] =	ssyncset.done $0x0  }
0x96: {  	[sflag:s30] =	ssyncadd.s32 $0xFFFFF830  }
0x97: {  	_ =	swait.ge [sflag:s14], $0x7D0  }
0x98: {  	[sflag:s14] =	ssyncset.done $0x0  }
0x99: {  	s25 =	simm.s32 $0x4E80;
	[sflag:s14] =	ssyncadd.s32 $0xFFFFF830  }
0x9a: {  	[spmem:s3] =	stream.indirect.scatter.add.f32 [tilespmem:s24], [sflag:$0x8], $0x10, s25, s19, $0xb8;
	[tilespmem:$0x11710] =	vst v63  }
0x9b: {  	_ =	swait.ge [sflag:s31], $0x7D0  }
0x9c: {  	[sflag:s31] =	ssyncset.done $0x0  }
0x9d: {  	[sflag:s31] =	ssyncadd.s32 $0xFFFFF830  }
0x9e: {  	_ =	swait.ge [sflag:s0], $0x7D0  }
0x9f: {  	[sflag:s0] =	ssyncset.done $0x0  }
0xa0: {  	s7 =	simm.s32 $0x4F00;
	[sflag:s0] =	ssyncadd.s32 $0xFFFFF830  }
0xa1: {  	[spmem:s3] =	stream.indirect.scatter.add.f32 [tilespmem:s26], [sflag:$0x9], $0x10, s7, s19, $0xb8;
	[tilespmem:$0x11710] =	vst v63  }
0xa2: {  	_ =	swait.ge [sflag:s1], $0x7D0  }
0xa3: {  	[sflag:s1] =	ssyncset.done $0x0  }
0xa4: {  	[sflag:s1] =	ssyncadd.s32 $0xFFFFF830  }
0xa5: {  	_ =	swait.ge [sflag:s12], $0x7D0  }
0xa6: {  	[sflag:s12] =	ssyncset.done $0x0  }
0xa7: {  	s25 =	simm.s32 $0x4F80;
	[sflag:s12] =	ssyncadd.s32 $0xFFFFF830  }
0xa8: {  	[spmem:s3] =	stream.indirect.scatter.add.f32 [tilespmem:s29], [sflag:$0xA], $0x10, s25, s19, $0xb8;
	[tilespmem:$0x11710] =	vst v63  }
0xa9: {  	_ =	swait.ge [sflag:s21], $0x7D0  }
0xaa: {  	[sflag:s21] =	ssyncset.done $0x0  }
0xab: {  	[sflag:s21] =	ssyncadd.s32 $0xFFFFF830  }
0xac: {  	_ =	swait.ge [sflag:s23], $0x7D0  }
0xad: {  	[sflag:s23] =	ssyncset.done $0x0  }
0xae: {  	[sflag:s23] =	ssyncadd.s32 $0xFFFFF830  }
0xaf: {  	[bflag:$0x0] =	sbarrier.arrive $0xFFFF  }
0xb0: {  	[tilespmem:s16], [sflag:$0xB] =	stream.linear.gather [spmem:s9], $0x2800, $0x38;
	[tilespmem:$0x11710] =	vst v63  }
0xb1: {  	s28 =	sadd.s32 $0x1, s28;
	_ =	swait.ge [sflag:s15], $0x2800  }
0xb2: {  	p0 =	sne.s32 s28, s11;
	[sflag:s15] =	ssyncset.done $0x0  }
.Ltmp2:
0xb3: {  	[sflag:s15] =	ssyncadd.s32 $0xFFFFD800;
	(pc) =	sbr.rel @p0 .LBB2_1-.Ltmp2, $4  }
0xb4: {  	[hbm4b:s10+s4] =	stream.linear.scatter [tilespmem:s16], [sflag:$0xB], $0x2800, $0x38;
	[tilespmem:$0x11710] =	vst v63  }
0xb5: {  	_ =	swait.ge [sflag:s15], $0x2800  }
0xb6: {  	[sflag:s15] =	ssyncset.done $0x0  }
0xb7: {  	[sflag:s15] =	ssyncadd.s32 $0xFFFFD800  }
0xb8: {  	_ =	sfence.sel $0x180000  }
0xb9: {  	[bflag:$0x0] =	sbarrier.arrive $0xFFFF  }
0xba: {  	_ =	strace $0x9000004A  }
0xbb: {  	s0 =	stileid.u32;
	[bflag:$0x2] =	sbarrier.arrive $0xFFFF  }
0xbc: {  	p0 =	sne.s32 s0, $0x0;
	s0 =	rddreg [dreg:$0x4]  }
0xbd: {  	s0 =	sadd.s32 @!p0 $0x100000, s0  }
0xbe: {  	[sflag:s0] =	ssyncadd.tile.s32 @!p0 $0x1;
	_ =	shalt  }
.Lfunc_end2:
_tile_overlayer_lowered:
.L_overlay_start_2:
0xbf: {  	(tag) =	ssettag $0x2  }
0xc0: {  	s0 =	rddreg [dreg:$0x0];
	s2 =	stileid.u32  }
0xc1: {  	s1 =	rddreg [dreg:$0x1];
	p0 =	sne.s32 s2, $0x0  }
0xc2: {  	s3 =	rddreg [dreg:$0x2];
	[bflag:$0x3] =	sbarrier.arrive $0xFFFF;
	s2 =	simm.s32 @!p0 $0x1C0B  }
0xc3: {  	[timem:s3], [sflag:s2] =	dma.local @!p0 [hbm:s0], s1  }
0xc4: {  	s0 =	simm.s32 @!p0 $0xB  }
0xc5: {  	_ =	swait.ge @!p0 [sflag:s0], s1  }
0xc6: {  	s1 =	ssub.s32 @!p0 $0x0, s1;
	[sflag:s0] =	ssyncset.done @!p0 $0x0  }
0xc7: {  	[sflag:s0] =	ssyncadd.s32 @!p0 s1  }
0xc8: {  	[bflag:$0x3] =	sbarrier.arrive $0xFFFF  }
0xc9: {  	_ =	shalt  }

// kernel: kernel.14.cloned.1.call-start
scs
__scs_entry_jumppad:
0x0: {  	(pc) =	sbr.rel $0x88, $3  }
0x1: {  	(tag) =	ssettag $0x0;
	lr =	simm.s32 $0x1  }
0x2: {  	[smem:$0x3F9B] =	sst lr;
	_ =	strace $0xD0000000  }
0x3: {  	_ = 	snop  }
0x4: {  	_ = 	snop  }
0x5: {  	_ = 	snop  }
0x6: {  	_ = 	snop  }
0x7: {  	_ = 	snop  }
__scs_overlays_trampoline_lowered:
0x8: {  	[smem:$0x3FAA] =	sst s0  }
0x9: {  	[smem:$0x3FAB] =	sst s1  }
0xa: {  	[smem:$0x3FAC] =	sst s2  }
0xb: {  	[smem:$0x3FAD] =	sst s3  }
0xc: {  	[smem:$0x3FAE] =	sst s4  }
0xd: {  	[smem:$0x3FAF] =	sst s5  }
0xe: {  	[smem:$0x3FB0] =	sst s6  }
0xf: {  	[smem:$0x3FB1] =	sst s7  }
0x10: {  	[smem:$0x3FB2] =	sst s8  }
0x11: {  	[smem:$0x3FB3] =	sst s9;
	s0 =	simm.s32 @!p0 $0x0  }
0x12: {  	s1 =	sld [smem:$0x3F99];
	s0 =	simm.s32 @p0 $0x1  }
0x13: {  	[smem:$0x3FB4] =	sst s0;
	s0 =	simm.s32 @!p1 $0x0  }
0x14: {  	s2 =	sld [smem:$0x3F98];
	s0 =	simm.s32 @p1 $0x1  }
0x15: {  	[smem:$0x3FB5] =	sst s0;
	s0 =	simm.s32 @!p2 $0x0  }
0x16: {  	s3 =	sld [smem:$0x3FDB];
	s0 =	simm.s32 @p2 $0x1  }
0x17: {  	s4 =	simm.s32 $0x1BF5;
	[smem:$0x3FB7] =	sst s0  }
0x18: {  	s0 =	sld [smem:$0x3F9A];
	_ =	swait.ge [sflag:s4], $0x0  }
0x19: {  	s7 =	sld [smem:$0x3F9B]  }
0x1a: {  	s8 =	sadd.s32 $0xFFFFE003, lr  }
0x1b: {  	s9 =	sadd.s32 $0xFFFFFEF7, lr;
	s5 =	simm.s32 $0xFFFFFFFF;
	p2 =	slt.u32 s8, $0xFFFFF086  }
0x1c: {  	p1 =	slt.u32 s9, $0xF7A;
	s5 =	simm.s32 @!p2 $0x0  }
0x1d: {  	s5 =	simm.s32 @p1 $0x1;
	p0 =	seq.s32 s7, s2  }
0x1e: {  	s7 =	smul.u32 @!p0 $0xF7A, s2;
	p2 =	seq.s32 @!p0 s5, $0x0  }
0x1f: {  	s9 =	smul.u32 $0xF7A, s1;
	s8 =	simm.s32 @!p0 $0x1BF5;
	p2 =	por !p2, p0  }
0x20: {  	[sflag:s8] =	ssyncset.s32 @!p0 $0xFFFFF086;
	s6 =	sadd.s32 @!p0 s3, s7;
	s7 =	simm.s32 @!p0 $0x108  }
0x21: {  	s3 =	sadd.s32 s3, s9;
	s6 =	sadd.s32 @!p0 $0x88, s6;
	s7 =	simm.s32 @p2 $0x1082  }
0x22: {  	[simem:s7], [sflag:s8] =	dma.local @!p0 [hbm:s6], $0xF7A  }
0x23: {  	s9 =	sor.u32 $0xD0000000, s2;
	s6 =	simm.s32 $0x108;
	_ =	swait.ge @!p0 [sflag:s8], $0x0  }
0x24: {  	s3 =	sadd.s32 $0x88, s3;
	s6 =	simm.s32 @!p1 $0x1082;
	[sflag:s4] =	ssyncset.s32 $0xFFFFF086  }
0x25: {  	[simem:s6], [sflag:s4] =	dma.local [hbm:s3], $0xF7A  }
0x26: {  	[smem:$0x3F9B] =	sst s1;
	(tag) =	ssettag s2;
	_ =	strace s9  }
0x27: {  	s1 =	sld [smem:$0x3FAB]  }
0x28: {  	s2 =	sld [smem:$0x3FAC]  }
0x29: {  	s4 =	sld [smem:$0x3FAE]  }
0x2a: {  	p0 =	seq.s32 s5, $0x0;
	s5 =	sld [smem:$0x3FAF]  }
0x2b: {  	s6 =	sld [smem:$0x3FB0]  }
0x2c: {  	s7 =	sld [smem:$0x3FB1]  }
0x2d: {  	s3 =	simm.s32 $0x108;
	s8 =	sld [smem:$0x3FB2]  }
0x2e: {  	s3 =	simm.s32 @!p0 $0x1082;
	s9 =	sld [smem:$0x3FB3]  }
0x2f: {  	lr =	sadd.s32 s0, s3;
	s0 =	sld [smem:$0x3FAA]  }
0x30: {  	s3 =	sld [smem:$0x3FAD]  }
0x31: {  	[smem:$0x3FB6] =	sst s10  }
0x32: {  	s10 =	sld [smem:$0x3FB4];
	_ =	sdelay $0x3  }
0x33: {  	p0 =	seq.s32 s10, $0x1;
	s10 =	sld [smem:$0x3FB6];
	_ =	sdelay $0x3  }
0x34: {  	[smem:$0x3FB6] =	sst s10  }
0x35: {  	s10 =	sld [smem:$0x3FB5];
	_ =	sdelay $0x3  }
0x36: {  	p1 =	seq.s32 s10, $0x1;
	s10 =	sld [smem:$0x3FB6];
	_ =	sdelay $0x3  }
0x37: {  	[smem:$0x3FB6] =	sst s10  }
0x38: {  	s10 =	sld [smem:$0x3FB7]  }
0x39: {  	_ = 	snop;
	(pc) =	sbr.ind lr, $3  }
0x3a: {  	_ = 	snop  }
0x3b: {  	_ = 	snop  }
0x3c: {  	p2 =	seq.s32 s10, $0x1;
	s10 =	sld [smem:$0x3FB6]  }
0x3d: {  	_ =	shalt  }
0x3e: {  	_ =	shalt  }
0x3f: {  	_ =	shalt  }
0x40: {  	_ =	shalt  }
0x41: {  	_ =	shalt  }
0x42: {  	_ =	shalt  }
0x43: {  	_ =	shalt  }
0x44: {  	_ =	shalt  }
0x45: {  	_ =	shalt  }
0x46: {  	_ =	shalt  }
0x47: {  	_ =	shalt  }
0x48: {  	_ =	shalt  }
0x49: {  	_ =	shalt  }
0x4a: {  	_ =	shalt  }
0x4b: {  	_ =	shalt  }
0x4c: {  	_ =	shalt  }
0x4d: {  	_ =	shalt  }
0x4e: {  	_ =	shalt  }
0x4f: {  	_ =	shalt  }
0x50: {  	_ =	shalt  }
0x51: {  	_ =	shalt  }
0x52: {  	_ =	shalt  }
0x53: {  	_ =	shalt  }
0x54: {  	_ =	shalt  }
0x55: {  	_ =	shalt  }
0x56: {  	_ =	shalt  }
0x57: {  	_ =	shalt  }
0x58: {  	_ =	shalt  }
0x59: {  	_ =	shalt  }
0x5a: {  	_ =	shalt  }
0x5b: {  	_ =	shalt  }
0x5c: {  	_ =	shalt  }
0x5d: {  	_ =	shalt  }
0x5e: {  	_ =	shalt  }
0x5f: {  	_ =	shalt  }
0x60: {  	_ =	shalt  }
0x61: {  	_ =	shalt  }
0x62: {  	_ =	shalt  }
0x63: {  	_ =	shalt  }
0x64: {  	_ =	shalt  }
0x65: {  	_ =	shalt  }
0x66: {  	_ =	shalt  }
0x67: {  	_ =	shalt  }
0x68: {  	_ =	shalt  }
0x69: {  	_ =	shalt  }
0x6a: {  	_ =	shalt  }
0x6b: {  	_ =	shalt  }
0x6c: {  	_ =	shalt  }
0x6d: {  	_ =	shalt  }
0x6e: {  	_ =	shalt  }
0x6f: {  	_ =	shalt  }
0x70: {  	_ =	shalt  }
0x71: {  	_ =	shalt  }
0x72: {  	_ =	shalt  }
0x73: {  	_ =	shalt  }
0x74: {  	_ =	shalt  }
0x75: {  	_ =	shalt  }
0x76: {  	_ =	shalt  }
0x77: {  	_ =	shalt  }
0x78: {  	_ =	shalt  }
0x79: {  	_ =	shalt  }
0x7a: {  	_ =	shalt  }
0x7b: {  	_ =	shalt  }
0x7c: {  	_ =	shalt  }
0x7d: {  	_ =	shalt  }
0x7e: {  	_ =	shalt  }
0x7f: {  	_ =	shalt  }
0x80: {  	_ =	shalt  }
0x81: {  	_ =	shalt  }
0x82: {  	_ =	shalt  }
0x83: {  	_ =	shalt  }
0x84: {  	_ =	shalt  }
0x85: {  	_ =	shalt  }
0x86: {  	_ =	shalt  }
0x87: {  	_ =	shalt  }
.Lfunc_end0:
.L_simem_size_0:
called_computation.2_lowered:
.L_overlay_start_0:
0x88: {  	s2 =	sld [smem:$0x3FD9]  }
0x89: {  	s3 =	sld [smem:$0x3FFE];
	_ =	sdelay $0x1  }
0x8a: {  	s1 =	srdreg.scid  }
0x8b: {  	s0 =	sand.u32 $0x1, s1  }
0x8c: {  	s17 =	sshll.u32 s0, $0xA;
	s2 =	sadd.s32 s3, s2  }
0x8d: {  	s2 =	sadd.s32 s2, s17  }
0x8e: {  	[smem:$0x3FC2] =	sst s2  }
0x8f: {  	_ = 	snop  }
0x90: {  	s2 =	sld [smem:$0x3FD0];
	(tm) =	ssettm $0x1  }
0x91: {  	s18 =	sld [smem:$0x3FFB];
	_ =	sdelay $0x3  }
0x92: {  	_ =	strace s18  }
0x93: {  	s3 =	sld [smem:$0x3FFC];
	_ =	sdelay $0x3  }
0x94: {  	_ =	strace s3  }
0x95: {  	s3 =	sld [smem:$0x3FFD];
	_ =	sdelay $0x3  }
0x96: {  	_ =	strace s3  }
0x97: {  	_ =	strace $0x8FFFFFFF  }
0x98: {  	s19 =	sld [smem:$0x3FDB];
	_ =	sdelay $0x1  }
0x99: {  	s4 =	simm.s32 $_scs_section_size  }
0x9a: {  	s5 =	simm.s32 $_size__tile_overlayer_lowered;
	s6 =	simm.s32 $_tile_overlayer_lowered  }
0x9b: {  	s22 =	simm.s32 $0x1BFF;
	s21 =	sshll.u32 s6, $0x1;
	s3 =	sadd.s32 s4, s19  }
0x9c: {  	s7 =	simm.s32 $0x0;
	s20 =	sshll.u32 s5, $0x1;
	s5 =	sadd.s32 s21, s3  }
0x9d: {  	[timem:s7], [sflag:s22] =	dma.local [hbm:s5], s20  }
0x9e: {  	_ =	swait.ge [sflag:s22], s20  }
0x9f: {  	s4 =	ssub.s32 $0x0, s20;
	[sflag:s22] =	ssyncset.done $0x0  }
0xa0: {  	[sflag:s22] =	ssyncadd.s32 s4;
	_ =	sdelay $0x1  }
0xa1: {  	s23 =	simm.s32 $0x1B8B  }
0xa2: {  	_ =	swait.ge [sflag:s23], $0x1  }
0xa3: {  	[sflag:s23] =	ssyncset.done $0x0  }
0xa4: {  	s25 =	simm.s32 $0x1B8E;
	s24 =	sld [smem:$0x3FFE];
	[sflag:s23] =	ssyncadd.s32 $0xFFFFFFFF  }
0xa5: {  	s26 =	simm.s32 $execute0_lowered;
	[smem:$0x3FD2] =	sst s25  }
0xa6: {  	s5 =	sshll.u32 s26, $0x1;
	_ =	strace $0x8000004C;
	[dreg:$0x1] =	wrdreg $0xFFFFFFFF  }
0xa7: {  	s28 =	simm.s32 $_size_execute0_lowered;
	s3 =	sadd.s32 s3, s5;
	[dreg:$0x0] =	wrdreg $0x0  }
0xa8: {  	s5 =	sshll.u32 s28, $0x1;
	[dreg:$0x2] =	wrdreg s3  }
0xa9: {  	[dreg:$0x3] =	wrdreg s5  }
0xaa: {  	[dreg:$0x4] =	wrdreg $0xC0  }
0xab: {  	_ =	task [dreg:s7], $0x5FFFF  }
0xac: {  	[dreg:$0x1] =	wrdreg $0xFFFFFFFF  }
0xad: {  	[dreg:$0x0] =	wrdreg $0x60  }
0xae: {  	[dreg:$0x2] =	wrdreg s2  }
0xaf: {  	[dreg:$0x3] =	wrdreg s24  }
0xb0: {  	[dreg:$0x4] =	wrdreg $0xC7100  }
0xb1: {  	[dreg:$0x5] =	wrdreg $0x9F100  }
0xb2: {  	[dreg:$0x6] =	wrdreg $0x9  }
0xb3: {  	_ =	task.clear_ibuf [dreg:s7], $0x7FFFF;
	_ =	strace $0x9000004C  }
0xb4: {  	s29 =	simm.s32 $0x9;
	_ =	strace $0x8000004E  }
0xb5: {  	_ =	swait.ge [sflag:s29], $0x1  }
0xb6: {  	[sflag:s29] =	ssyncadd.s32 $0xFFFFFFFF  }
0xb7: {  	_ =	strace $0x9000004E  }
0xb8: {  	_ =	sfence  }
0xb9: {  	s30 =	sld [smem:$0x0];
	_ =	sdelay $0x2  }
0xba: {  	s31 =	sshll.u32 s1, $0xD;
	s1 =	sshrl.u32 s1, $0x2  }
0xbb: {  	s3 =	sand.u32 $0x4000, s31;
	s1 =	sadd.s32 s1, s30  }
0xbc: {  	s0 =	sor.u32 s3, s0;
	s1 =	sshll.u32 s1, $0x11  }
0xbd: {  	s0 =	sor.u32 s1, s0  }
0xbe: {  	s0 =	sadd.s32 $0x8F2B, s0  }
0xbf: {  	[sflag:s0] =	ssyncadd.remote.s32 $0x1  }
0xc0: {  	_ =	sfence.sel $0xFFFF  }
0xc1: {  	[dreg:$0x0] =	wrdreg $0xFFFFFFFF;
	(pc) =	sbr.abs _section_cstart, $3  }
0xc2: {  	[dreg:$0x1] =	wrdreg $0xFFFFFFFF  }
0xc3: {  	_ =	task.clear_ibuf [dreg:s7], $0x2FFFF;
	_ =	strace $0x9FFFFFFF  }
0xc4: {  	(tm) =	ssettm $0x7FFFFFFF  }
0xc5: {  	_ =	shalt  }
tec
execute0_lowered:
.L_overlay_start_1:
0x0: {  	(tag) =	ssettag $0x1  }
0x1: {  	s0 =	rddreg [dreg:$0x0]  }
0x2: {  	s1 =	rddreg [dreg:$0x1]  }
0x3: {  	s2 =	rddreg [dreg:$0x2]  }
0x4: {  	s3 =	rddreg [dreg:$0x3];
	s4 =	simm.s32 $0x0  }
0x5: {  	s7 =	stileid.u32;
	s5 =	srdreg.scid;
	s13 =	simm.s32 $0xEF10  }
0x6: {  	s14 =	simm.s32 $0x3;
	s15 =	simm.s32 $0xB;
	s16 =	simm.s32 $0x7710  }
0x7: {  	s17 =	simm.s32 $0x1;
	s18 =	simm.s32 $0x2;
	s19 =	simm.s32 $0x7D  }
0x8: {  	s20 =	simm.s32 $0x5000;
	s22 =	simm.s32 $0x57D0;
	s24 =	simm.s32 $0x5FA0  }
0x9: {  	s29 =	simm.s32 $0x6F40;
	s30 =	simm.s32 $0x6;
	s31 =	simm.s32 $0x7  }
0xa: {  	s12 =	simm.s32 $0x5;
	s21 =	simm.s32 $0x9;
	s23 =	simm.s32 $0xA  }
0xb: {  	s28 =	simm.s32 $0x0;
	s6 =	smul.u32 $0x2800, s7;
	s5 =	sand.u32 $0x1, s5  }
0xc: {  	s7 =	sshll.u32 s7, $0x1;
	[smem:$0x7FF] =	sst s4;
	s8 =	smul.u32 $0x28000, s5  }
0xd: {  	s7 =	sor.u32 s5, s7;
	_ =	strace $0x8000004D;
	s5 =	ssub.s32 $0x2, s5  }
0xe: {  	s9 =	sshrl.u32 s6, $0x3;
	s7 =	smul.u32 $0x2800, s7;
	s10 =	sshrl.u32 s5, $0x1  }
0xf: {  	s9 =	sadd.s32 s9, s1;
	s8 =	sadd.s32 s6, s8;
	s11 =	ssub.s32 s5, s10  }
0x10: {  	s8 =	sshrl.u32 s8, $0x3;
	s7 =	sshrl.u32 s7, $0x3;
	s26 =	sadd.s32 $0x2C00, s9  }
0x11: {  	s9 =	sadd.s32 s6, s3;
	s11 =	smax.u32 s11, $0x1;
	s1 =	sadd.s32 s8, s1  }
0x12: {  	s5 =	sadd.s32 s0, s7;
	[dreg:$0x6] =	wrdreg s26;
	s8 =	sadd.s32 s6, s2  }
0x13: {  	s26 =	simm.s32 $0x6770;
	s0 =	sadd.s32 $0xA000, s5;
	s10 =	sadd.s32 $0x7C00, s1  }
0x14: {  	v0 =	vimm.f32 $0.0e+00;
	s1 =	simm.s32 $0x8;
	[dreg:$0x5] =	wrdreg s0;
	s0 =	simm.s32 $0x4  }
.LBB2_1:
0x15: {  	[tilespmem:s4], [sflag:$0x1] =	stream.linear.gather [hbm4b:s5+s4], $0x2800, $0x38;
	[tilespmem:$0x11710] =	vst v63  }
0x16: {  	s6 =	rddreg [dreg:$0x5];
	s7 =	simm.s32 $0x2800  }
0x17: {  	[tilespmem:s7], [sflag:$0x2] =	stream.linear.gather [hbm4b:s6+s4], $0x2800, $0x38;
	[tilespmem:$0x11710] =	vst v63  }
0x18: {  	s25 =	rddreg [dreg:$0x6]  }
0x19: {  	[tilespmem:s13], [sflag:$0x3] =	stream.linear.gather [hbm4b:s25+s4], $0x2800, $0x38;
	[tilespmem:$0x11710] =	vst v63  }
0x1a: {  	s6 =	simm.s32 $0x40;
	s25 =	simm.s32 $0x0  }
.LBB2_2:
0x1b: {  	p0 =	sne.s32 s6, $0x9FC0;
	[tilespmem:s25+$0x7710] =	vst v0;
	s25 =	smov.u32 s6;
	s6 =	sadd.s32 $0x40, s6  }
.Ltmp0:
0x1c: {  	(pc) =	sbr.rel @p0 .LBB2_2-.Ltmp0, $2  }
0x1d: {  	_ =	sdelay $0x2  }
0x1e: {  	s25 =	sshra.s32 s25, $0x2  }
0x1f: {  	[tilespmem:s25+$0x7710] =	vst v0  }
0x20: {  	_ =	swait.ge [sflag:s14], $0x2800  }
0x21: {  	[sflag:s14] =	ssyncset.done $0x0  }
0x22: {  	[sflag:s14] =	ssyncadd.s32 $0xFFFFD800  }
0x23: {  	[spmem:s8] =	stream.linear.scatter [tilespmem:s13], [sflag:$0xB], $0x2800, $0x38;
	[tilespmem:$0x11710] =	vst v63  }
0x24: {  	_ =	swait.ge [sflag:s15], $0x2800  }
0x25: {  	[sflag:s15] =	ssyncset.done $0x0  }
0x26: {  	[sflag:s15] =	ssyncadd.s32 $0xFFFFD800  }
0x27: {  	[spmem:s9] =	stream.linear.scatter [tilespmem:s16], [sflag:$0xB], $0x2800, $0x38;
	[tilespmem:$0x11710] =	vst v63  }
0x28: {  	_ =	swait.ge [sflag:s15], $0x2800  }
0x29: {  	[sflag:s15] =	ssyncset.done $0x0  }
0x2a: {  	[sflag:s15] =	ssyncadd.s32 $0xFFFFD800  }
0x2b: {  	_ =	swait.ge [sflag:s17], $0x2800  }
0x2c: {  	[sflag:s17] =	ssyncset.done $0x0  }
0x2d: {  	[sflag:s17] =	ssyncadd.s32 $0xFFFFD800  }
0x2e: {  	_ =	swait.ge [sflag:s18], $0x2800  }
0x2f: {  	[sflag:s18] =	ssyncset.done $0x0  }
0x30: {  	[sflag:s18] =	ssyncadd.s32 $0xFFFFD800  }
0x31: {  	s6 =	simm.s32 $0x0;
	[bflag:$0x0] =	sbarrier.arrive $0xFFFF  }
0x32: {  	[tilespmem:s20], [sflag:$0x1] =	stream.indirect.gather [spmem:s2], $0x10, s6, s19, $0xb8;
	[tilespmem:$0x11710] =	vst v63  }
0x33: {  	s25 =	simm.s32 $0x80  }
0x34: {  	[tilespmem:s22], [sflag:$0x2] =	stream.indirect.gather [spmem:s2], $0x10, s25, s19, $0xb8;
	[tilespmem:$0x11710] =	vst v63  }
0x35: {  	s7 =	simm.s32 $0x100  }
0x36: {  	[tilespmem:s24], [sflag:$0x3] =	stream.indirect.gather [spmem:s2], $0x10, s7, s19, $0xb8;
	[tilespmem:$0x11710] =	vst v63  }
0x37: {  	s25 =	simm.s32 $0x180  }
0x38: {  	[tilespmem:s26], [sflag:$0x4] =	stream.indirect.gather [spmem:s2], $0x10, s25, s19, $0xb8;
	[tilespmem:$0x11710] =	vst v63  }
0x39: {  	s7 =	simm.s32 $0x200  }
0x3a: {  	[tilespmem:s29], [sflag:$0x5] =	stream.indirect.gather [spmem:s2], $0x10, s7, s19, $0xb8;
	[tilespmem:$0x11710] =	vst v63  }
0x3b: {  	_ =	swait.ge [sflag:s17], $0x7D0  }
0x3c: {  	[sflag:s17] =	ssyncset.done $0x0  }
0x3d: {  	s25 =	simm.s32 $0x2800;
	[sflag:s17] =	ssyncadd.s32 $0xFFFFF830  }
0x3e: {  	[spmem:s3] =	stream.indirect.scatter.add.f32 [tilespmem:s20], [sflag:$0x6], $0x10, s25, s19, $0xb8;
	[tilespmem:$0x11710] =	vst v63  }
0x3f: {  	_ =	swait.ge [sflag:s18], $0x7D0  }
0x40: {  	[sflag:s18] =	ssyncset.done $0x0  }
0x41: {  	s7 =	simm.s32 $0x2880;
	[sflag:s18] =	ssyncadd.s32 $0xFFFFF830  }
0x42: {  	[spmem:s3] =	stream.indirect.scatter.add.f32 [tilespmem:s22], [sflag:$0x7], $0x10, s7, s19, $0xb8;
	[tilespmem:$0x11710] =	vst v63  }
0x43: {  	_ =	swait.ge [sflag:s30], $0x7D0  }
0x44: {  	[sflag:s30] =	ssyncset.done $0x0  }
0x45: {  	s25 =	simm.s32 $0x280;
	[sflag:s30] =	ssyncadd.s32 $0xFFFFF830  }
0x46: {  	[tilespmem:s20], [sflag:$0x1] =	stream.indirect.gather [spmem:s2], $0x10, s25, s19, $0xb8;
	[tilespmem:$0x11710] =	vst v63  }
0x47: {  	_ =	swait.ge [sflag:s14], $0x7D0  }
0x48: {  	[sflag:s14] =	ssyncset.done $0x0  }
0x49: {  	s7 =	simm.s32 $0x2900;
	[sflag:s14] =	ssyncadd.s32 $0xFFFFF830  }
0x4a: {  	[spmem:s3] =	stream.indirect.scatter.add.f32 [tilespmem:s24], [sflag:$0x8], $0x10, s7, s19, $0xb8;
	[tilespmem:$0x11710] =	vst v63  }
0x4b: {  	_ =	swait.ge [sflag:s31], $0x7D0  }
0x4c: {  	[sflag:s31] =	ssyncset.done $0x0  }
0x4d: {  	s25 =	simm.s32 $0x300;
	[sflag:s31] =	ssyncadd.s32 $0xFFFFF830  }
0x4e: {  	[tilespmem:s22], [sflag:$0x2] =	stream.indirect.gather [spmem:s2], $0x10, s25, s19, $0xb8;
	[tilespmem:$0x11710] =	vst v63  }
0x4f: {  	_ =	swait.ge [sflag:s0], $0x7D0  }
0x50: {  	[sflag:s0] =	ssyncset.done $0x0  }
0x51: {  	s7 =	simm.s32 $0x2980;
	[sflag:s0] =	ssyncadd.s32 $0xFFFFF830  }
0x52: {  	[spmem:s3] =	stream.indirect.scatter.add.f32 [tilespmem:s26], [sflag:$0x9], $0x10, s7, s19, $0xb8;
	[tilespmem:$0x11710] =	vst v63  }
0x53: {  	_ =	swait.ge [sflag:s1], $0x7D0  }
0x54: {  	[sflag:s1] =	ssyncset.done $0x0  }
0x55: {  	s25 =	simm.s32 $0x380;
	[sflag:s1] =	ssyncadd.s32 $0xFFFFF830  }
0x56: {  	[tilespmem:s24], [sflag:$0x3] =	stream.indirect.gather [spmem:s2], $0x10, s25, s19, $0xb8;
	[tilespmem:$0x11710] =	vst v63  }
0x57: {  	_ =	swait.ge [sflag:s12], $0x7D0  }
0x58: {  	[sflag:s12] =	ssyncset.done $0x0  }
0x59: {  	s7 =	simm.s32 $0x2A00;
	[sflag:s12] =	ssyncadd.s32 $0xFFFFF830  }
0x5a: {  	[spmem:s3] =	stream.indirect.scatter.add.f32 [tilespmem:s29], [sflag:$0xA], $0x10, s7, s19, $0xb8;
	[tilespmem:$0x11710] =	vst v63  }
0x5b: {  	_ =	swait.ge [sflag:s21], $0x7D0  }
0x5c: {  	[sflag:s21] =	ssyncset.done $0x0  }
0x5d: {  	s25 =	simm.s32 $0x400;
	[sflag:s21] =	ssyncadd.s32 $0xFFFFF830  }
0x5e: {  	[tilespmem:s26], [sflag:$0x4] =	stream.indirect.gather [spmem:s2], $0x10, s25, s19, $0xb8;
	[tilespmem:$0x11710] =	vst v63  }
0x5f: {  	_ =	swait.ge [sflag:s23], $0x7D0  }
0x60: {  	[sflag:s23] =	ssyncset.done $0x0  }
0x61: {  	s6 =	simm.s32 $0x480;
	s25 =	simm.s32 $0xA00;
	[sflag:s23] =	ssyncadd.s32 $0xFFFFF830  }
.LBB2_4:
0x62: {  	[tilespmem:s29], [sflag:$0x5] =	stream.indirect.gather [spmem:s2], $0x10, s6, s19, $0xb8;
	[tilespmem:$0x11710] =	vst v63  }
0x63: {  	s6 =	smov.u32 s25  }
0x64: {  	p0 =	sne.s32 s25, $0x8C00;
	s25 =	sadd.s32 $0xA00, s25;
	_ =	swait.ge [sflag:s17], $0x7D0  }
0x65: {  	s6 =	sshra.s32 s6, $0x2;
	[sflag:s17] =	ssyncset.done $0x0  }
0x66: {  	s7 =	sadd.s32 $0x2800, s6;
	[sflag:s17] =	ssyncadd.s32 $0xFFFFF830  }
0x67: {  	[spmem:s3] =	stream.indirect.scatter.add.f32 [tilespmem:s20], [sflag:$0x6], $0x10, s7, s19, $0xb8;
	[tilespmem:$0x11710] =	vst v63  }
0x68: {  	_ =	swait.ge [sflag:s18], $0x7D0  }
0x69: {  	[sflag:s18] =	ssyncset.done $0x0  }
0x6a: {  	s7 =	sadd.s32 $0x2880, s6;
	[sflag:s18] =	ssyncadd.s32 $0xFFFFF830  }
0x6b: {  	[spmem:s3] =	stream.indirect.scatter.add.f32 [tilespmem:s22], [sflag:$0x7], $0x10, s7, s19, $0xb8;
	[tilespmem:$0x11710] =	vst v63  }
0x6c: {  	_ =	swait.ge [sflag:s30], $0x7D0  }
0x6d: {  	[sflag:s30] =	ssyncset.done $0x0  }
0x6e: {  	s7 =	sadd.s32 $0x280, s6;
	[sflag:s30] =	ssyncadd.s32 $0xFFFFF830  }
0x6f: {  	[tilespmem:s20], [sflag:$0x1] =	stream.indirect.gather [spmem:s2], $0x10, s7, s19, $0xb8;
	[tilespmem:$0x11710] =	vst v63  }
0x70: {  	_ =	swait.ge [sflag:s14], $0x7D0  }
0x71: {  	[sflag:s14] =	ssyncset.done $0x0  }
0x72: {  	s7 =	sadd.s32 $0x2900, s6;
	[sflag:s14] =	ssyncadd.s32 $0xFFFFF830  }
0x73: {  	[spmem:s3] =	stream.indirect.scatter.add.f32 [tilespmem:s24], [sflag:$0x8], $0x10, s7, s19, $0xb8;
	[tilespmem:$0x11710] =	vst v63  }
0x74: {  	_ =	swait.ge [sflag:s31], $0x7D0  }
0x75: {  	[sflag:s31] =	ssyncset.done $0x0  }
0x76: {  	s7 =	sadd.s32 $0x300, s6;
	[sflag:s31] =	ssyncadd.s32 $0xFFFFF830  }
0x77: {  	[tilespmem:s22], [sflag:$0x2] =	stream.indirect.gather [spmem:s2], $0x10, s7, s19, $0xb8;
	[tilespmem:$0x11710] =	vst v63  }
0x78: {  	_ =	swait.ge [sflag:s0], $0x7D0  }
0x79: {  	[sflag:s0] =	ssyncset.done $0x0  }
0x7a: {  	s7 =	sadd.s32 $0x2980, s6;
	[sflag:s0] =	ssyncadd.s32 $0xFFFFF830  }
0x7b: {  	[spmem:s3] =	stream.indirect.scatter.add.f32 [tilespmem:s26], [sflag:$0x9], $0x10, s7, s19, $0xb8;
	[tilespmem:$0x11710] =	vst v63  }
0x7c: {  	_ =	swait.ge [sflag:s1], $0x7D0  }
0x7d: {  	[sflag:s1] =	ssyncset.done $0x0  }
0x7e: {  	s7 =	sadd.s32 $0x380, s6;
	[sflag:s1] =	ssyncadd.s32 $0xFFFFF830  }
0x7f: {  	[tilespmem:s24], [sflag:$0x3] =	stream.indirect.gather [spmem:s2], $0x10, s7, s19, $0xb8;
	[tilespmem:$0x11710] =	vst v63  }
0x80: {  	_ =	swait.ge [sflag:s12], $0x7D0  }
0x81: {  	[sflag:s12] =	ssyncset.done $0x0  }
0x82: {  	s7 =	sadd.s32 $0x2A00, s6;
	[sflag:s12] =	ssyncadd.s32 $0xFFFFF830  }
0x83: {  	[spmem:s3] =	stream.indirect.scatter.add.f32 [tilespmem:s29], [sflag:$0xA], $0x10, s7, s19, $0xb8;
	[tilespmem:$0x11710] =	vst v63  }
0x84: {  	_ =	swait.ge [sflag:s21], $0x7D0  }
0x85: {  	[sflag:s21] =	ssyncset.done $0x0  }
.Ltmp1:
0x86: {  	s7 =	sadd.s32 $0x400, s6;
	[sflag:s21] =	ssyncadd.s32 $0xFFFFF830;
	(pc) =	sbr.rel @p0 .LBB2_4-.Ltmp1, $4  }
0x87: {  	[tilespmem:s26], [sflag:$0x4] =	stream.indirect.gather [spmem:s2], $0x10, s7, s19, $0xb8;
	[tilespmem:$0x11710] =	vst v63  }
0x88: {  	_ =	swait.ge [sflag:s23], $0x7D0  }
0x89: {  	[sflag:s23] =	ssyncset.done $0x0  }
0x8a: {  	s6 =	sadd.s32 $0x480, s6;
	[sflag:s23] =	ssyncadd.s32 $0xFFFFF830  }
0x8b: {  	[tilespmem:s29], [sflag:$0x5] =	stream.indirect.gather [spmem:s2], $0x10, s6, s19, $0xb8;
	[tilespmem:$0x11710] =	vst v63  }
0x8c: {  	_ =	swait.ge [sflag:s17], $0x7D0  }
0x8d: {  	[sflag:s17] =	ssyncset.done $0x0  }
0x8e: {  	s25 =	simm.s32 $0x4D80;
	[sflag:s17] =	ssyncadd.s32 $0xFFFFF830  }
0x8f: {  	[spmem:s3] =	stream.indirect.scatter.add.f32 [tilespmem:s20], [sflag:$0x6], $0x10, s25, s19, $0xb8;
	[tilespmem:$0x11710] =	vst v63  }
0x90: {  	_ =	swait.ge [sflag:s18], $0x7D0  }
0x91: {  	[sflag:s18] =	ssyncset.done $0x0  }
0x92: {  	s7 =	simm.s32 $0x4E00;
	[sflag:s18] =	ssyncadd.s32 $0xFFFFF830  }
0x93: {  	[spmem:s3] =	stream.indirect.scatter.add.f32 [tilespmem:s22], [sflag:$0x7], $0x10, s7, s19, $0xb8;
	[tilespmem:$0x11710] =	vst v63  }
0x94: {  	_ =	swait.ge [sflag:s30], $0x7D0  }
0x95: {  	[sflag:s30] =	ssyncset.done $0x0  }
0x96: {  	[sflag:s30] =	ssyncadd.s32 $0xFFFFF830  }
0x97: {  	_ =	swait.ge [sflag:s14], $0x7D0  }
0x98: {  	[sflag:s14] =	ssyncset.done $0x0  }
0x99: {  	s25 =	simm.s32 $0x4E80;
	[sflag:s14] =	ssyncadd.s32 $0xFFFFF830  }
0x9a: {  	[spmem:s3] =	stream.indirect.scatter.add.f32 [tilespmem:s24], [sflag:$0x8], $0x10, s25, s19, $0xb8;
	[tilespmem:$0x11710] =	vst v63  }
0x9b: {  	_ =	swait.ge [sflag:s31], $0x7D0  }
0x9c: {  	[sflag:s31] =	ssyncset.done $0x0  }
0x9d: {  	[sflag:s31] =	ssyncadd.s32 $0xFFFFF830  }
0x9e: {  	_ =	swait.ge [sflag:s0], $0x7D0  }
0x9f: {  	[sflag:s0] =	ssyncset.done $0x0  }
0xa0: {  	s7 =	simm.s32 $0x4F00;
	[sflag:s0] =	ssyncadd.s32 $0xFFFFF830  }
0xa1: {  	[spmem:s3] =	stream.indirect.scatter.add.f32 [tilespmem:s26], [sflag:$0x9], $0x10, s7, s19, $0xb8;
	[tilespmem:$0x11710] =	vst v63  }
0xa2: {  	_ =	swait.ge [sflag:s1], $0x7D0  }
0xa3: {  	[sflag:s1] =	ssyncset.done $0x0  }
0xa4: {  	[sflag:s1] =	ssyncadd.s32 $0xFFFFF830  }
0xa5: {  	_ =	swait.ge [sflag:s12], $0x7D0  }
0xa6: {  	[sflag:s12] =	ssyncset.done $0x0  }
0xa7: {  	s25 =	simm.s32 $0x4F80;
	[sflag:s12] =	ssyncadd.s32 $0xFFFFF830  }
0xa8: {  	[spmem:s3] =	stream.indirect.scatter.add.f32 [tilespmem:s29], [sflag:$0xA], $0x10, s25, s19, $0xb8;
	[tilespmem:$0x11710] =	vst v63  }
0xa9: {  	_ =	swait.ge [sflag:s21], $0x7D0  }
0xaa: {  	[sflag:s21] =	ssyncset.done $0x0  }
0xab: {  	[sflag:s21] =	ssyncadd.s32 $0xFFFFF830  }
0xac: {  	_ =	swait.ge [sflag:s23], $0x7D0  }
0xad: {  	[sflag:s23] =	ssyncset.done $0x0  }
0xae: {  	[sflag:s23] =	ssyncadd.s32 $0xFFFFF830  }
0xaf: {  	[bflag:$0x0] =	sbarrier.arrive $0xFFFF  }
0xb0: {  	[tilespmem:s16], [sflag:$0xB] =	stream.linear.gather [spmem:s9], $0x2800, $0x38;
	[tilespmem:$0x11710] =	vst v63  }
0xb1: {  	s28 =	sadd.s32 $0x1, s28;
	_ =	swait.ge [sflag:s15], $0x2800  }
0xb2: {  	p0 =	sne.s32 s28, s11;
	[sflag:s15] =	ssyncset.done $0x0  }
.Ltmp2:
0xb3: {  	[sflag:s15] =	ssyncadd.s32 $0xFFFFD800;
	(pc) =	sbr.rel @p0 .LBB2_1-.Ltmp2, $4  }
0xb4: {  	[hbm4b:s10+s4] =	stream.linear.scatter [tilespmem:s16], [sflag:$0xB], $0x2800, $0x38;
	[tilespmem:$0x11710] =	vst v63  }
0xb5: {  	_ =	swait.ge [sflag:s15], $0x2800  }
0xb6: {  	[sflag:s15] =	ssyncset.done $0x0  }
0xb7: {  	[sflag:s15] =	ssyncadd.s32 $0xFFFFD800  }
0xb8: {  	_ =	sfence.sel $0x180000  }
0xb9: {  	[bflag:$0x0] =	sbarrier.arrive $0xFFFF  }
0xba: {  	_ =	strace $0x9000004D  }
0xbb: {  	s0 =	stileid.u32;
	[bflag:$0x2] =	sbarrier.arrive $0xFFFF  }
0xbc: {  	p0 =	sne.s32 s0, $0x0;
	s0 =	rddreg [dreg:$0x4]  }
0xbd: {  	s0 =	sadd.s32 @!p0 $0x100000, s0  }
0xbe: {  	[sflag:s0] =	ssyncadd.tile.s32 @!p0 $0x1;
	_ =	shalt  }
.Lfunc_end2:
_tile_overlayer_lowered:
.L_overlay_start_2:
0xbf: {  	(tag) =	ssettag $0x2  }
0xc0: {  	s0 =	rddreg [dreg:$0x0];
	s2 =	stileid.u32  }
0xc1: {  	s1 =	rddreg [dreg:$0x1];
	p0 =	sne.s32 s2, $0x0  }
0xc2: {  	s3 =	rddreg [dreg:$0x2];
	[bflag:$0x3] =	sbarrier.arrive $0xFFFF;
	s2 =	simm.s32 @!p0 $0x1C0B  }
0xc3: {  	[timem:s3], [sflag:s2] =	dma.local @!p0 [hbm:s0], s1  }
0xc4: {  	s0 =	simm.s32 @!p0 $0xB  }
0xc5: {  	_ =	swait.ge @!p0 [sflag:s0], s1  }
0xc6: {  	s1 =	ssub.s32 @!p0 $0x0, s1;
	[sflag:s0] =	ssyncset.done @!p0 $0x0  }
0xc7: {  	[sflag:s0] =	ssyncadd.s32 @!p0 s1  }
0xc8: {  	[bflag:$0x3] =	sbarrier.arrive $0xFFFF  }
0xc9: {  	_ =	shalt  }

// kernel: kernel.8.cloned.1.call-start
scs
__scs_entry_jumppad:
0x0: {  	(pc) =	sbr.rel $0x88, $3  }
0x1: {  	(tag) =	ssettag $0x0;
	lr =	simm.s32 $0x1  }
0x2: {  	[smem:$0x3F9B] =	sst lr;
	_ =	strace $0xD0000000  }
0x3: {  	_ = 	snop  }
0x4: {  	_ = 	snop  }
0x5: {  	_ = 	snop  }
0x6: {  	_ = 	snop  }
0x7: {  	_ = 	snop  }
__scs_overlays_trampoline_lowered:
0x8: {  	[smem:$0x3FAA] =	sst s0  }
0x9: {  	[smem:$0x3FAB] =	sst s1  }
0xa: {  	[smem:$0x3FAC] =	sst s2  }
0xb: {  	[smem:$0x3FAD] =	sst s3  }
0xc: {  	[smem:$0x3FAE] =	sst s4  }
0xd: {  	[smem:$0x3FAF] =	sst s5  }
0xe: {  	[smem:$0x3FB0] =	sst s6  }
0xf: {  	[smem:$0x3FB1] =	sst s7  }
0x10: {  	[smem:$0x3FB2] =	sst s8  }
0x11: {  	[smem:$0x3FB3] =	sst s9;
	s0 =	simm.s32 @!p0 $0x0  }
0x12: {  	s1 =	sld [smem:$0x3F99];
	s0 =	simm.s32 @p0 $0x1  }
0x13: {  	[smem:$0x3FB4] =	sst s0;
	s0 =	simm.s32 @!p1 $0x0  }
0x14: {  	s2 =	sld [smem:$0x3F98];
	s0 =	simm.s32 @p1 $0x1  }
0x15: {  	[smem:$0x3FB5] =	sst s0;
	s0 =	simm.s32 @!p2 $0x0  }
0x16: {  	s3 =	sld [smem:$0x3FDB];
	s0 =	simm.s32 @p2 $0x1  }
0x17: {  	s4 =	simm.s32 $0x1BF5;
	[smem:$0x3FB7] =	sst s0  }
0x18: {  	s0 =	sld [smem:$0x3F9A];
	_ =	swait.ge [sflag:s4], $0x0  }
0x19: {  	s7 =	sld [smem:$0x3F9B]  }
0x1a: {  	s8 =	sadd.s32 $0xFFFFE003, lr  }
0x1b: {  	s9 =	sadd.s32 $0xFFFFFEF7, lr;
	s5 =	simm.s32 $0xFFFFFFFF;
	p2 =	slt.u32 s8, $0xFFFFF086  }
0x1c: {  	p1 =	slt.u32 s9, $0xF7A;
	s5 =	simm.s32 @!p2 $0x0  }
0x1d: {  	s5 =	simm.s32 @p1 $0x1;
	p0 =	seq.s32 s7, s2  }
0x1e: {  	s7 =	smul.u32 @!p0 $0xF7A, s2;
	p2 =	seq.s32 @!p0 s5, $0x0  }
0x1f: {  	s9 =	smul.u32 $0xF7A, s1;
	s8 =	simm.s32 @!p0 $0x1BF5;
	p2 =	por !p2, p0  }
0x20: {  	[sflag:s8] =	ssyncset.s32 @!p0 $0xFFFFF086;
	s6 =	sadd.s32 @!p0 s3, s7;
	s7 =	simm.s32 @!p0 $0x108  }
0x21: {  	s3 =	sadd.s32 s3, s9;
	s6 =	sadd.s32 @!p0 $0x88, s6;
	s7 =	simm.s32 @p2 $0x1082  }
0x22: {  	[simem:s7], [sflag:s8] =	dma.local @!p0 [hbm:s6], $0xF7A  }
0x23: {  	s9 =	sor.u32 $0xD0000000, s2;
	s6 =	simm.s32 $0x108;
	_ =	swait.ge @!p0 [sflag:s8], $0x0  }
0x24: {  	s3 =	sadd.s32 $0x88, s3;
	s6 =	simm.s32 @!p1 $0x1082;
	[sflag:s4] =	ssyncset.s32 $0xFFFFF086  }
0x25: {  	[simem:s6], [sflag:s4] =	dma.local [hbm:s3], $0xF7A  }
0x26: {  	[smem:$0x3F9B] =	sst s1;
	(tag) =	ssettag s2;
	_ =	strace s9  }
0x27: {  	s1 =	sld [smem:$0x3FAB]  }
0x28: {  	s2 =	sld [smem:$0x3FAC]  }
0x29: {  	s4 =	sld [smem:$0x3FAE]  }
0x2a: {  	p0 =	seq.s32 s5, $0x0;
	s5 =	sld [smem:$0x3FAF]  }
0x2b: {  	s6 =	sld [smem:$0x3FB0]  }
0x2c: {  	s7 =	sld [smem:$0x3FB1]  }
0x2d: {  	s3 =	simm.s32 $0x108;
	s8 =	sld [smem:$0x3FB2]  }
0x2e: {  	s3 =	simm.s32 @!p0 $0x1082;
	s9 =	sld [smem:$0x3FB3]  }
0x2f: {  	lr =	sadd.s32 s0, s3;
	s0 =	sld [smem:$0x3FAA]  }
0x30: {  	s3 =	sld [smem:$0x3FAD]  }
0x31: {  	[smem:$0x3FB6] =	sst s10  }
0x32: {  	s10 =	sld [smem:$0x3FB4];
	_ =	sdelay $0x3  }
0x33: {  	p0 =	seq.s32 s10, $0x1;
	s10 =	sld [smem:$0x3FB6];
	_ =	sdelay $0x3  }
0x34: {  	[smem:$0x3FB6] =	sst s10  }
0x35: {  	s10 =	sld [smem:$0x3FB5];
	_ =	sdelay $0x3  }
0x36: {  	p1 =	seq.s32 s10, $0x1;
	s10 =	sld [smem:$0x3FB6];
	_ =	sdelay $0x3  }
0x37: {  	[smem:$0x3FB6] =	sst s10  }
0x38: {  	s10 =	sld [smem:$0x3FB7]  }
0x39: {  	_ = 	snop;
	(pc) =	sbr.ind lr, $3  }
0x3a: {  	_ = 	snop  }
0x3b: {  	_ = 	snop  }
0x3c: {  	p2 =	seq.s32 s10, $0x1;
	s10 =	sld [smem:$0x3FB6]  }
0x3d: {  	_ =	shalt  }
0x3e: {  	_ =	shalt  }
0x3f: {  	_ =	shalt  }
0x40: {  	_ =	shalt  }
0x41: {  	_ =	shalt  }
0x42: {  	_ =	shalt  }
0x43: {  	_ =	shalt  }
0x44: {  	_ =	shalt  }
0x45: {  	_ =	shalt  }
0x46: {  	_ =	shalt  }
0x47: {  	_ =	shalt  }
0x48: {  	_ =	shalt  }
0x49: {  	_ =	shalt  }
0x4a: {  	_ =	shalt  }
0x4b: {  	_ =	shalt  }
0x4c: {  	_ =	shalt  }
0x4d: {  	_ =	shalt  }
0x4e: {  	_ =	shalt  }
0x4f: {  	_ =	shalt  }
0x50: {  	_ =	shalt  }
0x51: {  	_ =	shalt  }
0x52: {  	_ =	shalt  }
0x53: {  	_ =	shalt  }
0x54: {  	_ =	shalt  }
0x55: {  	_ =	shalt  }
0x56: {  	_ =	shalt  }
0x57: {  	_ =	shalt  }
0x58: {  	_ =	shalt  }
0x59: {  	_ =	shalt  }
0x5a: {  	_ =	shalt  }
0x5b: {  	_ =	shalt  }
0x5c: {  	_ =	shalt  }
0x5d: {  	_ =	shalt  }
0x5e: {  	_ =	shalt  }
0x5f: {  	_ =	shalt  }
0x60: {  	_ =	shalt  }
0x61: {  	_ =	shalt  }
0x62: {  	_ =	shalt  }
0x63: {  	_ =	shalt  }
0x64: {  	_ =	shalt  }
0x65: {  	_ =	shalt  }
0x66: {  	_ =	shalt  }
0x67: {  	_ =	shalt  }
0x68: {  	_ =	shalt  }
0x69: {  	_ =	shalt  }
0x6a: {  	_ =	shalt  }
0x6b: {  	_ =	shalt  }
0x6c: {  	_ =	shalt  }
0x6d: {  	_ =	shalt  }
0x6e: {  	_ =	shalt  }
0x6f: {  	_ =	shalt  }
0x70: {  	_ =	shalt  }
0x71: {  	_ =	shalt  }
0x72: {  	_ =	shalt  }
0x73: {  	_ =	shalt  }
0x74: {  	_ =	shalt  }
0x75: {  	_ =	shalt  }
0x76: {  	_ =	shalt  }
0x77: {  	_ =	shalt  }
0x78: {  	_ =	shalt  }
0x79: {  	_ =	shalt  }
0x7a: {  	_ =	shalt  }
0x7b: {  	_ =	shalt  }
0x7c: {  	_ =	shalt  }
0x7d: {  	_ =	shalt  }
0x7e: {  	_ =	shalt  }
0x7f: {  	_ =	shalt  }
0x80: {  	_ =	shalt  }
0x81: {  	_ =	shalt  }
0x82: {  	_ =	shalt  }
0x83: {  	_ =	shalt  }
0x84: {  	_ =	shalt  }
0x85: {  	_ =	shalt  }
0x86: {  	_ =	shalt  }
0x87: {  	_ =	shalt  }
.Lfunc_end0:
.L_simem_size_0:
called_computation_lowered:
.L_overlay_start_0:
0x88: {  	s2 =	sld [smem:$0x3FD9]  }
0x89: {  	s3 =	sld [smem:$0x3FFE];
	_ =	sdelay $0x1  }
0x8a: {  	s1 =	srdreg.scid  }
0x8b: {  	s0 =	sand.u32 $0x1, s1  }
0x8c: {  	s17 =	sshll.u32 s0, $0xA;
	s2 =	sadd.s32 s3, s2  }
0x8d: {  	s2 =	sadd.s32 s2, s17  }
0x8e: {  	[smem:$0x3FC2] =	sst s2  }
0x8f: {  	_ = 	snop  }
0x90: {  	s2 =	sld [smem:$0x3FD0];
	(tm) =	ssettm $0x1  }
0x91: {  	s18 =	sld [smem:$0x3FFB];
	_ =	sdelay $0x3  }
0x92: {  	_ =	strace s18  }
0x93: {  	s3 =	sld [smem:$0x3FFC];
	_ =	sdelay $0x3  }
0x94: {  	_ =	strace s3  }
0x95: {  	s3 =	sld [smem:$0x3FFD];
	_ =	sdelay $0x3  }
0x96: {  	_ =	strace s3  }
0x97: {  	_ =	strace $0x8FFFFFFF  }
0x98: {  	s19 =	sld [smem:$0x3FDB];
	_ =	sdelay $0x1  }
0x99: {  	s4 =	simm.s32 $_scs_section_size  }
0x9a: {  	s5 =	simm.s32 $_size__tile_overlayer_lowered;
	s6 =	simm.s32 $_tile_overlayer_lowered  }
0x9b: {  	s22 =	simm.s32 $0x1BFF;
	s21 =	sshll.u32 s6, $0x1;
	s3 =	sadd.s32 s4, s19  }
0x9c: {  	s7 =	simm.s32 $0x0;
	s20 =	sshll.u32 s5, $0x1;
	s5 =	sadd.s32 s21, s3  }
0x9d: {  	[timem:s7], [sflag:s22] =	dma.local [hbm:s5], s20  }
0x9e: {  	_ =	swait.ge [sflag:s22], s20  }
0x9f: {  	s4 =	ssub.s32 $0x0, s20;
	[sflag:s22] =	ssyncset.done $0x0  }
0xa0: {  	[sflag:s22] =	ssyncadd.s32 s4;
	_ =	sdelay $0x1  }
0xa1: {  	s23 =	simm.s32 $0x1B8B  }
0xa2: {  	_ =	swait.ge [sflag:s23], $0x1  }
0xa3: {  	[sflag:s23] =	ssyncset.done $0x0  }
0xa4: {  	s25 =	simm.s32 $0x1B8E;
	s24 =	sld [smem:$0x3FFE];
	[sflag:s23] =	ssyncadd.s32 $0xFFFFFFFF  }
0xa5: {  	s26 =	simm.s32 $execute0_lowered;
	[smem:$0x3FD2] =	sst s25  }
0xa6: {  	s5 =	sshll.u32 s26, $0x1;
	_ =	strace $0x80000046;
	[dreg:$0x1] =	wrdreg $0xFFFFFFFF  }
0xa7: {  	s28 =	simm.s32 $_size_execute0_lowered;
	s3 =	sadd.s32 s3, s5;
	[dreg:$0x0] =	wrdreg $0x0  }
0xa8: {  	s5 =	sshll.u32 s28, $0x1;
	[dreg:$0x2] =	wrdreg s3  }
0xa9: {  	[dreg:$0x3] =	wrdreg s5  }
0xaa: {  	[dreg:$0x4] =	wrdreg $0xC0  }
0xab: {  	_ =	task [dreg:s7], $0x5FFFF  }
0xac: {  	[dreg:$0x1] =	wrdreg $0xFFFFFFFF  }
0xad: {  	[dreg:$0x0] =	wrdreg $0x60  }
0xae: {  	[dreg:$0x2] =	wrdreg s2  }
0xaf: {  	[dreg:$0x3] =	wrdreg s24  }
0xb0: {  	[dreg:$0x4] =	wrdreg $0x57D00  }
0xb1: {  	[dreg:$0x5] =	wrdreg $0x9  }
0xb2: {  	_ =	task.clear_ibuf [dreg:s7], $0x6FFFF;
	_ =	strace $0x90000046  }
0xb3: {  	s29 =	simm.s32 $0x9;
	_ =	strace $0x80000048  }
0xb4: {  	_ =	swait.ge [sflag:s29], $0x1  }
0xb5: {  	[sflag:s29] =	ssyncadd.s32 $0xFFFFFFFF  }
0xb6: {  	_ =	strace $0x90000048  }
0xb7: {  	_ =	sfence  }
0xb8: {  	s30 =	sld [smem:$0x0];
	_ =	sdelay $0x2  }
0xb9: {  	s31 =	sshll.u32 s1, $0xD;
	s1 =	sshrl.u32 s1, $0x2  }
0xba: {  	s3 =	sand.u32 $0x4000, s31;
	s1 =	sadd.s32 s1, s30  }
0xbb: {  	s0 =	sor.u32 s3, s0;
	s1 =	sshll.u32 s1, $0x11  }
0xbc: {  	s0 =	sor.u32 s1, s0  }
0xbd: {  	s0 =	sadd.s32 $0x8F2B, s0  }
0xbe: {  	[sflag:s0] =	ssyncadd.remote.s32 $0x1  }
0xbf: {  	_ =	sfence.sel $0xFFFF  }
0xc0: {  	[dreg:$0x0] =	wrdreg $0xFFFFFFFF;
	(pc) =	sbr.abs _section_cstart, $3  }
0xc1: {  	[dreg:$0x1] =	wrdreg $0xFFFFFFFF  }
0xc2: {  	_ =	task.clear_ibuf [dreg:s7], $0x2FFFF;
	_ =	strace $0x9FFFFFFF  }
0xc3: {  	(tm) =	ssettm $0x7FFFFFFF  }
tec
execute0_lowered:
.L_overlay_start_1:
0x0: {  	(tag) =	ssettag $0x1  }
0x1: {  	s4 =	rddreg [dreg:$0x0]  }
0x2: {  	s5 =	rddreg [dreg:$0x1]  }
0x3: {  	s2 =	rddreg [dreg:$0x2]  }
0x4: {  	s0 =	rddreg [dreg:$0x3];
	s3 =	srdreg.scid  }
0x5: {  	s1 =	stileid.u32;
	s11 =	simm.s32 $0x7D;
	s12 =	simm.s32 $0x2800  }
0x6: {  	s13 =	simm.s32 $0x80;
	s14 =	simm.s32 $0x100;
	s15 =	simm.s32 $0x180  }
0x7: {  	s16 =	simm.s32 $0x200;
	s17 =	simm.s32 $0x2;
	s18 =	simm.s32 $0x3  }
0x8: {  	s19 =	simm.s32 $0x4;
	s20 =	simm.s32 $0x5;
	s21 =	simm.s32 $0x0  }
0x9: {  	s6 =	sand.u32 $0x1, s3;
	s7 =	smul.u32 $0x2800, s1;
	s8 =	sshll.u32 s1, $0x1  }
0xa: {  	s3 =	simm.s32 $0x0;
	s9 =	smul.u32 $0x28000, s6;
	s8 =	sor.u32 s6, s8  }
0xb: {  	[smem:$0x7FF] =	sst s3;
	s6 =	ssub.s32 $0x2, s6;
	s8 =	smul.u32 $0x2800, s8  }
0xc: {  	_ =	strace $0x80000047;
	s10 =	sshrl.u32 s6, $0x1;
	s9 =	sadd.s32 s7, s9  }
0xd: {  	s10 =	ssub.s32 s6, s10;
	s9 =	sshrl.u32 s9, $0x3;
	s8 =	sshrl.u32 s8, $0x3  }
0xe: {  	s9 =	sadd.s32 s9, s5;
	s4 =	sadd.s32 s4, s8;
	s5 =	sadd.s32 s7, s2  }
0xf: {  	s7 =	smax.u32 s10, $0x1;
	s8 =	simm.s32 $0x2FD0;
	s10 =	simm.s32 $0x1  }
0x10: {  	v0 =	vimm.f32 $1.000000000e+00;
	v1 =	vimm.f32 $0.0e+00;
	s4 =	sadd.s32 $0xA000, s4;
	s6 =	sadd.s32 $0x2C00, s9;
	s9 =	simm.s32 $0x6  }
.LBB2_1:
0x11: {  	[tilespmem:s3], [sflag:$0x1] =	stream.linear.gather [hbm4b:s4+s3], $0x2800, $0x38;
	[tilespmem:$0x7FD0] =	vst v63  }
0x12: {  	s22 =	simm.s32 $0x0  }
.LBB2_2:
0x13: {  	p0 =	sne.s32 s22, $0x1F00  }
.Ltmp0:
0x14: {  	_ = 	snop;
	(pc) =	sbr.rel @p0 .LBB2_2-.Ltmp0, $3  }
0x15: {  	_ =	sdelay $0x1  }
0x16: {  	s23 =	sshra.s32 s22, $0x2  }
0x17: {  	s22 =	sadd.s32 $0x40, s22;
	[tilespmem:s23+$0x2800] =	vst v0  }
0x18: {  	s22 =	simm.s32 $0x40;
	s23 =	simm.s32 $0x0  }
.LBB2_4:
0x19: {  	p0 =	sne.s32 s22, $0x9FC0;
	[tilespmem:s23+$0x2FD0] =	vst v1;
	s23 =	smov.u32 s22;
	s22 =	sadd.s32 $0x40, s22  }
.Ltmp1:
0x1a: {  	(pc) =	sbr.rel @p0 .LBB2_4-.Ltmp1, $2  }
0x1b: {  	_ =	sdelay $0x2  }
0x1c: {  	s23 =	sshra.s32 s23, $0x2  }
0x1d: {  	[tilespmem:s23+$0x2FD0] =	vst v1  }
0x1e: {  	[spmem:s5] =	stream.linear.scatter [tilespmem:s8], [sflag:$0x6], $0x2800, $0x38;
	[tilespmem:$0x7FD0] =	vst v63  }
0x1f: {  	_ =	swait.ge [sflag:s9], $0x2800  }
0x20: {  	[sflag:s9] =	ssyncset.done $0x0  }
0x21: {  	[sflag:s9] =	ssyncadd.s32 $0xFFFFD800  }
0x22: {  	_ =	swait.ge [sflag:s10], $0x2800  }
0x23: {  	[sflag:s10] =	ssyncset.done $0x0  }
0x24: {  	[sflag:s10] =	ssyncadd.s32 $0xFFFFD800  }
0x25: {  	[bflag:$0x0] =	sbarrier.arrive $0xFFFF  }
0x26: {  	[spmem:s2] =	stream.indirect.scatter.add.f32 [tilespmem:s12], [sflag:$0x1], $0x10, s3, s11, $0xb8;
	[tilespmem:$0x7FD0] =	vst v63  }
0x27: {  	_ = 	snop  }
0x28: {  	[spmem:s2] =	stream.indirect.scatter.add.f32 [tilespmem:s12], [sflag:$0x2], $0x10, s13, s11, $0xb8;
	[tilespmem:$0x7FD0] =	vst v63  }
0x29: {  	_ = 	snop  }
0x2a: {  	[spmem:s2] =	stream.indirect.scatter.add.f32 [tilespmem:s12], [sflag:$0x3], $0x10, s14, s11, $0xb8;
	[tilespmem:$0x7FD0] =	vst v63  }
0x2b: {  	_ = 	snop  }
0x2c: {  	[spmem:s2] =	stream.indirect.scatter.add.f32 [tilespmem:s12], [sflag:$0x4], $0x10, s15, s11, $0xb8;
	[tilespmem:$0x7FD0] =	vst v63  }
0x2d: {  	_ = 	snop  }
0x2e: {  	[spmem:s2] =	stream.indirect.scatter.add.f32 [tilespmem:s12], [sflag:$0x5], $0x10, s16, s11, $0xb8;
	[tilespmem:$0x7FD0] =	vst v63  }
0x2f: {  	_ =	swait.ge [sflag:s10], $0x7D0  }
0x30: {  	[sflag:s10] =	ssyncset.done $0x0  }
0x31: {  	s22 =	simm.s32 $0x280;
	[sflag:s10] =	ssyncadd.s32 $0xFFFFF830  }
0x32: {  	[spmem:s2] =	stream.indirect.scatter.add.f32 [tilespmem:s12], [sflag:$0x1], $0x10, s22, s11, $0xb8;
	[tilespmem:$0x7FD0] =	vst v63  }
0x33: {  	_ =	swait.ge [sflag:s17], $0x7D0  }
0x34: {  	[sflag:s17] =	ssyncset.done $0x0  }
0x35: {  	s29 =	simm.s32 $0x300;
	[sflag:s17] =	ssyncadd.s32 $0xFFFFF830  }
0x36: {  	[spmem:s2] =	stream.indirect.scatter.add.f32 [tilespmem:s12], [sflag:$0x2], $0x10, s29, s11, $0xb8;
	[tilespmem:$0x7FD0] =	vst v63  }
0x37: {  	_ =	swait.ge [sflag:s18], $0x7D0  }
0x38: {  	[sflag:s18] =	ssyncset.done $0x0  }
0x39: {  	s30 =	simm.s32 $0x380;
	[sflag:s18] =	ssyncadd.s32 $0xFFFFF830  }
0x3a: {  	[spmem:s2] =	stream.indirect.scatter.add.f32 [tilespmem:s12], [sflag:$0x3], $0x10, s30, s11, $0xb8;
	[tilespmem:$0x7FD0] =	vst v63  }
0x3b: {  	_ =	swait.ge [sflag:s19], $0x7D0  }
0x3c: {  	[sflag:s19] =	ssyncset.done $0x0  }
0x3d: {  	s31 =	simm.s32 $0x400;
	[sflag:s19] =	ssyncadd.s32 $0xFFFFF830  }
0x3e: {  	[spmem:s2] =	stream.indirect.scatter.add.f32 [tilespmem:s12], [sflag:$0x4], $0x10, s31, s11, $0xb8;
	[tilespmem:$0x7FD0] =	vst v63  }
0x3f: {  	_ =	swait.ge [sflag:s20], $0x7D0  }
0x40: {  	[sflag:s20] =	ssyncset.done $0x0  }
0x41: {  	s23 =	simm.s32 $0x480;
	s22 =	simm.s32 $0xFFFF7400;
	[sflag:s20] =	ssyncadd.s32 $0xFFFFF830  }
.LBB2_6:
0x42: {  	[spmem:s2] =	stream.indirect.scatter.add.f32 [tilespmem:s12], [sflag:$0x5], $0x10, s23, s11, $0xb8;
	[tilespmem:$0x7FD0] =	vst v63  }
0x43: {  	s23 =	smov.u32 s22  }
0x44: {  	p0 =	sne.s32 s22, $0xFFFFF600;
	s22 =	sadd.s32 $0xA00, s22;
	_ =	swait.ge [sflag:s10], $0x7D0  }
0x45: {  	s23 =	sshra.s32 s23, $0x2;
	[sflag:s10] =	ssyncset.done $0x0  }
0x46: {  	s24 =	sadd.s32 $0x2800, s23;
	[sflag:s10] =	ssyncadd.s32 $0xFFFFF830  }
0x47: {  	[spmem:s2] =	stream.indirect.scatter.add.f32 [tilespmem:s12], [sflag:$0x1], $0x10, s24, s11, $0xb8;
	[tilespmem:$0x7FD0] =	vst v63  }
0x48: {  	_ =	swait.ge [sflag:s17], $0x7D0  }
0x49: {  	[sflag:s17] =	ssyncset.done $0x0  }
0x4a: {  	s24 =	sadd.s32 $0x2880, s23;
	[sflag:s17] =	ssyncadd.s32 $0xFFFFF830  }
0x4b: {  	[spmem:s2] =	stream.indirect.scatter.add.f32 [tilespmem:s12], [sflag:$0x2], $0x10, s24, s11, $0xb8;
	[tilespmem:$0x7FD0] =	vst v63  }
0x4c: {  	_ =	swait.ge [sflag:s18], $0x7D0  }
0x4d: {  	[sflag:s18] =	ssyncset.done $0x0  }
0x4e: {  	s24 =	sadd.s32 $0x2900, s23;
	[sflag:s18] =	ssyncadd.s32 $0xFFFFF830  }
0x4f: {  	[spmem:s2] =	stream.indirect.scatter.add.f32 [tilespmem:s12], [sflag:$0x3], $0x10, s24, s11, $0xb8;
	[tilespmem:$0x7FD0] =	vst v63  }
0x50: {  	_ =	swait.ge [sflag:s19], $0x7D0  }
0x51: {  	[sflag:s19] =	ssyncset.done $0x0  }
.Ltmp2:
0x52: {  	s24 =	sadd.s32 $0x2980, s23;
	[sflag:s19] =	ssyncadd.s32 $0xFFFFF830;
	(pc) =	sbr.rel @p0 .LBB2_6-.Ltmp2, $4  }
0x53: {  	[spmem:s2] =	stream.indirect.scatter.add.f32 [tilespmem:s12], [sflag:$0x4], $0x10, s24, s11, $0xb8;
	[tilespmem:$0x7FD0] =	vst v63  }
0x54: {  	_ =	swait.ge [sflag:s20], $0x7D0  }
0x55: {  	[sflag:s20] =	ssyncset.done $0x0  }
0x56: {  	s23 =	sadd.s32 $0x2A00, s23;
	[sflag:s20] =	ssyncadd.s32 $0xFFFFF830  }
0x57: {  	[spmem:s2] =	stream.indirect.scatter.add.f32 [tilespmem:s12], [sflag:$0x5], $0x10, s23, s11, $0xb8;
	[tilespmem:$0x7FD0] =	vst v63  }
0x58: {  	_ =	swait.ge [sflag:s10], $0x7D0  }
0x59: {  	[sflag:s10] =	ssyncset.done $0x0  }
0x5a: {  	[sflag:s10] =	ssyncadd.s32 $0xFFFFF830  }
0x5b: {  	_ =	swait.ge [sflag:s17], $0x7D0  }
0x5c: {  	[sflag:s17] =	ssyncset.done $0x0  }
0x5d: {  	[sflag:s17] =	ssyncadd.s32 $0xFFFFF830  }
0x5e: {  	_ =	swait.ge [sflag:s18], $0x7D0  }
0x5f: {  	[sflag:s18] =	ssyncset.done $0x0  }
0x60: {  	[sflag:s18] =	ssyncadd.s32 $0xFFFFF830  }
0x61: {  	_ =	swait.ge [sflag:s19], $0x7D0  }
0x62: {  	[sflag:s19] =	ssyncset.done $0x0  }
0x63: {  	[sflag:s19] =	ssyncadd.s32 $0xFFFFF830  }
0x64: {  	_ =	swait.ge [sflag:s20], $0x7D0  }
0x65: {  	[sflag:s20] =	ssyncset.done $0x0  }
0x66: {  	[sflag:s20] =	ssyncadd.s32 $0xFFFFF830  }
0x67: {  	[bflag:$0x0] =	sbarrier.arrive $0xFFFF  }
0x68: {  	[tilespmem:s8], [sflag:$0x6] =	stream.linear.gather [spmem:s5], $0x2800, $0x38;
	[tilespmem:$0x7FD0] =	vst v63  }
0x69: {  	s21 =	sadd.s32 $0x1, s21;
	_ =	swait.ge [sflag:s9], $0x2800  }
0x6a: {  	p0 =	sne.s32 s21, s7;
	[sflag:s9] =	ssyncset.done $0x0  }
.Ltmp3:
0x6b: {  	[sflag:s9] =	ssyncadd.s32 $0xFFFFD800;
	(pc) =	sbr.rel @p0 .LBB2_1-.Ltmp3, $4  }
0x6c: {  	[hbm4b:s6+s3] =	stream.linear.scatter [tilespmem:s8], [sflag:$0x6], $0x2800, $0x38;
	[tilespmem:$0x7FD0] =	vst v63  }
0x6d: {  	_ =	swait.ge [sflag:s9], $0x2800  }
0x6e: {  	[sflag:s9] =	ssyncset.done $0x0  }
0x6f: {  	[sflag:s9] =	ssyncadd.s32 $0xFFFFD800  }
0x70: {  	_ =	sfence.sel $0x180000  }
0x71: {  	[bflag:$0x0] =	sbarrier.arrive $0xFFFF  }
0x72: {  	p0 =	sne.s32 s1, $0x0;
	_ =	strace $0x90000047  }
0x73: {  	s0 =	sadd.s32 @!p0 $0x100000, s0;
	[bflag:$0x2] =	sbarrier.arrive $0xFFFF  }
0x74: {  	[sflag:s0] =	ssyncadd.tile.s32 @!p0 $0x1;
	_ =	shalt  }
.Lfunc_end2:
_tile_overlayer_lowered:
.L_overlay_start_2:
0x75: {  	(tag) =	ssettag $0x2  }
0x76: {  	s0 =	rddreg [dreg:$0x0];
	s2 =	stileid.u32  }
0x77: {  	s1 =	rddreg [dreg:$0x1];
	p0 =	sne.s32 s2, $0x0  }
0x78: {  	s3 =	rddreg [dreg:$0x2];
	[bflag:$0x3] =	sbarrier.arrive $0xFFFF;
	s2 =	simm.s32 @!p0 $0x1C06  }
0x79: {  	[timem:s3], [sflag:s2] =	dma.local @!p0 [hbm:s0], s1  }
0x7a: {  	s0 =	simm.s32 @!p0 $0x6  }
0x7b: {  	_ =	swait.ge @!p0 [sflag:s0], s1  }
0x7c: {  	s1 =	ssub.s32 @!p0 $0x0, s1;
	[sflag:s0] =	ssyncset.done @!p0 $0x0  }
0x7d: {  	[sflag:s0] =	ssyncadd.s32 @!p0 s1  }
0x7e: {  	[bflag:$0x3] =	sbarrier.arrive $0xFFFF  }
0x7f: {  	_ =	shalt  }

</sc_bundles>
